<compile_context>
chip_gen: v7x
topology: tpu7x:2x2x1
jax: 0.10.2.dev20260603
libtpu: 0.0.44.dev20260713+nightly
codegen_flags: <defaults>
</compile_context>

<pallas_src>
import functools

import jax
import jax.numpy as jnp
from jax import lax
from jax.experimental import pallas as pl
from jax.experimental.pallas import tpu as pltpu
from jax.experimental.pallas import tpu_sc as plsc

N = 10000
E = 320000
NP = 10112
NC, NS = 2, 16
NW = NC * NS
CB = 128
NB = 8
NCHUNK = 80
NOUT = NCHUNK // NB
EP = NW * CB * NCHUNK
RPT = NP // NS
PAD_DST = N + 8

_mesh = plsc.VectorSubcoreMesh(core_axis_name="c", subcore_axis_name="s")


def _make_deg_kernel():

    @functools.partial(
        pl.kernel,
        out_type=jax.ShapeDtypeStruct((NC, NP, 16), jnp.float32),
        mesh=_mesh,
        scratch_types=[
            pltpu.VMEM((NCHUNK, CB), jnp.int32),
            pltpu.VMEM((CB, 16), jnp.float32),
            pltpu.VMEM_SHARED((NP, 16), jnp.float32),
        ],
        compiler_params=pltpu.CompilerParams(use_tc_tiling_on_sc=False),
    )
    def k(dst_hbm, ones_hbm, zeros_hbm, out_hbm, didx, rows, acc):
        c = lax.axis_index("c")
        s = lax.axis_index("s")
        wid = s * NC + c
        pltpu.sync_copy(zeros_hbm.at[pl.ds(s * RPT, RPT)],
                        acc.at[pl.ds(s * RPT, RPT)])
        pltpu.sync_copy(dst_hbm.at[wid], didx)
        pltpu.sync_copy(ones_hbm, rows)
        plsc.subcore_barrier()

        def body(j, carry):
            pltpu.sync_copy(rows, acc.at[didx.at[j]], add=True)
            return carry

        lax.fori_loop(0, NCHUNK, body, 0)
        plsc.subcore_barrier()
        pltpu.sync_copy(acc.at[pl.ds(s * RPT, RPT)],
                        out_hbm.at[c, pl.ds(s * RPT, RPT)])

    return k


def _make_edge_kernel(D):

    @functools.partial(
        pl.kernel,
        out_type=jax.ShapeDtypeStruct((NC, NP, D), jnp.float32),
        mesh=_mesh,
        scratch_types=[
            pltpu.VMEM((NCHUNK, CB), jnp.int32),
            pltpu.VMEM((NCHUNK, CB), jnp.int32),
            pltpu.VMEM_SHARED((NP, D), jnp.float32),
        ] + [pltpu.VMEM((CB, D), jnp.float32)] * NB
          + [pltpu.SemaphoreType.DMA] * (2 * NB),
        compiler_params=pltpu.CompilerParams(use_tc_tiling_on_sc=False),
    )
    def k(src_hbm, dst_hbm, g_hbm, zeros_hbm, out_hbm, sidx, didx, acc,
          *rest):
        bufs = rest[:NB]
        sem_g = rest[NB:2 * NB]
        sem_s = rest[2 * NB:]
        c = lax.axis_index("c")
        s = lax.axis_index("s")
        wid = s * NC + c
        pltpu.sync_copy(zeros_hbm.at[pl.ds(s * RPT, RPT)],
                        acc.at[pl.ds(s * RPT, RPT)])
        pltpu.sync_copy(src_hbm.at[wid], sidx)
        pltpu.sync_copy(dst_hbm.at[wid], didx)
        plsc.subcore_barrier()

        for b in range(NB):
            pltpu.async_copy(g_hbm.at[sidx.at[b]], bufs[b], sem_g[b])

        def body(t, carry):
            for b in range(NB):
                j = t * NB + b
                pltpu.make_async_copy(g_hbm.at[sidx.at[j]], bufs[b],
                                      sem_g[b]).wait()
                pltpu.async_copy(bufs[b], acc.at[didx.at[j]], sem_s[b],
                                 add=True)
            for b in range(NB):
                j = t * NB + b
                jn = lax.rem(j + NB, NCHUNK)
                pltpu.make_async_copy(bufs[b], acc.at[didx.at[j]],
                                      sem_s[b]).wait()
                pltpu.async_copy(g_hbm.at[sidx.at[jn]], bufs[b], sem_g[b])
            return carry

        lax.fori_loop(0, NOUT, body, 0)
        for b in range(NB):
            pltpu.make_async_copy(g_hbm.at[sidx.at[b]], bufs[b],
                                  sem_g[b]).wait()
        plsc.subcore_barrier()
        pltpu.sync_copy(acc.at[pl.ds(s * RPT, RPT)],
                        out_hbm.at[c, pl.ds(s * RPT, RPT)])

    return k


_deg_kernel = _make_deg_kernel()
_edge16_kernel = _make_edge_kernel(16)


_BR = 1000
_GRID = N // _BR


def _tc1_body(degacc_ref, x_ref, w1_ref, dinv_ref, g1_ref):
    deg = degacc_ref[0, :, 0:1] + degacc_ref[1, :, 0:1] + 1.0
    dinv = lax.rsqrt(deg)
    dinv_ref[...] = dinv
    h = jnp.dot(x_ref[...], w1_ref[...], preferred_element_type=jnp.float32)
    g1_ref[...] = h * dinv


def _tc2_body(acc_ref, g1_ref, dinv_ref, b1_ref, g2_ref):
    dinv = dinv_ref[...]
    h1 = dinv * (acc_ref[0] + acc_ref[1] + g1_ref[...]) + b1_ref[...]
    h1 = jnp.maximum(h1, 0.0)
    g2_ref[...] = h1 * dinv


def _tc3_body(acc_ref, g2_ref, dinv_ref, w2_ref, b2_ref, fw1_ref, fb1_ref,
              fw2_ref, fb2_ref, fw3_ref, fb3_ref, out_ref):
    dinv = dinv_ref[...]
    agg = dinv * (acc_ref[0] + acc_ref[1] + g2_ref[...])
    h = jnp.dot(agg, w2_ref[...], preferred_element_type=jnp.float32)
    h = jnp.maximum(h + b2_ref[...], 0.0)
    h = jnp.dot(h, fw1_ref[...], preferred_element_type=jnp.float32)
    h = jnp.maximum(h + fb1_ref[...], 0.0)
    h = jnp.dot(h, fw2_ref[...], preferred_element_type=jnp.float32)
    h = jnp.maximum(h + fb2_ref[...], 0.0)
    h = jnp.dot(h, fw3_ref[...], preferred_element_type=jnp.float32)
    out_ref[...] = h + fb3_ref[...]


def _row_spec(d):
    return pl.BlockSpec((_BR, d), lambda i: (i, 0))


def _acc_spec(d):
    return pl.BlockSpec((NC, _BR, d), lambda i: (0, i, 0))


def _full_spec(shape):
    return pl.BlockSpec(shape, lambda i: tuple(0 for _ in shape))


def kernel(x, edge_index, W1, b1, W2, b2, fW1, fb1, fW2, fb2, fW3, fb3):
    src = edge_index[0].astype(jnp.int32)
    dst = edge_index[1].astype(jnp.int32)
    pad = EP - E
    src = jnp.concatenate([src, jnp.zeros((pad,), jnp.int32)])
    dst = jnp.concatenate([dst, jnp.full((pad,), PAD_DST, jnp.int32)])
    src = src.reshape(NW, NCHUNK, CB)
    dst = dst.reshape(NW, NCHUNK, CB)

    ones16 = jnp.ones((CB, 16), jnp.float32)
    z16 = jnp.zeros((NP, 16), jnp.float32)

    degacc = _deg_kernel(dst, ones16, z16)

    dinv, g1 = pl.pallas_call(
        _tc1_body,
        grid=(_GRID,),
        in_specs=[_acc_spec(16), _row_spec(128), _full_spec((128, 16))],
        out_specs=[_row_spec(1), _row_spec(16)],
        out_shape=[
            jax.ShapeDtypeStruct((N, 1), jnp.float32),
            jax.ShapeDtypeStruct((N, 16), jnp.float32),
        ],
    )(degacc, x, W1)

    acc1 = _edge16_kernel(src, dst, g1, z16)

    g2 = pl.pallas_call(
        _tc2_body,
        grid=(_GRID,),
        in_specs=[_acc_spec(16), _row_spec(16), _row_spec(1),
                  _full_spec((1, 16))],
        out_specs=_row_spec(16),
        out_shape=jax.ShapeDtypeStruct((N, 16), jnp.float32),
    )(acc1, g1, dinv, b1.reshape(1, 16))

    acc2 = _edge16_kernel(src, dst, g2, z16)

    out = pl.pallas_call(
        _tc3_body,
        grid=(_GRID,),
        in_specs=[_acc_spec(16), _row_spec(16), _row_spec(1),
                  _full_spec((16, 32)),
                  _full_spec((1, 32)), _full_spec((32, 64)),
                  _full_spec((1, 64)), _full_spec((64, 32)),
                  _full_spec((1, 32)), _full_spec((32, 40)),
                  _full_spec((1, 40))],
        out_specs=_row_spec(40),
        out_shape=jax.ShapeDtypeStruct((N, 40), jnp.float32),
    )(acc2, g2, dinv, W2, b2.reshape(1, 32), fW1, fb1.reshape(1, 64), fW2,
      fb2.reshape(1, 32), fW3, fb3.reshape(1, 40))

    return out

# --- scband reference (transcript-rebuilt; emitter-appended) ---
"""Pipeline reference for scband-gnn-63625645522954 (READ-ONLY COPY).

The authoritative reference and input builder live on the scoring server;
editing this copy changes nothing except your own understanding.
"""

import jax, jax.numpy as jnp
import numpy as np

N_NODES = 10000
N_EDGES = 320000
F_IN = 128
NUM_CLASSES = 40


def setup_inputs(seed: int = 0) -> dict:
    key = jax.random.key(seed)
    ks = jax.random.split(key, 16)
    x = jax.random.normal(ks[0], (N_NODES, F_IN), dtype=jnp.float32)
    edge_index = jax.random.randint(ks[1], (2, N_EDGES), 0, N_NODES, dtype=jnp.int64)
    def glorot(k, shape):
        lim = float(np.sqrt(6.0 / (shape[0] + shape[1])))
        return jax.random.uniform(k, shape, dtype=jnp.float32, minval=-lim, maxval=lim)
    W1 = glorot(ks[2], (F_IN, 16)); b1 = jnp.zeros((16,), jnp.float32)
    W2 = glorot(ks[3], (16, 32)); b2 = jnp.zeros((32,), jnp.float32)
    fW1 = glorot(ks[4], (32, 64)); fb1 = jnp.zeros((64,), jnp.float32)
    fW2 = glorot(ks[5], (64, 32)); fb2 = jnp.zeros((32,), jnp.float32)
    fW3 = glorot(ks[6], (32, NUM_CLASSES)); fb3 = jnp.zeros((NUM_CLASSES,), jnp.float32)
    return {"x": x, "edge_index": edge_index, "W1": W1, "b1": b1, "W2": W2, "b2": b2,
            "fW1": fW1, "fb1": fb1, "fW2": fW2, "fb2": fb2, "fW3": fW3, "fb3": fb3}


def _gcn_conv(x, edge_index, W, b, num_nodes):
    # GCNConv: x' = D^{-1/2} (A + I) D^{-1/2} X W + b
    src = edge_index[0]
    dst = edge_index[1]
    loop = jnp.arange(num_nodes, dtype=src.dtype)
    src = jnp.concatenate([src, loop])
    dst = jnp.concatenate([dst, loop])
    deg = jnp.zeros((num_nodes,), x.dtype).at[dst].add(1.0)
    dinv = jnp.where(deg > 0, jax.lax.rsqrt(deg), 0.0)
    norm = dinv[src] * dinv[dst]
    h = x @ W
    msg = h[src] * norm[:, None]
    out = jnp.zeros((num_nodes, W.shape[1]), x.dtype).at[dst].add(msg)
    return out + b


def reference(x, edge_index, W1, b1, W2, b2, fW1, fb1, fW2, fb2, fW3, fb3):
    n = x.shape[0]
    h = _gcn_conv(x, edge_index, W1, b1, n)
    h = jax.nn.relu(h)
    h = _gcn_conv(h, edge_index, W2, b2, n)
    h = jax.nn.relu(h)
    h = jax.nn.relu(h @ fW1 + fb1)
    h = jax.nn.relu(h @ fW2 + fb2)
    h = h @ fW3 + fb3
    return h

if __name__ == "__main__":
    import jax
    _d = setup_inputs()
    print(jax.jit(kernel)(*tuple(_d.values())))

</pallas_src>

<mosaic_0001>
#map = affine_map<(d0, d1) -> (0, 0, 0)>
#map1 = affine_map<(d0, d1) -> (0, 0)>
module attributes {stable_mosaic.version = 14 : i64} {
  func.func @k(%arg0: i32, %arg1: i32, %arg2: memref<32x80x128xi32, #tpu.memory_space<hbm>>, %arg3: memref<128x16xf32, #tpu.memory_space<hbm>>, %arg4: memref<10112x16xf32, #tpu.memory_space<hbm>>, %arg5: memref<2x10112x16xf32, #tpu.memory_space<hbm>>, %arg6: memref<80x128xi32, #tpu.memory_space<vmem>>, %arg7: memref<128x16xf32, #tpu.memory_space<vmem>>, %arg8: memref<10112x16xf32, #tpu.memory_space<vmem_shared>>) attributes {dimension_semantics = [#tpu.dimension_semantics<core_parallel>, #tpu.dimension_semantics<subcore_parallel>], iteration_bounds = array<i64: 2, 16>, scalar_prefetch = 0 : i64, scratch_operands = 3 : i64, tpu.core_type = #tpu.core_type<sc_vector_subcore>, window_params = [{transform_indices = #map}, {transform_indices = #map1}, {transform_indices = #map1}, {transform_indices = #map}]} {
    %mul3A = arith.constant 2 : i32
    %mul3A_0 = arith.muli %arg1, %mul3A : i32
    %add3A = arith.addi %mul3A_0, %arg0 : i32
    %mul3A_1 = arith.constant 632 : i32
    %mul3A_2 = arith.muli %arg1, %mul3A_1 : i32
    %mul3A_3 = arith.constant 632 : i32
    %mul3A_4 = arith.muli %arg1, %mul3A_3 : i32
    "tpu.region"() ({
      %run_scoped3A = tpu.sem_alloc : memref<!tpu.dma_semaphore, #tpu.memory_space<semaphore_mem>>
      %dma_start3A = arith.constant 0 : i32
      %dma_start3A_15 = tpu.memref_slice %arg8[%mul3A_4, %dma_start3A] : memref<10112x16xf32, #tpu.memory_space<vmem_shared>> -> memref<632x16xf32, #tpu.memory_space<vmem_shared>>
      %dma_start3A_16 = arith.constant 0 : i32
      %dma_start3A_17 = tpu.memref_slice %arg4[%mul3A_2, %dma_start3A_16] : memref<10112x16xf32, #tpu.memory_space<hbm>> -> memref<632x16xf32, #tpu.memory_space<hbm>>
      tpu.enqueue_dma source(%dma_start3A_17 : memref<632x16xf32, #tpu.memory_space<hbm>>) target(%dma_start3A_15 : memref<632x16xf32, #tpu.memory_space<vmem_shared>>) target_semaphore(%run_scoped3A : memref<!tpu.dma_semaphore, #tpu.memory_space<semaphore_mem>>)
      %dma_wait3A = arith.constant 0 : i32
      %dma_wait3A_18 = tpu.memref_slice %arg8[%mul3A_4, %dma_wait3A] : memref<10112x16xf32, #tpu.memory_space<vmem_shared>> -> memref<632x16xf32, #tpu.memory_space<vmem_shared>>
      %dma_wait3A_19 = arith.constant 0 : i32
      %dma_wait3A_20 = tpu.memref_slice %arg4[%mul3A_2, %dma_wait3A_19] : memref<10112x16xf32, #tpu.memory_space<hbm>> -> memref<632x16xf32, #tpu.memory_space<hbm>>
      tpu.wait_dma2 semaphore(%run_scoped3A : memref<!tpu.dma_semaphore, #tpu.memory_space<semaphore_mem>>) src(%dma_wait3A_20 : memref<632x16xf32, #tpu.memory_space<hbm>>) dst(%dma_wait3A_18 : memref<632x16xf32, #tpu.memory_space<vmem_shared>>)
      tpu.yield
    }) : () -> ()
    "tpu.region"() ({
      %run_scoped3A = tpu.sem_alloc : memref<!tpu.dma_semaphore, #tpu.memory_space<semaphore_mem>>
      %dma_start3A = arith.constant 0 : i32
      %dma_start3A_15 = arith.constant 0 : i32
      %dma_start3A_16 = tpu.memref_slice %arg2[%add3A, %dma_start3A, %dma_start3A_15] : memref<32x80x128xi32, #tpu.memory_space<hbm>> -> memref<1x80x128xi32, #tpu.memory_space<hbm>>
      %dma_start3A_17 = tpu.memref_squeeze %dma_start3A_16 : memref<1x80x128xi32, #tpu.memory_space<hbm>> -> memref<80x128xi32, #tpu.memory_space<hbm>>
      %dma_start3A_18 = arith.constant 0 : i32
      %dma_start3A_19 = arith.constant 0 : i32
      %dma_start3A_20 = tpu.memref_slice %arg2[%add3A, %dma_start3A_18, %dma_start3A_19] : memref<32x80x128xi32, #tpu.memory_space<hbm>> -> memref<1x80x128xi32, #tpu.memory_space<hbm>>
      %dma_start3A_21 = tpu.memref_squeeze %dma_start3A_20 : memref<1x80x128xi32, #tpu.memory_space<hbm>> -> memref<80x128xi32, #tpu.memory_space<hbm>>
      tpu.enqueue_dma source(%dma_start3A_21 : memref<80x128xi32, #tpu.memory_space<hbm>>) target(%arg6 : memref<80x128xi32, #tpu.memory_space<vmem>>) target_semaphore(%run_scoped3A : memref<!tpu.dma_semaphore, #tpu.memory_space<semaphore_mem>>)
      %dma_wait3A = arith.constant 0 : i32
      %dma_wait3A_22 = arith.constant 0 : i32
      %dma_wait3A_23 = tpu.memref_slice %arg2[%add3A, %dma_wait3A, %dma_wait3A_22] : memref<32x80x128xi32, #tpu.memory_space<hbm>> -> memref<1x80x128xi32, #tpu.memory_space<hbm>>
      %dma_wait3A_24 = tpu.memref_squeeze %dma_wait3A_23 : memref<1x80x128xi32, #tpu.memory_space<hbm>> -> memref<80x128xi32, #tpu.memory_space<hbm>>
      %dma_wait3A_25 = arith.constant 0 : i32
      %dma_wait3A_26 = arith.constant 0 : i32
      %dma_wait3A_27 = tpu.memref_slice %arg2[%add3A, %dma_wait3A_25, %dma_wait3A_26] : memref<32x80x128xi32, #tpu.memory_space<hbm>> -> memref<1x80x128xi32, #tpu.memory_space<hbm>>
      %dma_wait3A_28 = tpu.memref_squeeze %dma_wait3A_27 : memref<1x80x128xi32, #tpu.memory_space<hbm>> -> memref<80x128xi32, #tpu.memory_space<hbm>>
      tpu.wait_dma2 semaphore(%run_scoped3A : memref<!tpu.dma_semaphore, #tpu.memory_space<semaphore_mem>>) src(%dma_wait3A_28 : memref<80x128xi32, #tpu.memory_space<hbm>>) dst(%arg6 : memref<80x128xi32, #tpu.memory_space<vmem>>)
      tpu.yield
    }) : () -> ()
    "tpu.region"() ({
      %run_scoped3A = tpu.sem_alloc : memref<!tpu.dma_semaphore, #tpu.memory_space<semaphore_mem>>
      tpu.enqueue_dma source(%arg3 : memref<128x16xf32, #tpu.memory_space<hbm>>) target(%arg7 : memref<128x16xf32, #tpu.memory_space<vmem>>) target_semaphore(%run_scoped3A : memref<!tpu.dma_semaphore, #tpu.memory_space<semaphore_mem>>)
      tpu.wait_dma2 semaphore(%run_scoped3A : memref<!tpu.dma_semaphore, #tpu.memory_space<semaphore_mem>>) src(%arg3 : memref<128x16xf32, #tpu.memory_space<hbm>>) dst(%arg7 : memref<128x16xf32, #tpu.memory_space<vmem>>)
      tpu.yield
    }) : () -> ()
    %barrier3A = arith.constant 0 : index
    tpu.barrier barrier_id(%barrier3A)
    %scan3A = arith.constant 0 : i32
    %scan3A_5 = arith.constant 0 : i32
    %scan3A_6 = arith.constant 80 : i32
    %scan3A_7 = arith.addi %scan3A_5, %scan3A_6 : i32
    %scan3A_8 = arith.constant 1 : i32
    scf.for %scan3A_15 = %scan3A_5 to %scan3A_7 step %scan3A_8  : i32 {
      "tpu.region"() ({
        %run_scoped3A = tpu.sem_alloc : memref<!tpu.dma_semaphore, #tpu.memory_space<semaphore_mem>>
        %dma_start3A = arith.constant 0 : i32
        %dma_start3A_16 = tpu.memref_slice %arg6[%scan3A_15, %dma_start3A] : memref<80x128xi32, #tpu.memory_space<vmem>> -> memref<1x128xi32, #tpu.memory_space<vmem>>
        %dma_start3A_17 = tpu.memref_squeeze %dma_start3A_16 : memref<1x128xi32, #tpu.memory_space<vmem>> -> memref<128xi32, #tpu.memory_space<vmem>>
        %dma_start3A_18 = arith.constant 0 : i32
        %dma_start3A_19 = arith.constant 0 : i32
        %dma_start3A_20 = tpu.memref_slice %arg8[%dma_start3A_18, %dma_start3A_19] : memref<10112x16xf32, #tpu.memory_space<vmem_shared>> -> memref<10112x16xf32, #tpu.memory_space<vmem_shared>>
        tpu.enqueue_indirect_dma source(%arg7 : memref<128x16xf32, #tpu.memory_space<vmem>>) target(%dma_start3A_20 : memref<10112x16xf32, #tpu.memory_space<vmem_shared>>) offsets(%dma_start3A_17 : memref<128xi32, #tpu.memory_space<vmem>>) semaphore(%run_scoped3A : memref<!tpu.dma_semaphore, #tpu.memory_space<semaphore_mem>>) {add = true}
        %dma_wait3A = arith.constant 0 : i32
        %dma_wait3A_21 = tpu.memref_slice %arg6[%scan3A_15, %dma_wait3A] : memref<80x128xi32, #tpu.memory_space<vmem>> -> memref<1x128xi32, #tpu.memory_space<vmem>>
        %dma_wait3A_22 = tpu.memref_squeeze %dma_wait3A_21 : memref<1x128xi32, #tpu.memory_space<vmem>> -> memref<128xi32, #tpu.memory_space<vmem>>
        %dma_wait3A_23 = arith.constant 0 : i32
        %dma_wait3A_24 = arith.constant 0 : i32
        %dma_wait3A_25 = tpu.memref_slice %arg8[%dma_wait3A_23, %dma_wait3A_24] : memref<10112x16xf32, #tpu.memory_space<vmem_shared>> -> memref<10112x16xf32, #tpu.memory_space<vmem_shared>>
        tpu.wait_indirect_dma semaphore(%run_scoped3A : memref<!tpu.dma_semaphore, #tpu.memory_space<semaphore_mem>>) src(%arg7 : memref<128x16xf32, #tpu.memory_space<vmem>>) dst(%dma_wait3A_25 : memref<10112x16xf32, #tpu.memory_space<vmem_shared>>)
        tpu.yield
      }) : () -> ()
    }
    %scan3A_9 = arith.constant 80 : i32
    %barrier3A_10 = arith.constant 0 : index
    tpu.barrier barrier_id(%barrier3A_10)
    %mul3A_11 = arith.constant 632 : i32
    %mul3A_12 = arith.muli %arg1, %mul3A_11 : i32
    %mul3A_13 = arith.constant 632 : i32
    %mul3A_14 = arith.muli %arg1, %mul3A_13 : i32
    "tpu.region"() ({
      %run_scoped3A = tpu.sem_alloc : memref<!tpu.dma_semaphore, #tpu.memory_space<semaphore_mem>>
      %dma_start3A = arith.constant 0 : i32
      %dma_start3A_15 = tpu.memref_slice %arg5[%arg0, %mul3A_14, %dma_start3A] : memref<2x10112x16xf32, #tpu.memory_space<hbm>> -> memref<1x632x16xf32, #tpu.memory_space<hbm>>
      %dma_start3A_16 = tpu.memref_squeeze %dma_start3A_15 : memref<1x632x16xf32, #tpu.memory_space<hbm>> -> memref<632x16xf32, #tpu.memory_space<hbm>>
      %dma_start3A_17 = arith.constant 0 : i32
      %dma_start3A_18 = tpu.memref_slice %arg8[%mul3A_12, %dma_start3A_17] : memref<10112x16xf32, #tpu.memory_space<vmem_shared>> -> memref<632x16xf32, #tpu.memory_space<vmem_shared>>
      tpu.enqueue_dma source(%dma_start3A_18 : memref<632x16xf32, #tpu.memory_space<vmem_shared>>) target(%dma_start3A_16 : memref<632x16xf32, #tpu.memory_space<hbm>>) target_semaphore(%run_scoped3A : memref<!tpu.dma_semaphore, #tpu.memory_space<semaphore_mem>>)
      %dma_wait3A = arith.constant 0 : i32
      %dma_wait3A_19 = tpu.memref_slice %arg5[%arg0, %mul3A_14, %dma_wait3A] : memref<2x10112x16xf32, #tpu.memory_space<hbm>> -> memref<1x632x16xf32, #tpu.memory_space<hbm>>
      %dma_wait3A_20 = tpu.memref_squeeze %dma_wait3A_19 : memref<1x632x16xf32, #tpu.memory_space<hbm>> -> memref<632x16xf32, #tpu.memory_space<hbm>>
      %dma_wait3A_21 = arith.constant 0 : i32
      %dma_wait3A_22 = tpu.memref_slice %arg8[%mul3A_12, %dma_wait3A_21] : memref<10112x16xf32, #tpu.memory_space<vmem_shared>> -> memref<632x16xf32, #tpu.memory_space<vmem_shared>>
      tpu.wait_dma2 semaphore(%run_scoped3A : memref<!tpu.dma_semaphore, #tpu.memory_space<semaphore_mem>>) src(%dma_wait3A_22 : memref<632x16xf32, #tpu.memory_space<vmem_shared>>) dst(%dma_wait3A_20 : memref<632x16xf32, #tpu.memory_space<hbm>>)
      tpu.yield
    }) : () -> ()
    return
  }
}

#map = affine_map<(d0, d1) -> (0, 0, 0)>
#map1 = affine_map<(d0, d1) -> (0, 0)>
module attributes {stable_mosaic.version = 14 : i64} {
  func.func @k(%arg0: i32, %arg1: i32, %arg2: memref<32x80x128xi32, #tpu.memory_space<hbm>>, %arg3: memref<32x80x128xi32, #tpu.memory_space<hbm>>, %arg4: memref<10000x16xf32, #tpu.memory_space<hbm>>, %arg5: memref<10112x16xf32, #tpu.memory_space<hbm>>, %arg6: memref<2x10112x16xf32, #tpu.memory_space<hbm>>, %arg7: memref<80x128xi32, #tpu.memory_space<vmem>>, %arg8: memref<80x128xi32, #tpu.memory_space<vmem>>, %arg9: memref<10112x16xf32, #tpu.memory_space<vmem_shared>>, %arg10: memref<128x16xf32, #tpu.memory_space<vmem>>, %arg11: memref<128x16xf32, #tpu.memory_space<vmem>>, %arg12: memref<128x16xf32, #tpu.memory_space<vmem>>, %arg13: memref<128x16xf32, #tpu.memory_space<vmem>>, %arg14: memref<128x16xf32, #tpu.memory_space<vmem>>, %arg15: memref<128x16xf32, #tpu.memory_space<vmem>>, %arg16: memref<128x16xf32, #tpu.memory_space<vmem>>, %arg17: memref<128x16xf32, #tpu.memory_space<vmem>>, %arg18: memref<!tpu.dma_semaphore, #tpu.memory_space<semaphore_mem>>, %arg19: memref<!tpu.dma_semaphore, #tpu.memory_space<semaphore_mem>>, %arg20: memref<!tpu.dma_semaphore, #tpu.memory_space<semaphore_mem>>, %arg21: memref<!tpu.dma_semaphore, #tpu.memory_space<semaphore_mem>>, %arg22: memref<!tpu.dma_semaphore, #tpu.memory_space<semaphore_mem>>, %arg23: memref<!tpu.dma_semaphore, #tpu.memory_space<semaphore_mem>>, %arg24: memref<!tpu.dma_semaphore, #tpu.memory_space<semaphore_mem>>, %arg25: memref<!tpu.dma_semaphore, #tpu.memory_space<semaphore_mem>>, %arg26: memref<!tpu.dma_semaphore, #tpu.memory_space<semaphore_mem>>, %arg27: memref<!tpu.dma_semaphore, #tpu.memory_space<semaphore_mem>>, %arg28: memref<!tpu.dma_semaphore, #tpu.memory_space<semaphore_mem>>, %arg29: memref<!tpu.dma_semaphore, #tpu.memory_space<semaphore_mem>>, %arg30: memref<!tpu.dma_semaphore, #tpu.memory_space<semaphore_mem>>, %arg31: memref<!tpu.dma_semaphore, #tpu.memory_space<semaphore_mem>>, %arg32: memref<!tpu.dma_semaphore, #tpu.memory_space<semaphore_mem>>, %arg33: memref<!tpu.dma_semaphore, #tpu.memory_space<semaphore_mem>>) attributes {dimension_semantics = [#tpu.dimension_semantics<core_parallel>, #tpu.dimension_semantics<subcore_parallel>], iteration_bounds = array<i64: 2, 16>, scalar_prefetch = 0 : i64, scratch_operands = 27 : i64, tpu.core_type = #tpu.core_type<sc_vector_subcore>, window_params = [{transform_indices = #map}, {transform_indices = #map}, {transform_indices = #map1}, {transform_indices = #map1}, {transform_indices = #map}]} {
    %mul3A = arith.constant 2 : i32
    %mul3A_0 = arith.muli %arg1, %mul3A : i32
    %add3A = arith.addi %mul3A_0, %arg0 : i32
    %mul3A_1 = arith.constant 632 : i32
    %mul3A_2 = arith.muli %arg1, %mul3A_1 : i32
    %mul3A_3 = arith.constant 632 : i32
    %mul3A_4 = arith.muli %arg1, %mul3A_3 : i32
    "tpu.region"() ({
      %run_scoped3A = tpu.sem_alloc : memref<!tpu.dma_semaphore, #tpu.memory_space<semaphore_mem>>
      %dma_start3A_125 = arith.constant 0 : i32
      %dma_start3A_126 = tpu.memref_slice %arg9[%mul3A_4, %dma_start3A_125] : memref<10112x16xf32, #tpu.memory_space<vmem_shared>> -> memref<632x16xf32, #tpu.memory_space<vmem_shared>>
      %dma_start3A_127 = arith.constant 0 : i32
      %dma_start3A_128 = tpu.memref_slice %arg5[%mul3A_2, %dma_start3A_127] : memref<10112x16xf32, #tpu.memory_space<hbm>> -> memref<632x16xf32, #tpu.memory_space<hbm>>
      tpu.enqueue_dma source(%dma_start3A_128 : memref<632x16xf32, #tpu.memory_space<hbm>>) target(%dma_start3A_126 : memref<632x16xf32, #tpu.memory_space<vmem_shared>>) target_semaphore(%run_scoped3A : memref<!tpu.dma_semaphore, #tpu.memory_space<semaphore_mem>>)
      %dma_wait3A_129 = arith.constant 0 : i32
      %dma_wait3A_130 = tpu.memref_slice %arg9[%mul3A_4, %dma_wait3A_129] : memref<10112x16xf32, #tpu.memory_space<vmem_shared>> -> memref<632x16xf32, #tpu.memory_space<vmem_shared>>
      %dma_wait3A_131 = arith.constant 0 : i32
      %dma_wait3A_132 = tpu.memref_slice %arg5[%mul3A_2, %dma_wait3A_131] : memref<10112x16xf32, #tpu.memory_space<hbm>> -> memref<632x16xf32, #tpu.memory_space<hbm>>
      tpu.wait_dma2 semaphore(%run_scoped3A : memref<!tpu.dma_semaphore, #tpu.memory_space<semaphore_mem>>) src(%dma_wait3A_132 : memref<632x16xf32, #tpu.memory_space<hbm>>) dst(%dma_wait3A_130 : memref<632x16xf32, #tpu.memory_space<vmem_shared>>)
      tpu.yield
    }) : () -> ()
    "tpu.region"() ({
      %run_scoped3A = tpu.sem_alloc : memref<!tpu.dma_semaphore, #tpu.memory_space<semaphore_mem>>
      %dma_start3A_125 = arith.constant 0 : i32
      %dma_start3A_126 = arith.constant 0 : i32
      %dma_start3A_127 = tpu.memref_slice %arg2[%add3A, %dma_start3A_125, %dma_start3A_126] : memref<32x80x128xi32, #tpu.memory_space<hbm>> -> memref<1x80x128xi32, #tpu.memory_space<hbm>>
      %dma_start3A_128 = tpu.memref_squeeze %dma_start3A_127 : memref<1x80x128xi32, #tpu.memory_space<hbm>> -> memref<80x128xi32, #tpu.memory_space<hbm>>
      %dma_start3A_129 = arith.constant 0 : i32
      %dma_start3A_130 = arith.constant 0 : i32
      %dma_start3A_131 = tpu.memref_slice %arg2[%add3A, %dma_start3A_129, %dma_start3A_130] : memref<32x80x128xi32, #tpu.memory_space<hbm>> -> memref<1x80x128xi32, #tpu.memory_space<hbm>>
      %dma_start3A_132 = tpu.memref_squeeze %dma_start3A_131 : memref<1x80x128xi32, #tpu.memory_space<hbm>> -> memref<80x128xi32, #tpu.memory_space<hbm>>
      tpu.enqueue_dma source(%dma_start3A_132 : memref<80x128xi32, #tpu.memory_space<hbm>>) target(%arg7 : memref<80x128xi32, #tpu.memory_space<vmem>>) target_semaphore(%run_scoped3A : memref<!tpu.dma_semaphore, #tpu.memory_space<semaphore_mem>>)
      %dma_wait3A_133 = arith.constant 0 : i32
      %dma_wait3A_134 = arith.constant 0 : i32
      %dma_wait3A_135 = tpu.memref_slice %arg2[%add3A, %dma_wait3A_133, %dma_wait3A_134] : memref<32x80x128xi32, #tpu.memory_space<hbm>> -> memref<1x80x128xi32, #tpu.memory_space<hbm>>
      %dma_wait3A_136 = tpu.memref_squeeze %dma_wait3A_135 : memref<1x80x128xi32, #tpu.memory_space<hbm>> -> memref<80x128xi32, #tpu.memory_space<hbm>>
      %dma_wait3A_137 = arith.constant 0 : i32
      %dma_wait3A_138 = arith.constant 0 : i32
      %dma_wait3A_139 = tpu.memref_slice %arg2[%add3A, %dma_wait3A_137, %dma_wait3A_138] : memref<32x80x128xi32, #tpu.memory_space<hbm>> -> memref<1x80x128xi32, #tpu.memory_space<hbm>>
      %dma_wait3A_140 = tpu.memref_squeeze %dma_wait3A_139 : memref<1x80x128xi32, #tpu.memory_space<hbm>> -> memref<80x128xi32, #tpu.memory_space<hbm>>
      tpu.wait_dma2 semaphore(%run_scoped3A : memref<!tpu.dma_semaphore, #tpu.memory_space<semaphore_mem>>) src(%dma_wait3A_140 : memref<80x128xi32, #tpu.memory_space<hbm>>) dst(%arg7 : memref<80x128xi32, #tpu.memory_space<vmem>>)
      tpu.yield
    }) : () -> ()
    "tpu.region"() ({
      %run_scoped3A = tpu.sem_alloc : memref<!tpu.dma_semaphore, #tpu.memory_space<semaphore_mem>>
      %dma_start3A_125 = arith.constant 0 : i32
      %dma_start3A_126 = arith.constant 0 : i32
      %dma_start3A_127 = tpu.memref_slice %arg3[%add3A, %dma_start3A_125, %dma_start3A_126] : memref<32x80x128xi32, #tpu.memory_space<hbm>> -> memref<1x80x128xi32, #tpu.memory_space<hbm>>
      %dma_start3A_128 = tpu.memref_squeeze %dma_start3A_127 : memref<1x80x128xi32, #tpu.memory_space<hbm>> -> memref<80x128xi32, #tpu.memory_space<hbm>>
      %dma_start3A_129 = arith.constant 0 : i32
      %dma_start3A_130 = arith.constant 0 : i32
      %dma_start3A_131 = tpu.memref_slice %arg3[%add3A, %dma_start3A_129, %dma_start3A_130] : memref<32x80x128xi32, #tpu.memory_space<hbm>> -> memref<1x80x128xi32, #tpu.memory_space<hbm>>
      %dma_start3A_132 = tpu.memref_squeeze %dma_start3A_131 : memref<1x80x128xi32, #tpu.memory_space<hbm>> -> memref<80x128xi32, #tpu.memory_space<hbm>>
      tpu.enqueue_dma source(%dma_start3A_132 : memref<80x128xi32, #tpu.memory_space<hbm>>) target(%arg8 : memref<80x128xi32, #tpu.memory_space<vmem>>) target_semaphore(%run_scoped3A : memref<!tpu.dma_semaphore, #tpu.memory_space<semaphore_mem>>)
      %dma_wait3A_133 = arith.constant 0 : i32
      %dma_wait3A_134 = arith.constant 0 : i32
      %dma_wait3A_135 = tpu.memref_slice %arg3[%add3A, %dma_wait3A_133, %dma_wait3A_134] : memref<32x80x128xi32, #tpu.memory_space<hbm>> -> memref<1x80x128xi32, #tpu.memory_space<hbm>>
      %dma_wait3A_136 = tpu.memref_squeeze %dma_wait3A_135 : memref<1x80x128xi32, #tpu.memory_space<hbm>> -> memref<80x128xi32, #tpu.memory_space<hbm>>
      %dma_wait3A_137 = arith.constant 0 : i32
      %dma_wait3A_138 = arith.constant 0 : i32
      %dma_wait3A_139 = tpu.memref_slice %arg3[%add3A, %dma_wait3A_137, %dma_wait3A_138] : memref<32x80x128xi32, #tpu.memory_space<hbm>> -> memref<1x80x128xi32, #tpu.memory_space<hbm>>
      %dma_wait3A_140 = tpu.memref_squeeze %dma_wait3A_139 : memref<1x80x128xi32, #tpu.memory_space<hbm>> -> memref<80x128xi32, #tpu.memory_space<hbm>>
      tpu.wait_dma2 semaphore(%run_scoped3A : memref<!tpu.dma_semaphore, #tpu.memory_space<semaphore_mem>>) src(%dma_wait3A_140 : memref<80x128xi32, #tpu.memory_space<hbm>>) dst(%arg8 : memref<80x128xi32, #tpu.memory_space<vmem>>)
      tpu.yield
    }) : () -> ()
    %barrier3A = arith.constant 0 : index
    tpu.barrier barrier_id(%barrier3A)
    %dma_start3A = arith.constant 0 : i32
    %dma_start3A_5 = arith.constant 0 : i32
    %dma_start3A_6 = tpu.memref_slice %arg7[%dma_start3A, %dma_start3A_5] : memref<80x128xi32, #tpu.memory_space<vmem>> -> memref<1x128xi32, #tpu.memory_space<vmem>>
    %dma_start3A_7 = tpu.memref_squeeze %dma_start3A_6 : memref<1x128xi32, #tpu.memory_space<vmem>> -> memref<128xi32, #tpu.memory_space<vmem>>
    %dma_start3A_8 = arith.constant 0 : i32
    %dma_start3A_9 = arith.constant 0 : i32
    %dma_start3A_10 = tpu.memref_slice %arg4[%dma_start3A_8, %dma_start3A_9] : memref<10000x16xf32, #tpu.memory_space<hbm>> -> memref<10000x16xf32, #tpu.memory_space<hbm>>
    tpu.enqueue_indirect_dma source(%dma_start3A_10 : memref<10000x16xf32, #tpu.memory_space<hbm>>) target(%arg10 : memref<128x16xf32, #tpu.memory_space<vmem>>) offsets(%dma_start3A_7 : memref<128xi32, #tpu.memory_space<vmem>>) semaphore(%arg18 : memref<!tpu.dma_semaphore, #tpu.memory_space<semaphore_mem>>)
    %dma_start3A_11 = arith.constant 1 : i32
    %dma_start3A_12 = arith.constant 0 : i32
    %dma_start3A_13 = tpu.memref_slice %arg7[%dma_start3A_11, %dma_start3A_12] : memref<80x128xi32, #tpu.memory_space<vmem>> -> memref<1x128xi32, #tpu.memory_space<vmem>>
    %dma_start3A_14 = tpu.memref_squeeze %dma_start3A_13 : memref<1x128xi32, #tpu.memory_space<vmem>> -> memref<128xi32, #tpu.memory_space<vmem>>
    %dma_start3A_15 = arith.constant 0 : i32
    %dma_start3A_16 = arith.constant 0 : i32
    %dma_start3A_17 = tpu.memref_slice %arg4[%dma_start3A_15, %dma_start3A_16] : memref<10000x16xf32, #tpu.memory_space<hbm>> -> memref<10000x16xf32, #tpu.memory_space<hbm>>
    tpu.enqueue_indirect_dma source(%dma_start3A_17 : memref<10000x16xf32, #tpu.memory_space<hbm>>) target(%arg11 : memref<128x16xf32, #tpu.memory_space<vmem>>) offsets(%dma_start3A_14 : memref<128xi32, #tpu.memory_space<vmem>>) semaphore(%arg19 : memref<!tpu.dma_semaphore, #tpu.memory_space<semaphore_mem>>)
    %dma_start3A_18 = arith.constant 2 : i32
    %dma_start3A_19 = arith.constant 0 : i32
    %dma_start3A_20 = tpu.memref_slice %arg7[%dma_start3A_18, %dma_start3A_19] : memref<80x128xi32, #tpu.memory_space<vmem>> -> memref<1x128xi32, #tpu.memory_space<vmem>>
    %dma_start3A_21 = tpu.memref_squeeze %dma_start3A_20 : memref<1x128xi32, #tpu.memory_space<vmem>> -> memref<128xi32, #tpu.memory_space<vmem>>
    %dma_start3A_22 = arith.constant 0 : i32
    %dma_start3A_23 = arith.constant 0 : i32
    %dma_start3A_24 = tpu.memref_slice %arg4[%dma_start3A_22, %dma_start3A_23] : memref<10000x16xf32, #tpu.memory_space<hbm>> -> memref<10000x16xf32, #tpu.memory_space<hbm>>
    tpu.enqueue_indirect_dma source(%dma_start3A_24 : memref<10000x16xf32, #tpu.memory_space<hbm>>) target(%arg12 : memref<128x16xf32, #tpu.memory_space<vmem>>) offsets(%dma_start3A_21 : memref<128xi32, #tpu.memory_space<vmem>>) semaphore(%arg20 : memref<!tpu.dma_semaphore, #tpu.memory_space<semaphore_mem>>)
    %dma_start3A_25 = arith.constant 3 : i32
    %dma_start3A_26 = arith.constant 0 : i32
    %dma_start3A_27 = tpu.memref_slice %arg7[%dma_start3A_25, %dma_start3A_26] : memref<80x128xi32, #tpu.memory_space<vmem>> -> memref<1x128xi32, #tpu.memory_space<vmem>>
    %dma_start3A_28 = tpu.memref_squeeze %dma_start3A_27 : memref<1x128xi32, #tpu.memory_space<vmem>> -> memref<128xi32, #tpu.memory_space<vmem>>
    %dma_start3A_29 = arith.constant 0 : i32
    %dma_start3A_30 = arith.constant 0 : i32
    %dma_start3A_31 = tpu.memref_slice %arg4[%dma_start3A_29, %dma_start3A_30] : memref<10000x16xf32, #tpu.memory_space<hbm>> -> memref<10000x16xf32, #tpu.memory_space<hbm>>
    tpu.enqueue_indirect_dma source(%dma_start3A_31 : memref<10000x16xf32, #tpu.memory_space<hbm>>) target(%arg13 : memref<128x16xf32, #tpu.memory_space<vmem>>) offsets(%dma_start3A_28 : memref<128xi32, #tpu.memory_space<vmem>>) semaphore(%arg21 : memref<!tpu.dma_semaphore, #tpu.memory_space<semaphore_mem>>)
    %dma_start3A_32 = arith.constant 4 : i32
    %dma_start3A_33 = arith.constant 0 : i32
    %dma_start3A_34 = tpu.memref_slice %arg7[%dma_start3A_32, %dma_start3A_33] : memref<80x128xi32, #tpu.memory_space<vmem>> -> memref<1x128xi32, #tpu.memory_space<vmem>>
    %dma_start3A_35 = tpu.memref_squeeze %dma_start3A_34 : memref<1x128xi32, #tpu.memory_space<vmem>> -> memref<128xi32, #tpu.memory_space<vmem>>
    %dma_start3A_36 = arith.constant 0 : i32
    %dma_start3A_37 = arith.constant 0 : i32
    %dma_start3A_38 = tpu.memref_slice %arg4[%dma_start3A_36, %dma_start3A_37] : memref<10000x16xf32, #tpu.memory_space<hbm>> -> memref<10000x16xf32, #tpu.memory_space<hbm>>
    tpu.enqueue_indirect_dma source(%dma_start3A_38 : memref<10000x16xf32, #tpu.memory_space<hbm>>) target(%arg14 : memref<128x16xf32, #tpu.memory_space<vmem>>) offsets(%dma_start3A_35 : memref<128xi32, #tpu.memory_space<vmem>>) semaphore(%arg22 : memref<!tpu.dma_semaphore, #tpu.memory_space<semaphore_mem>>)
    %dma_start3A_39 = arith.constant 5 : i32
    %dma_start3A_40 = arith.constant 0 : i32
    %dma_start3A_41 = tpu.memref_slice %arg7[%dma_start3A_39, %dma_start3A_40] : memref<80x128xi32, #tpu.memory_space<vmem>> -> memref<1x128xi32, #tpu.memory_space<vmem>>
    %dma_start3A_42 = tpu.memref_squeeze %dma_start3A_41 : memref<1x128xi32, #tpu.memory_space<vmem>> -> memref<128xi32, #tpu.memory_space<vmem>>
    %dma_start3A_43 = arith.constant 0 : i32
    %dma_start3A_44 = arith.constant 0 : i32
    %dma_start3A_45 = tpu.memref_slice %arg4[%dma_start3A_43, %dma_start3A_44] : memref<10000x16xf32, #tpu.memory_space<hbm>> -> memref<10000x16xf32, #tpu.memory_space<hbm>>
    tpu.enqueue_indirect_dma source(%dma_start3A_45 : memref<10000x16xf32, #tpu.memory_space<hbm>>) target(%arg15 : memref<128x16xf32, #tpu.memory_space<vmem>>) offsets(%dma_start3A_42 : memref<128xi32, #tpu.memory_space<vmem>>) semaphore(%arg23 : memref<!tpu.dma_semaphore, #tpu.memory_space<semaphore_mem>>)
    %dma_start3A_46 = arith.constant 6 : i32
    %dma_start3A_47 = arith.constant 0 : i32
    %dma_start3A_48 = tpu.memref_slice %arg7[%dma_start3A_46, %dma_start3A_47] : memref<80x128xi32, #tpu.memory_space<vmem>> -> memref<1x128xi32, #tpu.memory_space<vmem>>
    %dma_start3A_49 = tpu.memref_squeeze %dma_start3A_48 : memref<1x128xi32, #tpu.memory_space<vmem>> -> memref<128xi32, #tpu.memory_space<vmem>>
    %dma_start3A_50 = arith.constant 0 : i32
    %dma_start3A_51 = arith.constant 0 : i32
    %dma_start3A_52 = tpu.memref_slice %arg4[%dma_start3A_50, %dma_start3A_51] : memref<10000x16xf32, #tpu.memory_space<hbm>> -> memref<10000x16xf32, #tpu.memory_space<hbm>>
    tpu.enqueue_indirect_dma source(%dma_start3A_52 : memref<10000x16xf32, #tpu.memory_space<hbm>>) target(%arg16 : memref<128x16xf32, #tpu.memory_space<vmem>>) offsets(%dma_start3A_49 : memref<128xi32, #tpu.memory_space<vmem>>) semaphore(%arg24 : memref<!tpu.dma_semaphore, #tpu.memory_space<semaphore_mem>>)
    %dma_start3A_53 = arith.constant 7 : i32
    %dma_start3A_54 = arith.constant 0 : i32
    %dma_start3A_55 = tpu.memref_slice %arg7[%dma_start3A_53, %dma_start3A_54] : memref<80x128xi32, #tpu.memory_space<vmem>> -> memref<1x128xi32, #tpu.memory_space<vmem>>
    %dma_start3A_56 = tpu.memref_squeeze %dma_start3A_55 : memref<1x128xi32, #tpu.memory_space<vmem>> -> memref<128xi32, #tpu.memory_space<vmem>>
    %dma_start3A_57 = arith.constant 0 : i32
    %dma_start3A_58 = arith.constant 0 : i32
    %dma_start3A_59 = tpu.memref_slice %arg4[%dma_start3A_57, %dma_start3A_58] : memref<10000x16xf32, #tpu.memory_space<hbm>> -> memref<10000x16xf32, #tpu.memory_space<hbm>>
    tpu.enqueue_indirect_dma source(%dma_start3A_59 : memref<10000x16xf32, #tpu.memory_space<hbm>>) target(%arg17 : memref<128x16xf32, #tpu.memory_space<vmem>>) offsets(%dma_start3A_56 : memref<128xi32, #tpu.memory_space<vmem>>) semaphore(%arg25 : memref<!tpu.dma_semaphore, #tpu.memory_space<semaphore_mem>>)
    %scan3A = arith.constant 0 : i32
    %scan3A_60 = arith.constant 0 : i32
    %scan3A_61 = arith.constant 10 : i32
    %scan3A_62 = arith.addi %scan3A_60, %scan3A_61 : i32
    %scan3A_63 = arith.constant 1 : i32
    scf.for %scan3A_125 = %scan3A_60 to %scan3A_62 step %scan3A_63  : i32 {
      %mul3A_126 = arith.constant 8 : i32
      %mul3A_127 = arith.muli %scan3A_125, %mul3A_126 : i32
      %add3A_128 = arith.constant 0 : i32
      %add3A_129 = arith.addi %mul3A_127, %add3A_128 : i32
      %dma_wait3A_130 = arith.constant 0 : i32
      %dma_wait3A_131 = tpu.memref_slice %arg7[%add3A_129, %dma_wait3A_130] : memref<80x128xi32, #tpu.memory_space<vmem>> -> memref<1x128xi32, #tpu.memory_space<vmem>>
      %dma_wait3A_132 = tpu.memref_squeeze %dma_wait3A_131 : memref<1x128xi32, #tpu.memory_space<vmem>> -> memref<128xi32, #tpu.memory_space<vmem>>
      %dma_wait3A_133 = arith.constant 0 : i32
      %dma_wait3A_134 = arith.constant 0 : i32
      %dma_wait3A_135 = tpu.memref_slice %arg4[%dma_wait3A_133, %dma_wait3A_134] : memref<10000x16xf32, #tpu.memory_space<hbm>> -> memref<10000x16xf32, #tpu.memory_space<hbm>>
      tpu.wait_indirect_dma semaphore(%arg18 : memref<!tpu.dma_semaphore, #tpu.memory_space<semaphore_mem>>) src(%dma_wait3A_135 : memref<10000x16xf32, #tpu.memory_space<hbm>>) dst(%arg10 : memref<128x16xf32, #tpu.memory_space<vmem>>)
      %dma_start3A_136 = arith.constant 0 : i32
      %dma_start3A_137 = tpu.memref_slice %arg8[%add3A_129, %dma_start3A_136] : memref<80x128xi32, #tpu.memory_space<vmem>> -> memref<1x128xi32, #tpu.memory_space<vmem>>
      %dma_start3A_138 = tpu.memref_squeeze %dma_start3A_137 : memref<1x128xi32, #tpu.memory_space<vmem>> -> memref<128xi32, #tpu.memory_space<vmem>>
      %dma_start3A_139 = arith.constant 0 : i32
      %dma_start3A_140 = arith.constant 0 : i32
      %dma_start3A_141 = tpu.memref_slice %arg9[%dma_start3A_139, %dma_start3A_140] : memref<10112x16xf32, #tpu.memory_space<vmem_shared>> -> memref<10112x16xf32, #tpu.memory_space<vmem_shared>>
      tpu.enqueue_indirect_dma source(%arg10 : memref<128x16xf32, #tpu.memory_space<vmem>>) target(%dma_start3A_141 : memref<10112x16xf32, #tpu.memory_space<vmem_shared>>) offsets(%dma_start3A_138 : memref<128xi32, #tpu.memory_space<vmem>>) semaphore(%arg26 : memref<!tpu.dma_semaphore, #tpu.memory_space<semaphore_mem>>) {add = true}
      %mul3A_142 = arith.constant 8 : i32
      %mul3A_143 = arith.muli %scan3A_125, %mul3A_142 : i32
      %add3A_144 = arith.constant 1 : i32
      %add3A_145 = arith.addi %mul3A_143, %add3A_144 : i32
      %dma_wait3A_146 = arith.constant 0 : i32
      %dma_wait3A_147 = tpu.memref_slice %arg7[%add3A_145, %dma_wait3A_146] : memref<80x128xi32, #tpu.memory_space<vmem>> -> memref<1x128xi32, #tpu.memory_space<vmem>>
      %dma_wait3A_148 = tpu.memref_squeeze %dma_wait3A_147 : memref<1x128xi32, #tpu.memory_space<vmem>> -> memref<128xi32, #tpu.memory_space<vmem>>
      %dma_wait3A_149 = arith.constant 0 : i32
      %dma_wait3A_150 = arith.constant 0 : i32
      %dma_wait3A_151 = tpu.memref_slice %arg4[%dma_wait3A_149, %dma_wait3A_150] : memref<10000x16xf32, #tpu.memory_space<hbm>> -> memref<10000x16xf32, #tpu.memory_space<hbm>>
      tpu.wait_indirect_dma semaphore(%arg19 : memref<!tpu.dma_semaphore, #tpu.memory_space<semaphore_mem>>) src(%dma_wait3A_151 : memref<10000x16xf32, #tpu.memory_space<hbm>>) dst(%arg11 : memref<128x16xf32, #tpu.memory_space<vmem>>)
      %dma_start3A_152 = arith.constant 0 : i32
      %dma_start3A_153 = tpu.memref_slice %arg8[%add3A_145, %dma_start3A_152] : memref<80x128xi32, #tpu.memory_space<vmem>> -> memref<1x128xi32, #tpu.memory_space<vmem>>
      %dma_start3A_154 = tpu.memref_squeeze %dma_start3A_153 : memref<1x128xi32, #tpu.memory_space<vmem>> -> memref<128xi32, #tpu.memory_space<vmem>>
      %dma_start3A_155 = arith.constant 0 : i32
      %dma_start3A_156 = arith.constant 0 : i32
      %dma_start3A_157 = tpu.memref_slice %arg9[%dma_start3A_155, %dma_start3A_156] : memref<10112x16xf32, #tpu.memory_space<vmem_shared>> -> memref<10112x16xf32, #tpu.memory_space<vmem_shared>>
      tpu.enqueue_indirect_dma source(%arg11 : memref<128x16xf32, #tpu.memory_space<vmem>>) target(%dma_start3A_157 : memref<10112x16xf32, #tpu.memory_space<vmem_shared>>) offsets(%dma_start3A_154 : memref<128xi32, #tpu.memory_space<vmem>>) semaphore(%arg27 : memref<!tpu.dma_semaphore, #tpu.memory_space<semaphore_mem>>) {add = true}
      %mul3A_158 = arith.constant 8 : i32
      %mul3A_159 = arith.muli %scan3A_125, %mul3A_158 : i32
      %add3A_160 = arith.constant 2 : i32
      %add3A_161 = arith.addi %mul3A_159, %add3A_160 : i32
      %dma_wait3A_162 = arith.constant 0 : i32
      %dma_wait3A_163 = tpu.memref_slice %arg7[%add3A_161, %dma_wait3A_162] : memref<80x128xi32, #tpu.memory_space<vmem>> -> memref<1x128xi32, #tpu.memory_space<vmem>>
      %dma_wait3A_164 = tpu.memref_squeeze %dma_wait3A_163 : memref<1x128xi32, #tpu.memory_space<vmem>> -> memref<128xi32, #tpu.memory_space<vmem>>
      %dma_wait3A_165 = arith.constant 0 : i32
      %dma_wait3A_166 = arith.constant 0 : i32
      %dma_wait3A_167 = tpu.memref_slice %arg4[%dma_wait3A_165, %dma_wait3A_166] : memref<10000x16xf32, #tpu.memory_space<hbm>> -> memref<10000x16xf32, #tpu.memory_space<hbm>>
      tpu.wait_indirect_dma semaphore(%arg20 : memref<!tpu.dma_semaphore, #tpu.memory_space<semaphore_mem>>) src(%dma_wait3A_167 : memref<10000x16xf32, #tpu.memory_space<hbm>>) dst(%arg12 : memref<128x16xf32, #tpu.memory_space<vmem>>)
      %dma_start3A_168 = arith.constant 0 : i32
      %dma_start3A_169 = tpu.memref_slice %arg8[%add3A_161, %dma_start3A_168] : memref<80x128xi32, #tpu.memory_space<vmem>> -> memref<1x128xi32, #tpu.memory_space<vmem>>
      %dma_start3A_170 = tpu.memref_squeeze %dma_start3A_169 : memref<1x128xi32, #tpu.memory_space<vmem>> -> memref<128xi32, #tpu.memory_space<vmem>>
      %dma_start3A_171 = arith.constant 0 : i32
      %dma_start3A_172 = arith.constant 0 : i32
      %dma_start3A_173 = tpu.memref_slice %arg9[%dma_start3A_171, %dma_start3A_172] : memref<10112x16xf32, #tpu.memory_space<vmem_shared>> -> memref<10112x16xf32, #tpu.memory_space<vmem_shared>>
      tpu.enqueue_indirect_dma source(%arg12 : memref<128x16xf32, #tpu.memory_space<vmem>>) target(%dma_start3A_173 : memref<10112x16xf32, #tpu.memory_space<vmem_shared>>) offsets(%dma_start3A_170 : memref<128xi32, #tpu.memory_space<vmem>>) semaphore(%arg28 : memref<!tpu.dma_semaphore, #tpu.memory_space<semaphore_mem>>) {add = true}
      %mul3A_174 = arith.constant 8 : i32
      %mul3A_175 = arith.muli %scan3A_125, %mul3A_174 : i32
      %add3A_176 = arith.constant 3 : i32
      %add3A_177 = arith.addi %mul3A_175, %add3A_176 : i32
      %dma_wait3A_178 = arith.constant 0 : i32
      %dma_wait3A_179 = tpu.memref_slice %arg7[%add3A_177, %dma_wait3A_178] : memref<80x128xi32, #tpu.memory_space<vmem>> -> memref<1x128xi32, #tpu.memory_space<vmem>>
      %dma_wait3A_180 = tpu.memref_squeeze %dma_wait3A_179 : memref<1x128xi32, #tpu.memory_space<vmem>> -> memref<128xi32, #tpu.memory_space<vmem>>
      %dma_wait3A_181 = arith.constant 0 : i32
      %dma_wait3A_182 = arith.constant 0 : i32
      %dma_wait3A_183 = tpu.memref_slice %arg4[%dma_wait3A_181, %dma_wait3A_182] : memref<10000x16xf32, #tpu.memory_space<hbm>> -> memref<10000x16xf32, #tpu.memory_space<hbm>>
      tpu.wait_indirect_dma semaphore(%arg21 : memref<!tpu.dma_semaphore, #tpu.memory_space<semaphore_mem>>) src(%dma_wait3A_183 : memref<10000x16xf32, #tpu.memory_space<hbm>>) dst(%arg13 : memref<128x16xf32, #tpu.memory_space<vmem>>)
      %dma_start3A_184 = arith.constant 0 : i32
      %dma_start3A_185 = tpu.memref_slice %arg8[%add3A_177, %dma_start3A_184] : memref<80x128xi32, #tpu.memory_space<vmem>> -> memref<1x128xi32, #tpu.memory_space<vmem>>
      %dma_start3A_186 = tpu.memref_squeeze %dma_start3A_185 : memref<1x128xi32, #tpu.memory_space<vmem>> -> memref<128xi32, #tpu.memory_space<vmem>>
      %dma_start3A_187 = arith.constant 0 : i32
      %dma_start3A_188 = arith.constant 0 : i32
      %dma_start3A_189 = tpu.memref_slice %arg9[%dma_start3A_187, %dma_start3A_188] : memref<10112x16xf32, #tpu.memory_space<vmem_shared>> -> memref<10112x16xf32, #tpu.memory_space<vmem_shared>>
      tpu.enqueue_indirect_dma source(%arg13 : memref<128x16xf32, #tpu.memory_space<vmem>>) target(%dma_start3A_189 : memref<10112x16xf32, #tpu.memory_space<vmem_shared>>) offsets(%dma_start3A_186 : memref<128xi32, #tpu.memory_space<vmem>>) semaphore(%arg29 : memref<!tpu.dma_semaphore, #tpu.memory_space<semaphore_mem>>) {add = true}
      %mul3A_190 = arith.constant 8 : i32
      %mul3A_191 = arith.muli %scan3A_125, %mul3A_190 : i32
      %add3A_192 = arith.constant 4 : i32
      %add3A_193 = arith.addi %mul3A_191, %add3A_192 : i32
      %dma_wait3A_194 = arith.constant 0 : i32
      %dma_wait3A_195 = tpu.memref_slice %arg7[%add3A_193, %dma_wait3A_194] : memref<80x128xi32, #tpu.memory_space<vmem>> -> memref<1x128xi32, #tpu.memory_space<vmem>>
      %dma_wait3A_196 = tpu.memref_squeeze %dma_wait3A_195 : memref<1x128xi32, #tpu.memory_space<vmem>> -> memref<128xi32, #tpu.memory_space<vmem>>
      %dma_wait3A_197 = arith.constant 0 : i32
      %dma_wait3A_198 = arith.constant 0 : i32
      %dma_wait3A_199 = tpu.memref_slice %arg4[%dma_wait3A_197, %dma_wait3A_198] : memref<10000x16xf32, #tpu.memory_space<hbm>> -> memref<10000x16xf32, #tpu.memory_space<hbm>>
      tpu.wait_indirect_dma semaphore(%arg22 : memref<!tpu.dma_semaphore, #tpu.memory_space<semaphore_mem>>) src(%dma_wait3A_199 : memref<10000x16xf32, #tpu.memory_space<hbm>>) dst(%arg14 : memref<128x16xf32, #tpu.memory_space<vmem>>)
      %dma_start3A_200 = arith.constant 0 : i32
      %dma_start3A_201 = tpu.memref_slice %arg8[%add3A_193, %dma_start3A_200] : memref<80x128xi32, #tpu.memory_space<vmem>> -> memref<1x128xi32, #tpu.memory_space<vmem>>
      %dma_start3A_202 = tpu.memref_squeeze %dma_start3A_201 : memref<1x128xi32, #tpu.memory_space<vmem>> -> memref<128xi32, #tpu.memory_space<vmem>>
      %dma_start3A_203 = arith.constant 0 : i32
      %dma_start3A_204 = arith.constant 0 : i32
      %dma_start3A_205 = tpu.memref_slice %arg9[%dma_start3A_203, %dma_start3A_204] : memref<10112x16xf32, #tpu.memory_space<vmem_shared>> -> memref<10112x16xf32, #tpu.memory_space<vmem_shared>>
      tpu.enqueue_indirect_dma source(%arg14 : memref<128x16xf32, #tpu.memory_space<vmem>>) target(%dma_start3A_205 : memref<10112x16xf32, #tpu.memory_space<vmem_shared>>) offsets(%dma_start3A_202 : memref<128xi32, #tpu.memory_space<vmem>>) semaphore(%arg30 : memref<!tpu.dma_semaphore, #tpu.memory_space<semaphore_mem>>) {add = true}
      %mul3A_206 = arith.constant 8 : i32
      %mul3A_207 = arith.muli %scan3A_125, %mul3A_206 : i32
      %add3A_208 = arith.constant 5 : i32
      %add3A_209 = arith.addi %mul3A_207, %add3A_208 : i32
      %dma_wait3A_210 = arith.constant 0 : i32
      %dma_wait3A_211 = tpu.memref_slice %arg7[%add3A_209, %dma_wait3A_210] : memref<80x128xi32, #tpu.memory_space<vmem>> -> memref<1x128xi32, #tpu.memory_space<vmem>>
      %dma_wait3A_212 = tpu.memref_squeeze %dma_wait3A_211 : memref<1x128xi32, #tpu.memory_space<vmem>> -> memref<128xi32, #tpu.memory_space<vmem>>
      %dma_wait3A_213 = arith.constant 0 : i32
      %dma_wait3A_214 = arith.constant 0 : i32
      %dma_wait3A_215 = tpu.memref_slice %arg4[%dma_wait3A_213, %dma_wait3A_214] : memref<10000x16xf32, #tpu.memory_space<hbm>> -> memref<10000x16xf32, #tpu.memory_space<hbm>>
      tpu.wait_indirect_dma semaphore(%arg23 : memref<!tpu.dma_semaphore, #tpu.memory_space<semaphore_mem>>) src(%dma_wait3A_215 : memref<10000x16xf32, #tpu.memory_space<hbm>>) dst(%arg15 : memref<128x16xf32, #tpu.memory_space<vmem>>)
      %dma_start3A_216 = arith.constant 0 : i32
      %dma_start3A_217 = tpu.memref_slice %arg8[%add3A_209, %dma_start3A_216] : memref<80x128xi32, #tpu.memory_space<vmem>> -> memref<1x128xi32, #tpu.memory_space<vmem>>
      %dma_start3A_218 = tpu.memref_squeeze %dma_start3A_217 : memref<1x128xi32, #tpu.memory_space<vmem>> -> memref<128xi32, #tpu.memory_space<vmem>>
      %dma_start3A_219 = arith.constant 0 : i32
      %dma_start3A_220 = arith.constant 0 : i32
      %dma_start3A_221 = tpu.memref_slice %arg9[%dma_start3A_219, %dma_start3A_220] : memref<10112x16xf32, #tpu.memory_space<vmem_shared>> -> memref<10112x16xf32, #tpu.memory_space<vmem_shared>>
      tpu.enqueue_indirect_dma source(%arg15 : memref<128x16xf32, #tpu.memory_space<vmem>>) target(%dma_start3A_221 : memref<10112x16xf32, #tpu.memory_space<vmem_shared>>) offsets(%dma_start3A_218 : memref<128xi32, #tpu.memory_space<vmem>>) semaphore(%arg31 : memref<!tpu.dma_semaphore, #tpu.memory_space<semaphore_mem>>) {add = true}
      %mul3A_222 = arith.constant 8 : i32
      %mul3A_223 = arith.muli %scan3A_125, %mul3A_222 : i32
      %add3A_224 = arith.constant 6 : i32
      %add3A_225 = arith.addi %mul3A_223, %add3A_224 : i32
      %dma_wait3A_226 = arith.constant 0 : i32
      %dma_wait3A_227 = tpu.memref_slice %arg7[%add3A_225, %dma_wait3A_226] : memref<80x128xi32, #tpu.memory_space<vmem>> -> memref<1x128xi32, #tpu.memory_space<vmem>>
      %dma_wait3A_228 = tpu.memref_squeeze %dma_wait3A_227 : memref<1x128xi32, #tpu.memory_space<vmem>> -> memref<128xi32, #tpu.memory_space<vmem>>
      %dma_wait3A_229 = arith.constant 0 : i32
      %dma_wait3A_230 = arith.constant 0 : i32
      %dma_wait3A_231 = tpu.memref_slice %arg4[%dma_wait3A_229, %dma_wait3A_230] : memref<10000x16xf32, #tpu.memory_space<hbm>> -> memref<10000x16xf32, #tpu.memory_space<hbm>>
      tpu.wait_indirect_dma semaphore(%arg24 : memref<!tpu.dma_semaphore, #tpu.memory_space<semaphore_mem>>) src(%dma_wait3A_231 : memref<10000x16xf32, #tpu.memory_space<hbm>>) dst(%arg16 : memref<128x16xf32, #tpu.memory_space<vmem>>)
      %dma_start3A_232 = arith.constant 0 : i32
      %dma_start3A_233 = tpu.memref_slice %arg8[%add3A_225, %dma_start3A_232] : memref<80x128xi32, #tpu.memory_space<vmem>> -> memref<1x128xi32, #tpu.memory_space<vmem>>
      %dma_start3A_234 = tpu.memref_squeeze %dma_start3A_233 : memref<1x128xi32, #tpu.memory_space<vmem>> -> memref<128xi32, #tpu.memory_space<vmem>>
      %dma_start3A_235 = arith.constant 0 : i32
      %dma_start3A_236 = arith.constant 0 : i32
      %dma_start3A_237 = tpu.memref_slice %arg9[%dma_start3A_235, %dma_start3A_236] : memref<10112x16xf32, #tpu.memory_space<vmem_shared>> -> memref<10112x16xf32, #tpu.memory_space<vmem_shared>>
      tpu.enqueue_indirect_dma source(%arg16 : memref<128x16xf32, #tpu.memory_space<vmem>>) target(%dma_start3A_237 : memref<10112x16xf32, #tpu.memory_space<vmem_shared>>) offsets(%dma_start3A_234 : memref<128xi32, #tpu.memory_space<vmem>>) semaphore(%arg32 : memref<!tpu.dma_semaphore, #tpu.memory_space<semaphore_mem>>) {add = true}
      %mul3A_238 = arith.constant 8 : i32
      %mul3A_239 = arith.muli %scan3A_125, %mul3A_238 : i32
      %add3A_240 = arith.constant 7 : i32
      %add3A_241 = arith.addi %mul3A_239, %add3A_240 : i32
      %dma_wait3A_242 = arith.constant 0 : i32
      %dma_wait3A_243 = tpu.memref_slice %arg7[%add3A_241, %dma_wait3A_242] : memref<80x128xi32, #tpu.memory_space<vmem>> -> memref<1x128xi32, #tpu.memory_space<vmem>>
      %dma_wait3A_244 = tpu.memref_squeeze %dma_wait3A_243 : memref<1x128xi32, #tpu.memory_space<vmem>> -> memref<128xi32, #tpu.memory_space<vmem>>
      %dma_wait3A_245 = arith.constant 0 : i32
      %dma_wait3A_246 = arith.constant 0 : i32
      %dma_wait3A_247 = tpu.memref_slice %arg4[%dma_wait3A_245, %dma_wait3A_246] : memref<10000x16xf32, #tpu.memory_space<hbm>> -> memref<10000x16xf32, #tpu.memory_space<hbm>>
      tpu.wait_indirect_dma semaphore(%arg25 : memref<!tpu.dma_semaphore, #tpu.memory_space<semaphore_mem>>) src(%dma_wait3A_247 : memref<10000x16xf32, #tpu.memory_space<hbm>>) dst(%arg17 : memref<128x16xf32, #tpu.memory_space<vmem>>)
      %dma_start3A_248 = arith.constant 0 : i32
      %dma_start3A_249 = tpu.memref_slice %arg8[%add3A_241, %dma_start3A_248] : memref<80x128xi32, #tpu.memory_space<vmem>> -> memref<1x128xi32, #tpu.memory_space<vmem>>
      %dma_start3A_250 = tpu.memref_squeeze %dma_start3A_249 : memref<1x128xi32, #tpu.memory_space<vmem>> -> memref<128xi32, #tpu.memory_space<vmem>>
      %dma_start3A_251 = arith.constant 0 : i32
      %dma_start3A_252 = arith.constant 0 : i32
      %dma_start3A_253 = tpu.memref_slice %arg9[%dma_start3A_251, %dma_start3A_252] : memref<10112x16xf32, #tpu.memory_space<vmem_shared>> -> memref<10112x16xf32, #tpu.memory_space<vmem_shared>>
      tpu.enqueue_indirect_dma source(%arg17 : memref<128x16xf32, #tpu.memory_space<vmem>>) target(%dma_start3A_253 : memref<10112x16xf32, #tpu.memory_space<vmem_shared>>) offsets(%dma_start3A_250 : memref<128xi32, #tpu.memory_space<vmem>>) semaphore(%arg33 : memref<!tpu.dma_semaphore, #tpu.memory_space<semaphore_mem>>) {add = true}
      %mul3A_254 = arith.constant 8 : i32
      %mul3A_255 = arith.muli %scan3A_125, %mul3A_254 : i32
      %add3A_256 = arith.constant 0 : i32
      %add3A_257 = arith.addi %mul3A_255, %add3A_256 : i32
      %add3A_258 = arith.constant 8 : i32
      %add3A_259 = arith.addi %add3A_257, %add3A_258 : i32
      %rem3A = arith.constant 80 : i32
      %rem3A_260 = arith.remsi %add3A_259, %rem3A : i32
      %dma_wait3A_261 = arith.constant 0 : i32
      %dma_wait3A_262 = tpu.memref_slice %arg8[%add3A_257, %dma_wait3A_261] : memref<80x128xi32, #tpu.memory_space<vmem>> -> memref<1x128xi32, #tpu.memory_space<vmem>>
      %dma_wait3A_263 = tpu.memref_squeeze %dma_wait3A_262 : memref<1x128xi32, #tpu.memory_space<vmem>> -> memref<128xi32, #tpu.memory_space<vmem>>
      %dma_wait3A_264 = arith.constant 0 : i32
      %dma_wait3A_265 = arith.constant 0 : i32
      %dma_wait3A_266 = tpu.memref_slice %arg9[%dma_wait3A_264, %dma_wait3A_265] : memref<10112x16xf32, #tpu.memory_space<vmem_shared>> -> memref<10112x16xf32, #tpu.memory_space<vmem_shared>>
      tpu.wait_indirect_dma semaphore(%arg26 : memref<!tpu.dma_semaphore, #tpu.memory_space<semaphore_mem>>) src(%arg10 : memref<128x16xf32, #tpu.memory_space<vmem>>) dst(%dma_wait3A_266 : memref<10112x16xf32, #tpu.memory_space<vmem_shared>>)
      %dma_start3A_267 = arith.constant 0 : i32
      %dma_start3A_268 = tpu.memref_slice %arg7[%rem3A_260, %dma_start3A_267] : memref<80x128xi32, #tpu.memory_space<vmem>> -> memref<1x128xi32, #tpu.memory_space<vmem>>
      %dma_start3A_269 = tpu.memref_squeeze %dma_start3A_268 : memref<1x128xi32, #tpu.memory_space<vmem>> -> memref<128xi32, #tpu.memory_space<vmem>>
      %dma_start3A_270 = arith.constant 0 : i32
      %dma_start3A_271 = arith.constant 0 : i32
      %dma_start3A_272 = tpu.memref_slice %arg4[%dma_start3A_270, %dma_start3A_271] : memref<10000x16xf32, #tpu.memory_space<hbm>> -> memref<10000x16xf32, #tpu.memory_space<hbm>>
      tpu.enqueue_indirect_dma source(%dma_start3A_272 : memref<10000x16xf32, #tpu.memory_space<hbm>>) target(%arg10 : memref<128x16xf32, #tpu.memory_space<vmem>>) offsets(%dma_start3A_269 : memref<128xi32, #tpu.memory_space<vmem>>) semaphore(%arg18 : memref<!tpu.dma_semaphore, #tpu.memory_space<semaphore_mem>>)
      %mul3A_273 = arith.constant 8 : i32
      %mul3A_274 = arith.muli %scan3A_125, %mul3A_273 : i32
      %add3A_275 = arith.constant 1 : i32
      %add3A_276 = arith.addi %mul3A_274, %add3A_275 : i32
      %add3A_277 = arith.constant 8 : i32
      %add3A_278 = arith.addi %add3A_276, %add3A_277 : i32
      %rem3A_279 = arith.constant 80 : i32
      %rem3A_280 = arith.remsi %add3A_278, %rem3A_279 : i32
      %dma_wait3A_281 = arith.constant 0 : i32
      %dma_wait3A_282 = tpu.memref_slice %arg8[%add3A_276, %dma_wait3A_281] : memref<80x128xi32, #tpu.memory_space<vmem>> -> memref<1x128xi32, #tpu.memory_space<vmem>>
      %dma_wait3A_283 = tpu.memref_squeeze %dma_wait3A_282 : memref<1x128xi32, #tpu.memory_space<vmem>> -> memref<128xi32, #tpu.memory_space<vmem>>
      %dma_wait3A_284 = arith.constant 0 : i32
      %dma_wait3A_285 = arith.constant 0 : i32
      %dma_wait3A_286 = tpu.memref_slice %arg9[%dma_wait3A_284, %dma_wait3A_285] : memref<10112x16xf32, #tpu.memory_space<vmem_shared>> -> memref<10112x16xf32, #tpu.memory_space<vmem_shared>>
      tpu.wait_indirect_dma semaphore(%arg27 : memref<!tpu.dma_semaphore, #tpu.memory_space<semaphore_mem>>) src(%arg11 : memref<128x16xf32, #tpu.memory_space<vmem>>) dst(%dma_wait3A_286 : memref<10112x16xf32, #tpu.memory_space<vmem_shared>>)
      %dma_start3A_287 = arith.constant 0 : i32
      %dma_start3A_288 = tpu.memref_slice %arg7[%rem3A_280, %dma_start3A_287] : memref<80x128xi32, #tpu.memory_space<vmem>> -> memref<1x128xi32, #tpu.memory_space<vmem>>
      %dma_start3A_289 = tpu.memref_squeeze %dma_start3A_288 : memref<1x128xi32, #tpu.memory_space<vmem>> -> memref<128xi32, #tpu.memory_space<vmem>>
      %dma_start3A_290 = arith.constant 0 : i32
      %dma_start3A_291 = arith.constant 0 : i32
      %dma_start3A_292 = tpu.memref_slice %arg4[%dma_start3A_290, %dma_start3A_291] : memref<10000x16xf32, #tpu.memory_space<hbm>> -> memref<10000x16xf32, #tpu.memory_space<hbm>>
      tpu.enqueue_indirect_dma source(%dma_start3A_292 : memref<10000x16xf32, #tpu.memory_space<hbm>>) target(%arg11 : memref<128x16xf32, #tpu.memory_space<vmem>>) offsets(%dma_start3A_289 : memref<128xi32, #tpu.memory_space<vmem>>) semaphore(%arg19 : memref<!tpu.dma_semaphore, #tpu.memory_space<semaphore_mem>>)
      %mul3A_293 = arith.constant 8 : i32
      %mul3A_294 = arith.muli %scan3A_125, %mul3A_293 : i32
      %add3A_295 = arith.constant 2 : i32
      %add3A_296 = arith.addi %mul3A_294, %add3A_295 : i32
      %add3A_297 = arith.constant 8 : i32
      %add3A_298 = arith.addi %add3A_296, %add3A_297 : i32
      %rem3A_299 = arith.constant 80 : i32
      %rem3A_300 = arith.remsi %add3A_298, %rem3A_299 : i32
      %dma_wait3A_301 = arith.constant 0 : i32
      %dma_wait3A_302 = tpu.memref_slice %arg8[%add3A_296, %dma_wait3A_301] : memref<80x128xi32, #tpu.memory_space<vmem>> -> memref<1x128xi32, #tpu.memory_space<vmem>>
      %dma_wait3A_303 = tpu.memref_squeeze %dma_wait3A_302 : memref<1x128xi32, #tpu.memory_space<vmem>> -> memref<128xi32, #tpu.memory_space<vmem>>
      %dma_wait3A_304 = arith.constant 0 : i32
      %dma_wait3A_305 = arith.constant 0 : i32
      %dma_wait3A_306 = tpu.memref_slice %arg9[%dma_wait3A_304, %dma_wait3A_305] : memref<10112x16xf32, #tpu.memory_space<vmem_shared>> -> memref<10112x16xf32, #tpu.memory_space<vmem_shared>>
      tpu.wait_indirect_dma semaphore(%arg28 : memref<!tpu.dma_semaphore, #tpu.memory_space<semaphore_mem>>) src(%arg12 : memref<128x16xf32, #tpu.memory_space<vmem>>) dst(%dma_wait3A_306 : memref<10112x16xf32, #tpu.memory_space<vmem_shared>>)
      %dma_start3A_307 = arith.constant 0 : i32
      %dma_start3A_308 = tpu.memref_slice %arg7[%rem3A_300, %dma_start3A_307] : memref<80x128xi32, #tpu.memory_space<vmem>> -> memref<1x128xi32, #tpu.memory_space<vmem>>
      %dma_start3A_309 = tpu.memref_squeeze %dma_start3A_308 : memref<1x128xi32, #tpu.memory_space<vmem>> -> memref<128xi32, #tpu.memory_space<vmem>>
      %dma_start3A_310 = arith.constant 0 : i32
      %dma_start3A_311 = arith.constant 0 : i32
      %dma_start3A_312 = tpu.memref_slice %arg4[%dma_start3A_310, %dma_start3A_311] : memref<10000x16xf32, #tpu.memory_space<hbm>> -> memref<10000x16xf32, #tpu.memory_space<hbm>>
      tpu.enqueue_indirect_dma source(%dma_start3A_312 : memref<10000x16xf32, #tpu.memory_space<hbm>>) target(%arg12 : memref<128x16xf32, #tpu.memory_space<vmem>>) offsets(%dma_start3A_309 : memref<128xi32, #tpu.memory_space<vmem>>) semaphore(%arg20 : memref<!tpu.dma_semaphore, #tpu.memory_space<semaphore_mem>>)
      %mul3A_313 = arith.constant 8 : i32
      %mul3A_314 = arith.muli %scan3A_125, %mul3A_313 : i32
      %add3A_315 = arith.constant 3 : i32
      %add3A_316 = arith.addi %mul3A_314, %add3A_315 : i32
      %add3A_317 = arith.constant 8 : i32
      %add3A_318 = arith.addi %add3A_316, %add3A_317 : i32
      %rem3A_319 = arith.constant 80 : i32
      %rem3A_320 = arith.remsi %add3A_318, %rem3A_319 : i32
      %dma_wait3A_321 = arith.constant 0 : i32
      %dma_wait3A_322 = tpu.memref_slice %arg8[%add3A_316, %dma_wait3A_321] : memref<80x128xi32, #tpu.memory_space<vmem>> -> memref<1x128xi32, #tpu.memory_space<vmem>>
      %dma_wait3A_323 = tpu.memref_squeeze %dma_wait3A_322 : memref<1x128xi32, #tpu.memory_space<vmem>> -> memref<128xi32, #tpu.memory_space<vmem>>
      %dma_wait3A_324 = arith.constant 0 : i32
      %dma_wait3A_325 = arith.constant 0 : i32
      %dma_wait3A_326 = tpu.memref_slice %arg9[%dma_wait3A_324, %dma_wait3A_325] : memref<10112x16xf32, #tpu.memory_space<vmem_shared>> -> memref<10112x16xf32, #tpu.memory_space<vmem_shared>>
      tpu.wait_indirect_dma semaphore(%arg29 : memref<!tpu.dma_semaphore, #tpu.memory_space<semaphore_mem>>) src(%arg13 : memref<128x16xf32, #tpu.memory_space<vmem>>) dst(%dma_wait3A_326 : memref<10112x16xf32, #tpu.memory_space<vmem_shared>>)
      %dma_start3A_327 = arith.constant 0 : i32
      %dma_start3A_328 = tpu.memref_slice %arg7[%rem3A_320, %dma_start3A_327] : memref<80x128xi32, #tpu.memory_space<vmem>> -> memref<1x128xi32, #tpu.memory_space<vmem>>
      %dma_start3A_329 = tpu.memref_squeeze %dma_start3A_328 : memref<1x128xi32, #tpu.memory_space<vmem>> -> memref<128xi32, #tpu.memory_space<vmem>>
      %dma_start3A_330 = arith.constant 0 : i32
      %dma_start3A_331 = arith.constant 0 : i32
      %dma_start3A_332 = tpu.memref_slice %arg4[%dma_start3A_330, %dma_start3A_331] : memref<10000x16xf32, #tpu.memory_space<hbm>> -> memref<10000x16xf32, #tpu.memory_space<hbm>>
      tpu.enqueue_indirect_dma source(%dma_start3A_332 : memref<10000x16xf32, #tpu.memory_space<hbm>>) target(%arg13 : memref<128x16xf32, #tpu.memory_space<vmem>>) offsets(%dma_start3A_329 : memref<128xi32, #tpu.memory_space<vmem>>) semaphore(%arg21 : memref<!tpu.dma_semaphore, #tpu.memory_space<semaphore_mem>>)
      %mul3A_333 = arith.constant 8 : i32
      %mul3A_334 = arith.muli %scan3A_125, %mul3A_333 : i32
      %add3A_335 = arith.constant 4 : i32
      %add3A_336 = arith.addi %mul3A_334, %add3A_335 : i32
      %add3A_337 = arith.constant 8 : i32
      %add3A_338 = arith.addi %add3A_336, %add3A_337 : i32
      %rem3A_339 = arith.constant 80 : i32
      %rem3A_340 = arith.remsi %add3A_338, %rem3A_339 : i32
      %dma_wait3A_341 = arith.constant 0 : i32
      %dma_wait3A_342 = tpu.memref_slice %arg8[%add3A_336, %dma_wait3A_341] : memref<80x128xi32, #tpu.memory_space<vmem>> -> memref<1x128xi32, #tpu.memory_space<vmem>>
      %dma_wait3A_343 = tpu.memref_squeeze %dma_wait3A_342 : memref<1x128xi32, #tpu.memory_space<vmem>> -> memref<128xi32, #tpu.memory_space<vmem>>
      %dma_wait3A_344 = arith.constant 0 : i32
      %dma_wait3A_345 = arith.constant 0 : i32
      %dma_wait3A_346 = tpu.memref_slice %arg9[%dma_wait3A_344, %dma_wait3A_345] : memref<10112x16xf32, #tpu.memory_space<vmem_shared>> -> memref<10112x16xf32, #tpu.memory_space<vmem_shared>>
      tpu.wait_indirect_dma semaphore(%arg30 : memref<!tpu.dma_semaphore, #tpu.memory_space<semaphore_mem>>) src(%arg14 : memref<128x16xf32, #tpu.memory_space<vmem>>) dst(%dma_wait3A_346 : memref<10112x16xf32, #tpu.memory_space<vmem_shared>>)
      %dma_start3A_347 = arith.constant 0 : i32
      %dma_start3A_348 = tpu.memref_slice %arg7[%rem3A_340, %dma_start3A_347] : memref<80x128xi32, #tpu.memory_space<vmem>> -> memref<1x128xi32, #tpu.memory_space<vmem>>
      %dma_start3A_349 = tpu.memref_squeeze %dma_start3A_348 : memref<1x128xi32, #tpu.memory_space<vmem>> -> memref<128xi32, #tpu.memory_space<vmem>>
      %dma_start3A_350 = arith.constant 0 : i32
      %dma_start3A_351 = arith.constant 0 : i32
      %dma_start3A_352 = tpu.memref_slice %arg4[%dma_start3A_350, %dma_start3A_351] : memref<10000x16xf32, #tpu.memory_space<hbm>> -> memref<10000x16xf32, #tpu.memory_space<hbm>>
      tpu.enqueue_indirect_dma source(%dma_start3A_352 : memref<10000x16xf32, #tpu.memory_space<hbm>>) target(%arg14 : memref<128x16xf32, #tpu.memory_space<vmem>>) offsets(%dma_start3A_349 : memref<128xi32, #tpu.memory_space<vmem>>) semaphore(%arg22 : memref<!tpu.dma_semaphore, #tpu.memory_space<semaphore_mem>>)
      %mul3A_353 = arith.constant 8 : i32
      %mul3A_354 = arith.muli %scan3A_125, %mul3A_353 : i32
      %add3A_355 = arith.constant 5 : i32
      %add3A_356 = arith.addi %mul3A_354, %add3A_355 : i32
      %add3A_357 = arith.constant 8 : i32
      %add3A_358 = arith.addi %add3A_356, %add3A_357 : i32
      %rem3A_359 = arith.constant 80 : i32
      %rem3A_360 = arith.remsi %add3A_358, %rem3A_359 : i32
      %dma_wait3A_361 = arith.constant 0 : i32
      %dma_wait3A_362 = tpu.memref_slice %arg8[%add3A_356, %dma_wait3A_361] : memref<80x128xi32, #tpu.memory_space<vmem>> -> memref<1x128xi32, #tpu.memory_space<vmem>>
      %dma_wait3A_363 = tpu.memref_squeeze %dma_wait3A_362 : memref<1x128xi32, #tpu.memory_space<vmem>> -> memref<128xi32, #tpu.memory_space<vmem>>
      %dma_wait3A_364 = arith.constant 0 : i32
      %dma_wait3A_365 = arith.constant 0 : i32
      %dma_wait3A_366 = tpu.memref_slice %arg9[%dma_wait3A_364, %dma_wait3A_365] : memref<10112x16xf32, #tpu.memory_space<vmem_shared>> -> memref<10112x16xf32, #tpu.memory_space<vmem_shared>>
      tpu.wait_indirect_dma semaphore(%arg31 : memref<!tpu.dma_semaphore, #tpu.memory_space<semaphore_mem>>) src(%arg15 : memref<128x16xf32, #tpu.memory_space<vmem>>) dst(%dma_wait3A_366 : memref<10112x16xf32, #tpu.memory_space<vmem_shared>>)
      %dma_start3A_367 = arith.constant 0 : i32
      %dma_start3A_368 = tpu.memref_slice %arg7[%rem3A_360, %dma_start3A_367] : memref<80x128xi32, #tpu.memory_space<vmem>> -> memref<1x128xi32, #tpu.memory_space<vmem>>
      %dma_start3A_369 = tpu.memref_squeeze %dma_start3A_368 : memref<1x128xi32, #tpu.memory_space<vmem>> -> memref<128xi32, #tpu.memory_space<vmem>>
      %dma_start3A_370 = arith.constant 0 : i32
      %dma_start3A_371 = arith.constant 0 : i32
      %dma_start3A_372 = tpu.memref_slice %arg4[%dma_start3A_370, %dma_start3A_371] : memref<10000x16xf32, #tpu.memory_space<hbm>> -> memref<10000x16xf32, #tpu.memory_space<hbm>>
      tpu.enqueue_indirect_dma source(%dma_start3A_372 : memref<10000x16xf32, #tpu.memory_space<hbm>>) target(%arg15 : memref<128x16xf32, #tpu.memory_space<vmem>>) offsets(%dma_start3A_369 : memref<128xi32, #tpu.memory_space<vmem>>) semaphore(%arg23 : memref<!tpu.dma_semaphore, #tpu.memory_space<semaphore_mem>>)
      %mul3A_373 = arith.constant 8 : i32
      %mul3A_374 = arith.muli %scan3A_125, %mul3A_373 : i32
      %add3A_375 = arith.constant 6 : i32
      %add3A_376 = arith.addi %mul3A_374, %add3A_375 : i32
      %add3A_377 = arith.constant 8 : i32
      %add3A_378 = arith.addi %add3A_376, %add3A_377 : i32
      %rem3A_379 = arith.constant 80 : i32
      %rem3A_380 = arith.remsi %add3A_378, %rem3A_379 : i32
      %dma_wait3A_381 = arith.constant 0 : i32
      %dma_wait3A_382 = tpu.memref_slice %arg8[%add3A_376, %dma_wait3A_381] : memref<80x128xi32, #tpu.memory_space<vmem>> -> memref<1x128xi32, #tpu.memory_space<vmem>>
      %dma_wait3A_383 = tpu.memref_squeeze %dma_wait3A_382 : memref<1x128xi32, #tpu.memory_space<vmem>> -> memref<128xi32, #tpu.memory_space<vmem>>
      %dma_wait3A_384 = arith.constant 0 : i32
      %dma_wait3A_385 = arith.constant 0 : i32
      %dma_wait3A_386 = tpu.memref_slice %arg9[%dma_wait3A_384, %dma_wait3A_385] : memref<10112x16xf32, #tpu.memory_space<vmem_shared>> -> memref<10112x16xf32, #tpu.memory_space<vmem_shared>>
      tpu.wait_indirect_dma semaphore(%arg32 : memref<!tpu.dma_semaphore, #tpu.memory_space<semaphore_mem>>) src(%arg16 : memref<128x16xf32, #tpu.memory_space<vmem>>) dst(%dma_wait3A_386 : memref<10112x16xf32, #tpu.memory_space<vmem_shared>>)
      %dma_start3A_387 = arith.constant 0 : i32
      %dma_start3A_388 = tpu.memref_slice %arg7[%rem3A_380, %dma_start3A_387] : memref<80x128xi32, #tpu.memory_space<vmem>> -> memref<1x128xi32, #tpu.memory_space<vmem>>
      %dma_start3A_389 = tpu.memref_squeeze %dma_start3A_388 : memref<1x128xi32, #tpu.memory_space<vmem>> -> memref<128xi32, #tpu.memory_space<vmem>>
      %dma_start3A_390 = arith.constant 0 : i32
      %dma_start3A_391 = arith.constant 0 : i32
      %dma_start3A_392 = tpu.memref_slice %arg4[%dma_start3A_390, %dma_start3A_391] : memref<10000x16xf32, #tpu.memory_space<hbm>> -> memref<10000x16xf32, #tpu.memory_space<hbm>>
      tpu.enqueue_indirect_dma source(%dma_start3A_392 : memref<10000x16xf32, #tpu.memory_space<hbm>>) target(%arg16 : memref<128x16xf32, #tpu.memory_space<vmem>>) offsets(%dma_start3A_389 : memref<128xi32, #tpu.memory_space<vmem>>) semaphore(%arg24 : memref<!tpu.dma_semaphore, #tpu.memory_space<semaphore_mem>>)
      %mul3A_393 = arith.constant 8 : i32
      %mul3A_394 = arith.muli %scan3A_125, %mul3A_393 : i32
      %add3A_395 = arith.constant 7 : i32
      %add3A_396 = arith.addi %mul3A_394, %add3A_395 : i32
      %add3A_397 = arith.constant 8 : i32
      %add3A_398 = arith.addi %add3A_396, %add3A_397 : i32
      %rem3A_399 = arith.constant 80 : i32
      %rem3A_400 = arith.remsi %add3A_398, %rem3A_399 : i32
      %dma_wait3A_401 = arith.constant 0 : i32
      %dma_wait3A_402 = tpu.memref_slice %arg8[%add3A_396, %dma_wait3A_401] : memref<80x128xi32, #tpu.memory_space<vmem>> -> memref<1x128xi32, #tpu.memory_space<vmem>>
      %dma_wait3A_403 = tpu.memref_squeeze %dma_wait3A_402 : memref<1x128xi32, #tpu.memory_space<vmem>> -> memref<128xi32, #tpu.memory_space<vmem>>
      %dma_wait3A_404 = arith.constant 0 : i32
      %dma_wait3A_405 = arith.constant 0 : i32
      %dma_wait3A_406 = tpu.memref_slice %arg9[%dma_wait3A_404, %dma_wait3A_405] : memref<10112x16xf32, #tpu.memory_space<vmem_shared>> -> memref<10112x16xf32, #tpu.memory_space<vmem_shared>>
      tpu.wait_indirect_dma semaphore(%arg33 : memref<!tpu.dma_semaphore, #tpu.memory_space<semaphore_mem>>) src(%arg17 : memref<128x16xf32, #tpu.memory_space<vmem>>) dst(%dma_wait3A_406 : memref<10112x16xf32, #tpu.memory_space<vmem_shared>>)
      %dma_start3A_407 = arith.constant 0 : i32
      %dma_start3A_408 = tpu.memref_slice %arg7[%rem3A_400, %dma_start3A_407] : memref<80x128xi32, #tpu.memory_space<vmem>> -> memref<1x128xi32, #tpu.memory_space<vmem>>
      %dma_start3A_409 = tpu.memref_squeeze %dma_start3A_408 : memref<1x128xi32, #tpu.memory_space<vmem>> -> memref<128xi32, #tpu.memory_space<vmem>>
      %dma_start3A_410 = arith.constant 0 : i32
      %dma_start3A_411 = arith.constant 0 : i32
      %dma_start3A_412 = tpu.memref_slice %arg4[%dma_start3A_410, %dma_start3A_411] : memref<10000x16xf32, #tpu.memory_space<hbm>> -> memref<10000x16xf32, #tpu.memory_space<hbm>>
      tpu.enqueue_indirect_dma source(%dma_start3A_412 : memref<10000x16xf32, #tpu.memory_space<hbm>>) target(%arg17 : memref<128x16xf32, #tpu.memory_space<vmem>>) offsets(%dma_start3A_409 : memref<128xi32, #tpu.memory_space<vmem>>) semaphore(%arg25 : memref<!tpu.dma_semaphore, #tpu.memory_space<semaphore_mem>>)
    }
    %scan3A_64 = arith.constant 10 : i32
    %dma_wait3A = arith.constant 0 : i32
    %dma_wait3A_65 = arith.constant 0 : i32
    %dma_wait3A_66 = tpu.memref_slice %arg7[%dma_wait3A, %dma_wait3A_65] : memref<80x128xi32, #tpu.memory_space<vmem>> -> memref<1x128xi32, #tpu.memory_space<vmem>>
    %dma_wait3A_67 = tpu.memref_squeeze %dma_wait3A_66 : memref<1x128xi32, #tpu.memory_space<vmem>> -> memref<128xi32, #tpu.memory_space<vmem>>
    %dma_wait3A_68 = arith.constant 0 : i32
    %dma_wait3A_69 = arith.constant 0 : i32
    %dma_wait3A_70 = tpu.memref_slice %arg4[%dma_wait3A_68, %dma_wait3A_69] : memref<10000x16xf32, #tpu.memory_space<hbm>> -> memref<10000x16xf32, #tpu.memory_space<hbm>>
    tpu.wait_indirect_dma semaphore(%arg18 : memref<!tpu.dma_semaphore, #tpu.memory_space<semaphore_mem>>) src(%dma_wait3A_70 : memref<10000x16xf32, #tpu.memory_space<hbm>>) dst(%arg10 : memref<128x16xf32, #tpu.memory_space<vmem>>)
    %dma_wait3A_71 = arith.constant 1 : i32
    %dma_wait3A_72 = arith.constant 0 : i32
    %dma_wait3A_73 = tpu.memref_slice %arg7[%dma_wait3A_71, %dma_wait3A_72] : memref<80x128xi32, #tpu.memory_space<vmem>> -> memref<1x128xi32, #tpu.memory_space<vmem>>
    %dma_wait3A_74 = tpu.memref_squeeze %dma_wait3A_73 : memref<1x128xi32, #tpu.memory_space<vmem>> -> memref<128xi32, #tpu.memory_space<vmem>>
    %dma_wait3A_75 = arith.constant 0 : i32
    %dma_wait3A_76 = arith.constant 0 : i32
    %dma_wait3A_77 = tpu.memref_slice %arg4[%dma_wait3A_75, %dma_wait3A_76] : memref<10000x16xf32, #tpu.memory_space<hbm>> -> memref<10000x16xf32, #tpu.memory_space<hbm>>
    tpu.wait_indirect_dma semaphore(%arg19 : memref<!tpu.dma_semaphore, #tpu.memory_space<semaphore_mem>>) src(%dma_wait3A_77 : memref<10000x16xf32, #tpu.memory_space<hbm>>) dst(%arg11 : memref<128x16xf32, #tpu.memory_space<vmem>>)
    %dma_wait3A_78 = arith.constant 2 : i32
    %dma_wait3A_79 = arith.constant 0 : i32
    %dma_wait3A_80 = tpu.memref_slice %arg7[%dma_wait3A_78, %dma_wait3A_79] : memref<80x128xi32, #tpu.memory_space<vmem>> -> memref<1x128xi32, #tpu.memory_space<vmem>>
    %dma_wait3A_81 = tpu.memref_squeeze %dma_wait3A_80 : memref<1x128xi32, #tpu.memory_space<vmem>> -> memref<128xi32, #tpu.memory_space<vmem>>
    %dma_wait3A_82 = arith.constant 0 : i32
    %dma_wait3A_83 = arith.constant 0 : i32
    %dma_wait3A_84 = tpu.memref_slice %arg4[%dma_wait3A_82, %dma_wait3A_83] : memref<10000x16xf32, #tpu.memory_space<hbm>> -> memref<10000x16xf32, #tpu.memory_space<hbm>>
    tpu.wait_indirect_dma semaphore(%arg20 : memref<!tpu.dma_semaphore, #tpu.memory_space<semaphore_mem>>) src(%dma_wait3A_84 : memref<10000x16xf32, #tpu.memory_space<hbm>>) dst(%arg12 : memref<128x16xf32, #tpu.memory_space<vmem>>)
    %dma_wait3A_85 = arith.constant 3 : i32
    %dma_wait3A_86 = arith.constant 0 : i32
    %dma_wait3A_87 = tpu.memref_slice %arg7[%dma_wait3A_85, %dma_wait3A_86] : memref<80x128xi32, #tpu.memory_space<vmem>> -> memref<1x128xi32, #tpu.memory_space<vmem>>
    %dma_wait3A_88 = tpu.memref_squeeze %dma_wait3A_87 : memref<1x128xi32, #tpu.memory_space<vmem>> -> memref<128xi32, #tpu.memory_space<vmem>>
    %dma_wait3A_89 = arith.constant 0 : i32
    %dma_wait3A_90 = arith.constant 0 : i32
    %dma_wait3A_91 = tpu.memref_slice %arg4[%dma_wait3A_89, %dma_wait3A_90] : memref<10000x16xf32, #tpu.memory_space<hbm>> -> memref<10000x16xf32, #tpu.memory_space<hbm>>
    tpu.wait_indirect_dma semaphore(%arg21 : memref<!tpu.dma_semaphore, #tpu.memory_space<semaphore_mem>>) src(%dma_wait3A_91 : memref<10000x16xf32, #tpu.memory_space<hbm>>) dst(%arg13 : memref<128x16xf32, #tpu.memory_space<vmem>>)
    %dma_wait3A_92 = arith.constant 4 : i32
    %dma_wait3A_93 = arith.constant 0 : i32
    %dma_wait3A_94 = tpu.memref_slice %arg7[%dma_wait3A_92, %dma_wait3A_93] : memref<80x128xi32, #tpu.memory_space<vmem>> -> memref<1x128xi32, #tpu.memory_space<vmem>>
    %dma_wait3A_95 = tpu.memref_squeeze %dma_wait3A_94 : memref<1x128xi32, #tpu.memory_space<vmem>> -> memref<128xi32, #tpu.memory_space<vmem>>
    %dma_wait3A_96 = arith.constant 0 : i32
    %dma_wait3A_97 = arith.constant 0 : i32
    %dma_wait3A_98 = tpu.memref_slice %arg4[%dma_wait3A_96, %dma_wait3A_97] : memref<10000x16xf32, #tpu.memory_space<hbm>> -> memref<10000x16xf32, #tpu.memory_space<hbm>>
    tpu.wait_indirect_dma semaphore(%arg22 : memref<!tpu.dma_semaphore, #tpu.memory_space<semaphore_mem>>) src(%dma_wait3A_98 : memref<10000x16xf32, #tpu.memory_space<hbm>>) dst(%arg14 : memref<128x16xf32, #tpu.memory_space<vmem>>)
    %dma_wait3A_99 = arith.constant 5 : i32
    %dma_wait3A_100 = arith.constant 0 : i32
    %dma_wait3A_101 = tpu.memref_slice %arg7[%dma_wait3A_99, %dma_wait3A_100] : memref<80x128xi32, #tpu.memory_space<vmem>> -> memref<1x128xi32, #tpu.memory_space<vmem>>
    %dma_wait3A_102 = tpu.memref_squeeze %dma_wait3A_101 : memref<1x128xi32, #tpu.memory_space<vmem>> -> memref<128xi32, #tpu.memory_space<vmem>>
    %dma_wait3A_103 = arith.constant 0 : i32
    %dma_wait3A_104 = arith.constant 0 : i32
    %dma_wait3A_105 = tpu.memref_slice %arg4[%dma_wait3A_103, %dma_wait3A_104] : memref<10000x16xf32, #tpu.memory_space<hbm>> -> memref<10000x16xf32, #tpu.memory_space<hbm>>
    tpu.wait_indirect_dma semaphore(%arg23 : memref<!tpu.dma_semaphore, #tpu.memory_space<semaphore_mem>>) src(%dma_wait3A_105 : memref<10000x16xf32, #tpu.memory_space<hbm>>) dst(%arg15 : memref<128x16xf32, #tpu.memory_space<vmem>>)
    %dma_wait3A_106 = arith.constant 6 : i32
    %dma_wait3A_107 = arith.constant 0 : i32
    %dma_wait3A_108 = tpu.memref_slice %arg7[%dma_wait3A_106, %dma_wait3A_107] : memref<80x128xi32, #tpu.memory_space<vmem>> -> memref<1x128xi32, #tpu.memory_space<vmem>>
    %dma_wait3A_109 = tpu.memref_squeeze %dma_wait3A_108 : memref<1x128xi32, #tpu.memory_space<vmem>> -> memref<128xi32, #tpu.memory_space<vmem>>
    %dma_wait3A_110 = arith.constant 0 : i32
    %dma_wait3A_111 = arith.constant 0 : i32
    %dma_wait3A_112 = tpu.memref_slice %arg4[%dma_wait3A_110, %dma_wait3A_111] : memref<10000x16xf32, #tpu.memory_space<hbm>> -> memref<10000x16xf32, #tpu.memory_space<hbm>>
    tpu.wait_indirect_dma semaphore(%arg24 : memref<!tpu.dma_semaphore, #tpu.memory_space<semaphore_mem>>) src(%dma_wait3A_112 : memref<10000x16xf32, #tpu.memory_space<hbm>>) dst(%arg16 : memref<128x16xf32, #tpu.memory_space<vmem>>)
    %dma_wait3A_113 = arith.constant 7 : i32
    %dma_wait3A_114 = arith.constant 0 : i32
    %dma_wait3A_115 = tpu.memref_slice %arg7[%dma_wait3A_113, %dma_wait3A_114] : memref<80x128xi32, #tpu.memory_space<vmem>> -> memref<1x128xi32, #tpu.memory_space<vmem>>
    %dma_wait3A_116 = tpu.memref_squeeze %dma_wait3A_115 : memref<1x128xi32, #tpu.memory_space<vmem>> -> memref<128xi32, #tpu.memory_space<vmem>>
    %dma_wait3A_117 = arith.constant 0 : i32
    %dma_wait3A_118 = arith.constant 0 : i32
    %dma_wait3A_119 = tpu.memref_slice %arg4[%dma_wait3A_117, %dma_wait3A_118] : memref<10000x16xf32, #tpu.memory_space<hbm>> -> memref<10000x16xf32, #tpu.memory_space<hbm>>
    tpu.wait_indirect_dma semaphore(%arg25 : memref<!tpu.dma_semaphore, #tpu.memory_space<semaphore_mem>>) src(%dma_wait3A_119 : memref<10000x16xf32, #tpu.memory_space<hbm>>) dst(%arg17 : memref<128x16xf32, #tpu.memory_space<vmem>>)
    %barrier3A_120 = arith.constant 0 : index
    tpu.barrier barrier_id(%barrier3A_120)
    %mul3A_121 = arith.constant 632 : i32
    %mul3A_122 = arith.muli %arg1, %mul3A_121 : i32
    %mul3A_123 = arith.constant 632 : i32
    %mul3A_124 = arith.muli %arg1, %mul3A_123 : i32
    "tpu.region"() ({
      %run_scoped3A = tpu.sem_alloc : memref<!tpu.dma_semaphore, #tpu.memory_space<semaphore_mem>>
      %dma_start3A_125 = arith.constant 0 : i32
      %dma_start3A_126 = tpu.memref_slice %arg6[%arg0, %mul3A_124, %dma_start3A_125] : memref<2x10112x16xf32, #tpu.memory_space<hbm>> -> memref<1x632x16xf32, #tpu.memory_space<hbm>>
      %dma_start3A_127 = tpu.memref_squeeze %dma_start3A_126 : memref<1x632x16xf32, #tpu.memory_space<hbm>> -> memref<632x16xf32, #tpu.memory_space<hbm>>
      %dma_start3A_128 = arith.constant 0 : i32
      %dma_start3A_129 = tpu.memref_slice %arg9[%mul3A_122, %dma_start3A_128] : memref<10112x16xf32, #tpu.memory_space<vmem_shared>> -> memref<632x16xf32, #tpu.memory_space<vmem_shared>>
      tpu.enqueue_dma source(%dma_start3A_129 : memref<632x16xf32, #tpu.memory_space<vmem_shared>>) target(%dma_start3A_127 : memref<632x16xf32, #tpu.memory_space<hbm>>) target_semaphore(%run_scoped3A : memref<!tpu.dma_semaphore, #tpu.memory_space<semaphore_mem>>)
      %dma_wait3A_130 = arith.constant 0 : i32
      %dma_wait3A_131 = tpu.memref_slice %arg6[%arg0, %mul3A_124, %dma_wait3A_130] : memref<2x10112x16xf32, #tpu.memory_space<hbm>> -> memref<1x632x16xf32, #tpu.memory_space<hbm>>
      %dma_wait3A_132 = tpu.memref_squeeze %dma_wait3A_131 : memref<1x632x16xf32, #tpu.memory_space<hbm>> -> memref<632x16xf32, #tpu.memory_space<hbm>>
      %dma_wait3A_133 = arith.constant 0 : i32
      %dma_wait3A_134 = tpu.memref_slice %arg9[%mul3A_122, %dma_wait3A_133] : memref<10112x16xf32, #tpu.memory_space<vmem_shared>> -> memref<632x16xf32, #tpu.memory_space<vmem_shared>>
      tpu.wait_dma2 semaphore(%run_scoped3A : memref<!tpu.dma_semaphore, #tpu.memory_space<semaphore_mem>>) src(%dma_wait3A_134 : memref<632x16xf32, #tpu.memory_space<vmem_shared>>) dst(%dma_wait3A_132 : memref<632x16xf32, #tpu.memory_space<hbm>>)
      tpu.yield
    }) : () -> ()
    return
  }
}

#map = affine_map<(d0, d1) -> (0, 0, 0)>
#map1 = affine_map<(d0, d1) -> (0, 0)>
module attributes {stable_mosaic.version = 14 : i64} {
  func.func @k(%arg0: i32, %arg1: i32, %arg2: memref<32x80x128xi32, #tpu.memory_space<hbm>>, %arg3: memref<32x80x128xi32, #tpu.memory_space<hbm>>, %arg4: memref<10000x16xf32, #tpu.memory_space<hbm>>, %arg5: memref<10112x16xf32, #tpu.memory_space<hbm>>, %arg6: memref<2x10112x16xf32, #tpu.memory_space<hbm>>, %arg7: memref<80x128xi32, #tpu.memory_space<vmem>>, %arg8: memref<80x128xi32, #tpu.memory_space<vmem>>, %arg9: memref<10112x16xf32, #tpu.memory_space<vmem_shared>>, %arg10: memref<128x16xf32, #tpu.memory_space<vmem>>, %arg11: memref<128x16xf32, #tpu.memory_space<vmem>>, %arg12: memref<128x16xf32, #tpu.memory_space<vmem>>, %arg13: memref<128x16xf32, #tpu.memory_space<vmem>>, %arg14: memref<128x16xf32, #tpu.memory_space<vmem>>, %arg15: memref<128x16xf32, #tpu.memory_space<vmem>>, %arg16: memref<128x16xf32, #tpu.memory_space<vmem>>, %arg17: memref<128x16xf32, #tpu.memory_space<vmem>>, %arg18: memref<!tpu.dma_semaphore, #tpu.memory_space<semaphore_mem>>, %arg19: memref<!tpu.dma_semaphore, #tpu.memory_space<semaphore_mem>>, %arg20: memref<!tpu.dma_semaphore, #tpu.memory_space<semaphore_mem>>, %arg21: memref<!tpu.dma_semaphore, #tpu.memory_space<semaphore_mem>>, %arg22: memref<!tpu.dma_semaphore, #tpu.memory_space<semaphore_mem>>, %arg23: memref<!tpu.dma_semaphore, #tpu.memory_space<semaphore_mem>>, %arg24: memref<!tpu.dma_semaphore, #tpu.memory_space<semaphore_mem>>, %arg25: memref<!tpu.dma_semaphore, #tpu.memory_space<semaphore_mem>>, %arg26: memref<!tpu.dma_semaphore, #tpu.memory_space<semaphore_mem>>, %arg27: memref<!tpu.dma_semaphore, #tpu.memory_space<semaphore_mem>>, %arg28: memref<!tpu.dma_semaphore, #tpu.memory_space<semaphore_mem>>, %arg29: memref<!tpu.dma_semaphore, #tpu.memory_space<semaphore_mem>>, %arg30: memref<!tpu.dma_semaphore, #tpu.memory_space<semaphore_mem>>, %arg31: memref<!tpu.dma_semaphore, #tpu.memory_space<semaphore_mem>>, %arg32: memref<!tpu.dma_semaphore, #tpu.memory_space<semaphore_mem>>, %arg33: memref<!tpu.dma_semaphore, #tpu.memory_space<semaphore_mem>>) attributes {dimension_semantics = [#tpu.dimension_semantics<core_parallel>, #tpu.dimension_semantics<subcore_parallel>], iteration_bounds = array<i64: 2, 16>, scalar_prefetch = 0 : i64, scratch_operands = 27 : i64, tpu.core_type = #tpu.core_type<sc_vector_subcore>, window_params = [{transform_indices = #map}, {transform_indices = #map}, {transform_indices = #map1}, {transform_indices = #map1}, {transform_indices = #map}]} {
    %mul3A = arith.constant 2 : i32
    %mul3A_0 = arith.muli %arg1, %mul3A : i32
    %add3A = arith.addi %mul3A_0, %arg0 : i32
    %mul3A_1 = arith.constant 632 : i32
    %mul3A_2 = arith.muli %arg1, %mul3A_1 : i32
    %mul3A_3 = arith.constant 632 : i32
    %mul3A_4 = arith.muli %arg1, %mul3A_3 : i32
    "tpu.region"() ({
      %run_scoped3A = tpu.sem_alloc : memref<!tpu.dma_semaphore, #tpu.memory_space<semaphore_mem>>
      %dma_start3A_125 = arith.constant 0 : i32
      %dma_start3A_126 = tpu.memref_slice %arg9[%mul3A_4, %dma_start3A_125] : memref<10112x16xf32, #tpu.memory_space<vmem_shared>> -> memref<632x16xf32, #tpu.memory_space<vmem_shared>>
      %dma_start3A_127 = arith.constant 0 : i32
      %dma_start3A_128 = tpu.memref_slice %arg5[%mul3A_2, %dma_start3A_127] : memref<10112x16xf32, #tpu.memory_space<hbm>> -> memref<632x16xf32, #tpu.memory_space<hbm>>
      tpu.enqueue_dma source(%dma_start3A_128 : memref<632x16xf32, #tpu.memory_space<hbm>>) target(%dma_start3A_126 : memref<632x16xf32, #tpu.memory_space<vmem_shared>>) target_semaphore(%run_scoped3A : memref<!tpu.dma_semaphore, #tpu.memory_space<semaphore_mem>>)
      %dma_wait3A_129 = arith.constant 0 : i32
      %dma_wait3A_130 = tpu.memref_slice %arg9[%mul3A_4, %dma_wait3A_129] : memref<10112x16xf32, #tpu.memory_space<vmem_shared>> -> memref<632x16xf32, #tpu.memory_space<vmem_shared>>
      %dma_wait3A_131 = arith.constant 0 : i32
      %dma_wait3A_132 = tpu.memref_slice %arg5[%mul3A_2, %dma_wait3A_131] : memref<10112x16xf32, #tpu.memory_space<hbm>> -> memref<632x16xf32, #tpu.memory_space<hbm>>
      tpu.wait_dma2 semaphore(%run_scoped3A : memref<!tpu.dma_semaphore, #tpu.memory_space<semaphore_mem>>) src(%dma_wait3A_132 : memref<632x16xf32, #tpu.memory_space<hbm>>) dst(%dma_wait3A_130 : memref<632x16xf32, #tpu.memory_space<vmem_shared>>)
      tpu.yield
    }) : () -> ()
    "tpu.region"() ({
      %run_scoped3A = tpu.sem_alloc : memref<!tpu.dma_semaphore, #tpu.memory_space<semaphore_mem>>
      %dma_start3A_125 = arith.constant 0 : i32
      %dma_start3A_126 = arith.constant 0 : i32
      %dma_start3A_127 = tpu.memref_slice %arg2[%add3A, %dma_start3A_125, %dma_start3A_126] : memref<32x80x128xi32, #tpu.memory_space<hbm>> -> memref<1x80x128xi32, #tpu.memory_space<hbm>>
      %dma_start3A_128 = tpu.memref_squeeze %dma_start3A_127 : memref<1x80x128xi32, #tpu.memory_space<hbm>> -> memref<80x128xi32, #tpu.memory_space<hbm>>
      %dma_start3A_129 = arith.constant 0 : i32
      %dma_start3A_130 = arith.constant 0 : i32
      %dma_start3A_131 = tpu.memref_slice %arg2[%add3A, %dma_start3A_129, %dma_start3A_130] : memref<32x80x128xi32, #tpu.memory_space<hbm>> -> memref<1x80x128xi32, #tpu.memory_space<hbm>>
      %dma_start3A_132 = tpu.memref_squeeze %dma_start3A_131 : memref<1x80x128xi32, #tpu.memory_space<hbm>> -> memref<80x128xi32, #tpu.memory_space<hbm>>
      tpu.enqueue_dma source(%dma_start3A_132 : memref<80x128xi32, #tpu.memory_space<hbm>>) target(%arg7 : memref<80x128xi32, #tpu.memory_space<vmem>>) target_semaphore(%run_scoped3A : memref<!tpu.dma_semaphore, #tpu.memory_space<semaphore_mem>>)
      %dma_wait3A_133 = arith.constant 0 : i32
      %dma_wait3A_134 = arith.constant 0 : i32
      %dma_wait3A_135 = tpu.memref_slice %arg2[%add3A, %dma_wait3A_133, %dma_wait3A_134] : memref<32x80x128xi32, #tpu.memory_space<hbm>> -> memref<1x80x128xi32, #tpu.memory_space<hbm>>
      %dma_wait3A_136 = tpu.memref_squeeze %dma_wait3A_135 : memref<1x80x128xi32, #tpu.memory_space<hbm>> -> memref<80x128xi32, #tpu.memory_space<hbm>>
      %dma_wait3A_137 = arith.constant 0 : i32
      %dma_wait3A_138 = arith.constant 0 : i32
      %dma_wait3A_139 = tpu.memref_slice %arg2[%add3A, %dma_wait3A_137, %dma_wait3A_138] : memref<32x80x128xi32, #tpu.memory_space<hbm>> -> memref<1x80x128xi32, #tpu.memory_space<hbm>>
      %dma_wait3A_140 = tpu.memref_squeeze %dma_wait3A_139 : memref<1x80x128xi32, #tpu.memory_space<hbm>> -> memref<80x128xi32, #tpu.memory_space<hbm>>
      tpu.wait_dma2 semaphore(%run_scoped3A : memref<!tpu.dma_semaphore, #tpu.memory_space<semaphore_mem>>) src(%dma_wait3A_140 : memref<80x128xi32, #tpu.memory_space<hbm>>) dst(%arg7 : memref<80x128xi32, #tpu.memory_space<vmem>>)
      tpu.yield
    }) : () -> ()
    "tpu.region"() ({
      %run_scoped3A = tpu.sem_alloc : memref<!tpu.dma_semaphore, #tpu.memory_space<semaphore_mem>>
      %dma_start3A_125 = arith.constant 0 : i32
      %dma_start3A_126 = arith.constant 0 : i32
      %dma_start3A_127 = tpu.memref_slice %arg3[%add3A, %dma_start3A_125, %dma_start3A_126] : memref<32x80x128xi32, #tpu.memory_space<hbm>> -> memref<1x80x128xi32, #tpu.memory_space<hbm>>
      %dma_start3A_128 = tpu.memref_squeeze %dma_start3A_127 : memref<1x80x128xi32, #tpu.memory_space<hbm>> -> memref<80x128xi32, #tpu.memory_space<hbm>>
      %dma_start3A_129 = arith.constant 0 : i32
      %dma_start3A_130 = arith.constant 0 : i32
      %dma_start3A_131 = tpu.memref_slice %arg3[%add3A, %dma_start3A_129, %dma_start3A_130] : memref<32x80x128xi32, #tpu.memory_space<hbm>> -> memref<1x80x128xi32, #tpu.memory_space<hbm>>
      %dma_start3A_132 = tpu.memref_squeeze %dma_start3A_131 : memref<1x80x128xi32, #tpu.memory_space<hbm>> -> memref<80x128xi32, #tpu.memory_space<hbm>>
      tpu.enqueue_dma source(%dma_start3A_132 : memref<80x128xi32, #tpu.memory_space<hbm>>) target(%arg8 : memref<80x128xi32, #tpu.memory_space<vmem>>) target_semaphore(%run_scoped3A : memref<!tpu.dma_semaphore, #tpu.memory_space<semaphore_mem>>)
      %dma_wait3A_133 = arith.constant 0 : i32
      %dma_wait3A_134 = arith.constant 0 : i32
      %dma_wait3A_135 = tpu.memref_slice %arg3[%add3A, %dma_wait3A_133, %dma_wait3A_134] : memref<32x80x128xi32, #tpu.memory_space<hbm>> -> memref<1x80x128xi32, #tpu.memory_space<hbm>>
      %dma_wait3A_136 = tpu.memref_squeeze %dma_wait3A_135 : memref<1x80x128xi32, #tpu.memory_space<hbm>> -> memref<80x128xi32, #tpu.memory_space<hbm>>
      %dma_wait3A_137 = arith.constant 0 : i32
      %dma_wait3A_138 = arith.constant 0 : i32
      %dma_wait3A_139 = tpu.memref_slice %arg3[%add3A, %dma_wait3A_137, %dma_wait3A_138] : memref<32x80x128xi32, #tpu.memory_space<hbm>> -> memref<1x80x128xi32, #tpu.memory_space<hbm>>
      %dma_wait3A_140 = tpu.memref_squeeze %dma_wait3A_139 : memref<1x80x128xi32, #tpu.memory_space<hbm>> -> memref<80x128xi32, #tpu.memory_space<hbm>>
      tpu.wait_dma2 semaphore(%run_scoped3A : memref<!tpu.dma_semaphore, #tpu.memory_space<semaphore_mem>>) src(%dma_wait3A_140 : memref<80x128xi32, #tpu.memory_space<hbm>>) dst(%arg8 : memref<80x128xi32, #tpu.memory_space<vmem>>)
      tpu.yield
    }) : () -> ()
    %barrier3A = arith.constant 0 : index
    tpu.barrier barrier_id(%barrier3A)
    %dma_start3A = arith.constant 0 : i32
    %dma_start3A_5 = arith.constant 0 : i32
    %dma_start3A_6 = tpu.memref_slice %arg7[%dma_start3A, %dma_start3A_5] : memref<80x128xi32, #tpu.memory_space<vmem>> -> memref<1x128xi32, #tpu.memory_space<vmem>>
    %dma_start3A_7 = tpu.memref_squeeze %dma_start3A_6 : memref<1x128xi32, #tpu.memory_space<vmem>> -> memref<128xi32, #tpu.memory_space<vmem>>
    %dma_start3A_8 = arith.constant 0 : i32
    %dma_start3A_9 = arith.constant 0 : i32
    %dma_start3A_10 = tpu.memref_slice %arg4[%dma_start3A_8, %dma_start3A_9] : memref<10000x16xf32, #tpu.memory_space<hbm>> -> memref<10000x16xf32, #tpu.memory_space<hbm>>
    tpu.enqueue_indirect_dma source(%dma_start3A_10 : memref<10000x16xf32, #tpu.memory_space<hbm>>) target(%arg10 : memref<128x16xf32, #tpu.memory_space<vmem>>) offsets(%dma_start3A_7 : memref<128xi32, #tpu.memory_space<vmem>>) semaphore(%arg18 : memref<!tpu.dma_semaphore, #tpu.memory_space<semaphore_mem>>)
    %dma_start3A_11 = arith.constant 1 : i32
    %dma_start3A_12 = arith.constant 0 : i32
    %dma_start3A_13 = tpu.memref_slice %arg7[%dma_start3A_11, %dma_start3A_12] : memref<80x128xi32, #tpu.memory_space<vmem>> -> memref<1x128xi32, #tpu.memory_space<vmem>>
    %dma_start3A_14 = tpu.memref_squeeze %dma_start3A_13 : memref<1x128xi32, #tpu.memory_space<vmem>> -> memref<128xi32, #tpu.memory_space<vmem>>
    %dma_start3A_15 = arith.constant 0 : i32
    %dma_start3A_16 = arith.constant 0 : i32
    %dma_start3A_17 = tpu.memref_slice %arg4[%dma_start3A_15, %dma_start3A_16] : memref<10000x16xf32, #tpu.memory_space<hbm>> -> memref<10000x16xf32, #tpu.memory_space<hbm>>
    tpu.enqueue_indirect_dma source(%dma_start3A_17 : memref<10000x16xf32, #tpu.memory_space<hbm>>) target(%arg11 : memref<128x16xf32, #tpu.memory_space<vmem>>) offsets(%dma_start3A_14 : memref<128xi32, #tpu.memory_space<vmem>>) semaphore(%arg19 : memref<!tpu.dma_semaphore, #tpu.memory_space<semaphore_mem>>)
    %dma_start3A_18 = arith.constant 2 : i32
    %dma_start3A_19 = arith.constant 0 : i32
    %dma_start3A_20 = tpu.memref_slice %arg7[%dma_start3A_18, %dma_start3A_19] : memref<80x128xi32, #tpu.memory_space<vmem>> -> memref<1x128xi32, #tpu.memory_space<vmem>>
    %dma_start3A_21 = tpu.memref_squeeze %dma_start3A_20 : memref<1x128xi32, #tpu.memory_space<vmem>> -> memref<128xi32, #tpu.memory_space<vmem>>
    %dma_start3A_22 = arith.constant 0 : i32
    %dma_start3A_23 = arith.constant 0 : i32
    %dma_start3A_24 = tpu.memref_slice %arg4[%dma_start3A_22, %dma_start3A_23] : memref<10000x16xf32, #tpu.memory_space<hbm>> -> memref<10000x16xf32, #tpu.memory_space<hbm>>
    tpu.enqueue_indirect_dma source(%dma_start3A_24 : memref<10000x16xf32, #tpu.memory_space<hbm>>) target(%arg12 : memref<128x16xf32, #tpu.memory_space<vmem>>) offsets(%dma_start3A_21 : memref<128xi32, #tpu.memory_space<vmem>>) semaphore(%arg20 : memref<!tpu.dma_semaphore, #tpu.memory_space<semaphore_mem>>)
    %dma_start3A_25 = arith.constant 3 : i32
    %dma_start3A_26 = arith.constant 0 : i32
    %dma_start3A_27 = tpu.memref_slice %arg7[%dma_start3A_25, %dma_start3A_26] : memref<80x128xi32, #tpu.memory_space<vmem>> -> memref<1x128xi32, #tpu.memory_space<vmem>>
    %dma_start3A_28 = tpu.memref_squeeze %dma_start3A_27 : memref<1x128xi32, #tpu.memory_space<vmem>> -> memref<128xi32, #tpu.memory_space<vmem>>
    %dma_start3A_29 = arith.constant 0 : i32
    %dma_start3A_30 = arith.constant 0 : i32
    %dma_start3A_31 = tpu.memref_slice %arg4[%dma_start3A_29, %dma_start3A_30] : memref<10000x16xf32, #tpu.memory_space<hbm>> -> memref<10000x16xf32, #tpu.memory_space<hbm>>
    tpu.enqueue_indirect_dma source(%dma_start3A_31 : memref<10000x16xf32, #tpu.memory_space<hbm>>) target(%arg13 : memref<128x16xf32, #tpu.memory_space<vmem>>) offsets(%dma_start3A_28 : memref<128xi32, #tpu.memory_space<vmem>>) semaphore(%arg21 : memref<!tpu.dma_semaphore, #tpu.memory_space<semaphore_mem>>)
    %dma_start3A_32 = arith.constant 4 : i32
    %dma_start3A_33 = arith.constant 0 : i32
    %dma_start3A_34 = tpu.memref_slice %arg7[%dma_start3A_32, %dma_start3A_33] : memref<80x128xi32, #tpu.memory_space<vmem>> -> memref<1x128xi32, #tpu.memory_space<vmem>>
    %dma_start3A_35 = tpu.memref_squeeze %dma_start3A_34 : memref<1x128xi32, #tpu.memory_space<vmem>> -> memref<128xi32, #tpu.memory_space<vmem>>
    %dma_start3A_36 = arith.constant 0 : i32
    %dma_start3A_37 = arith.constant 0 : i32
    %dma_start3A_38 = tpu.memref_slice %arg4[%dma_start3A_36, %dma_start3A_37] : memref<10000x16xf32, #tpu.memory_space<hbm>> -> memref<10000x16xf32, #tpu.memory_space<hbm>>
    tpu.enqueue_indirect_dma source(%dma_start3A_38 : memref<10000x16xf32, #tpu.memory_space<hbm>>) target(%arg14 : memref<128x16xf32, #tpu.memory_space<vmem>>) offsets(%dma_start3A_35 : memref<128xi32, #tpu.memory_space<vmem>>) semaphore(%arg22 : memref<!tpu.dma_semaphore, #tpu.memory_space<semaphore_mem>>)
    %dma_start3A_39 = arith.constant 5 : i32
    %dma_start3A_40 = arith.constant 0 : i32
    %dma_start3A_41 = tpu.memref_slice %arg7[%dma_start3A_39, %dma_start3A_40] : memref<80x128xi32, #tpu.memory_space<vmem>> -> memref<1x128xi32, #tpu.memory_space<vmem>>
    %dma_start3A_42 = tpu.memref_squeeze %dma_start3A_41 : memref<1x128xi32, #tpu.memory_space<vmem>> -> memref<128xi32, #tpu.memory_space<vmem>>
    %dma_start3A_43 = arith.constant 0 : i32
    %dma_start3A_44 = arith.constant 0 : i32
    %dma_start3A_45 = tpu.memref_slice %arg4[%dma_start3A_43, %dma_start3A_44] : memref<10000x16xf32, #tpu.memory_space<hbm>> -> memref<10000x16xf32, #tpu.memory_space<hbm>>
    tpu.enqueue_indirect_dma source(%dma_start3A_45 : memref<10000x16xf32, #tpu.memory_space<hbm>>) target(%arg15 : memref<128x16xf32, #tpu.memory_space<vmem>>) offsets(%dma_start3A_42 : memref<128xi32, #tpu.memory_space<vmem>>) semaphore(%arg23 : memref<!tpu.dma_semaphore, #tpu.memory_space<semaphore_mem>>)
    %dma_start3A_46 = arith.constant 6 : i32
    %dma_start3A_47 = arith.constant 0 : i32
    %dma_start3A_48 = tpu.memref_slice %arg7[%dma_start3A_46, %dma_start3A_47] : memref<80x128xi32, #tpu.memory_space<vmem>> -> memref<1x128xi32, #tpu.memory_space<vmem>>
    %dma_start3A_49 = tpu.memref_squeeze %dma_start3A_48 : memref<1x128xi32, #tpu.memory_space<vmem>> -> memref<128xi32, #tpu.memory_space<vmem>>
    %dma_start3A_50 = arith.constant 0 : i32
    %dma_start3A_51 = arith.constant 0 : i32
    %dma_start3A_52 = tpu.memref_slice %arg4[%dma_start3A_50, %dma_start3A_51] : memref<10000x16xf32, #tpu.memory_space<hbm>> -> memref<10000x16xf32, #tpu.memory_space<hbm>>
    tpu.enqueue_indirect_dma source(%dma_start3A_52 : memref<10000x16xf32, #tpu.memory_space<hbm>>) target(%arg16 : memref<128x16xf32, #tpu.memory_space<vmem>>) offsets(%dma_start3A_49 : memref<128xi32, #tpu.memory_space<vmem>>) semaphore(%arg24 : memref<!tpu.dma_semaphore, #tpu.memory_space<semaphore_mem>>)
    %dma_start3A_53 = arith.constant 7 : i32
    %dma_start3A_54 = arith.constant 0 : i32
    %dma_start3A_55 = tpu.memref_slice %arg7[%dma_start3A_53, %dma_start3A_54] : memref<80x128xi32, #tpu.memory_space<vmem>> -> memref<1x128xi32, #tpu.memory_space<vmem>>
    %dma_start3A_56 = tpu.memref_squeeze %dma_start3A_55 : memref<1x128xi32, #tpu.memory_space<vmem>> -> memref<128xi32, #tpu.memory_space<vmem>>
    %dma_start3A_57 = arith.constant 0 : i32
    %dma_start3A_58 = arith.constant 0 : i32
    %dma_start3A_59 = tpu.memref_slice %arg4[%dma_start3A_57, %dma_start3A_58] : memref<10000x16xf32, #tpu.memory_space<hbm>> -> memref<10000x16xf32, #tpu.memory_space<hbm>>
    tpu.enqueue_indirect_dma source(%dma_start3A_59 : memref<10000x16xf32, #tpu.memory_space<hbm>>) target(%arg17 : memref<128x16xf32, #tpu.memory_space<vmem>>) offsets(%dma_start3A_56 : memref<128xi32, #tpu.memory_space<vmem>>) semaphore(%arg25 : memref<!tpu.dma_semaphore, #tpu.memory_space<semaphore_mem>>)
    %scan3A = arith.constant 0 : i32
    %scan3A_60 = arith.constant 0 : i32
    %scan3A_61 = arith.constant 10 : i32
    %scan3A_62 = arith.addi %scan3A_60, %scan3A_61 : i32
    %scan3A_63 = arith.constant 1 : i32
    scf.for %scan3A_125 = %scan3A_60 to %scan3A_62 step %scan3A_63  : i32 {
      %mul3A_126 = arith.constant 8 : i32
      %mul3A_127 = arith.muli %scan3A_125, %mul3A_126 : i32
      %add3A_128 = arith.constant 0 : i32
      %add3A_129 = arith.addi %mul3A_127, %add3A_128 : i32
      %dma_wait3A_130 = arith.constant 0 : i32
      %dma_wait3A_131 = tpu.memref_slice %arg7[%add3A_129, %dma_wait3A_130] : memref<80x128xi32, #tpu.memory_space<vmem>> -> memref<1x128xi32, #tpu.memory_space<vmem>>
      %dma_wait3A_132 = tpu.memref_squeeze %dma_wait3A_131 : memref<1x128xi32, #tpu.memory_space<vmem>> -> memref<128xi32, #tpu.memory_space<vmem>>
      %dma_wait3A_133 = arith.constant 0 : i32
      %dma_wait3A_134 = arith.constant 0 : i32
      %dma_wait3A_135 = tpu.memref_slice %arg4[%dma_wait3A_133, %dma_wait3A_134] : memref<10000x16xf32, #tpu.memory_space<hbm>> -> memref<10000x16xf32, #tpu.memory_space<hbm>>
      tpu.wait_indirect_dma semaphore(%arg18 : memref<!tpu.dma_semaphore, #tpu.memory_space<semaphore_mem>>) src(%dma_wait3A_135 : memref<10000x16xf32, #tpu.memory_space<hbm>>) dst(%arg10 : memref<128x16xf32, #tpu.memory_space<vmem>>)
      %dma_start3A_136 = arith.constant 0 : i32
      %dma_start3A_137 = tpu.memref_slice %arg8[%add3A_129, %dma_start3A_136] : memref<80x128xi32, #tpu.memory_space<vmem>> -> memref<1x128xi32, #tpu.memory_space<vmem>>
      %dma_start3A_138 = tpu.memref_squeeze %dma_start3A_137 : memref<1x128xi32, #tpu.memory_space<vmem>> -> memref<128xi32, #tpu.memory_space<vmem>>
      %dma_start3A_139 = arith.constant 0 : i32
      %dma_start3A_140 = arith.constant 0 : i32
      %dma_start3A_141 = tpu.memref_slice %arg9[%dma_start3A_139, %dma_start3A_140] : memref<10112x16xf32, #tpu.memory_space<vmem_shared>> -> memref<10112x16xf32, #tpu.memory_space<vmem_shared>>
      tpu.enqueue_indirect_dma source(%arg10 : memref<128x16xf32, #tpu.memory_space<vmem>>) target(%dma_start3A_141 : memref<10112x16xf32, #tpu.memory_space<vmem_shared>>) offsets(%dma_start3A_138 : memref<128xi32, #tpu.memory_space<vmem>>) semaphore(%arg26 : memref<!tpu.dma_semaphore, #tpu.memory_space<semaphore_mem>>) {add = true}
      %mul3A_142 = arith.constant 8 : i32
      %mul3A_143 = arith.muli %scan3A_125, %mul3A_142 : i32
      %add3A_144 = arith.constant 1 : i32
      %add3A_145 = arith.addi %mul3A_143, %add3A_144 : i32
      %dma_wait3A_146 = arith.constant 0 : i32
      %dma_wait3A_147 = tpu.memref_slice %arg7[%add3A_145, %dma_wait3A_146] : memref<80x128xi32, #tpu.memory_space<vmem>> -> memref<1x128xi32, #tpu.memory_space<vmem>>
      %dma_wait3A_148 = tpu.memref_squeeze %dma_wait3A_147 : memref<1x128xi32, #tpu.memory_space<vmem>> -> memref<128xi32, #tpu.memory_space<vmem>>
      %dma_wait3A_149 = arith.constant 0 : i32
      %dma_wait3A_150 = arith.constant 0 : i32
      %dma_wait3A_151 = tpu.memref_slice %arg4[%dma_wait3A_149, %dma_wait3A_150] : memref<10000x16xf32, #tpu.memory_space<hbm>> -> memref<10000x16xf32, #tpu.memory_space<hbm>>
      tpu.wait_indirect_dma semaphore(%arg19 : memref<!tpu.dma_semaphore, #tpu.memory_space<semaphore_mem>>) src(%dma_wait3A_151 : memref<10000x16xf32, #tpu.memory_space<hbm>>) dst(%arg11 : memref<128x16xf32, #tpu.memory_space<vmem>>)
      %dma_start3A_152 = arith.constant 0 : i32
      %dma_start3A_153 = tpu.memref_slice %arg8[%add3A_145, %dma_start3A_152] : memref<80x128xi32, #tpu.memory_space<vmem>> -> memref<1x128xi32, #tpu.memory_space<vmem>>
      %dma_start3A_154 = tpu.memref_squeeze %dma_start3A_153 : memref<1x128xi32, #tpu.memory_space<vmem>> -> memref<128xi32, #tpu.memory_space<vmem>>
      %dma_start3A_155 = arith.constant 0 : i32
      %dma_start3A_156 = arith.constant 0 : i32
      %dma_start3A_157 = tpu.memref_slice %arg9[%dma_start3A_155, %dma_start3A_156] : memref<10112x16xf32, #tpu.memory_space<vmem_shared>> -> memref<10112x16xf32, #tpu.memory_space<vmem_shared>>
      tpu.enqueue_indirect_dma source(%arg11 : memref<128x16xf32, #tpu.memory_space<vmem>>) target(%dma_start3A_157 : memref<10112x16xf32, #tpu.memory_space<vmem_shared>>) offsets(%dma_start3A_154 : memref<128xi32, #tpu.memory_space<vmem>>) semaphore(%arg27 : memref<!tpu.dma_semaphore, #tpu.memory_space<semaphore_mem>>) {add = true}
      %mul3A_158 = arith.constant 8 : i32
      %mul3A_159 = arith.muli %scan3A_125, %mul3A_158 : i32
      %add3A_160 = arith.constant 2 : i32
      %add3A_161 = arith.addi %mul3A_159, %add3A_160 : i32
      %dma_wait3A_162 = arith.constant 0 : i32
      %dma_wait3A_163 = tpu.memref_slice %arg7[%add3A_161, %dma_wait3A_162] : memref<80x128xi32, #tpu.memory_space<vmem>> -> memref<1x128xi32, #tpu.memory_space<vmem>>
      %dma_wait3A_164 = tpu.memref_squeeze %dma_wait3A_163 : memref<1x128xi32, #tpu.memory_space<vmem>> -> memref<128xi32, #tpu.memory_space<vmem>>
      %dma_wait3A_165 = arith.constant 0 : i32
      %dma_wait3A_166 = arith.constant 0 : i32
      %dma_wait3A_167 = tpu.memref_slice %arg4[%dma_wait3A_165, %dma_wait3A_166] : memref<10000x16xf32, #tpu.memory_space<hbm>> -> memref<10000x16xf32, #tpu.memory_space<hbm>>
      tpu.wait_indirect_dma semaphore(%arg20 : memref<!tpu.dma_semaphore, #tpu.memory_space<semaphore_mem>>) src(%dma_wait3A_167 : memref<10000x16xf32, #tpu.memory_space<hbm>>) dst(%arg12 : memref<128x16xf32, #tpu.memory_space<vmem>>)
      %dma_start3A_168 = arith.constant 0 : i32
      %dma_start3A_169 = tpu.memref_slice %arg8[%add3A_161, %dma_start3A_168] : memref<80x128xi32, #tpu.memory_space<vmem>> -> memref<1x128xi32, #tpu.memory_space<vmem>>
      %dma_start3A_170 = tpu.memref_squeeze %dma_start3A_169 : memref<1x128xi32, #tpu.memory_space<vmem>> -> memref<128xi32, #tpu.memory_space<vmem>>
      %dma_start3A_171 = arith.constant 0 : i32
      %dma_start3A_172 = arith.constant 0 : i32
      %dma_start3A_173 = tpu.memref_slice %arg9[%dma_start3A_171, %dma_start3A_172] : memref<10112x16xf32, #tpu.memory_space<vmem_shared>> -> memref<10112x16xf32, #tpu.memory_space<vmem_shared>>
      tpu.enqueue_indirect_dma source(%arg12 : memref<128x16xf32, #tpu.memory_space<vmem>>) target(%dma_start3A_173 : memref<10112x16xf32, #tpu.memory_space<vmem_shared>>) offsets(%dma_start3A_170 : memref<128xi32, #tpu.memory_space<vmem>>) semaphore(%arg28 : memref<!tpu.dma_semaphore, #tpu.memory_space<semaphore_mem>>) {add = true}
      %mul3A_174 = arith.constant 8 : i32
      %mul3A_175 = arith.muli %scan3A_125, %mul3A_174 : i32
      %add3A_176 = arith.constant 3 : i32
      %add3A_177 = arith.addi %mul3A_175, %add3A_176 : i32
      %dma_wait3A_178 = arith.constant 0 : i32
      %dma_wait3A_179 = tpu.memref_slice %arg7[%add3A_177, %dma_wait3A_178] : memref<80x128xi32, #tpu.memory_space<vmem>> -> memref<1x128xi32, #tpu.memory_space<vmem>>
      %dma_wait3A_180 = tpu.memref_squeeze %dma_wait3A_179 : memref<1x128xi32, #tpu.memory_space<vmem>> -> memref<128xi32, #tpu.memory_space<vmem>>
      %dma_wait3A_181 = arith.constant 0 : i32
      %dma_wait3A_182 = arith.constant 0 : i32
      %dma_wait3A_183 = tpu.memref_slice %arg4[%dma_wait3A_181, %dma_wait3A_182] : memref<10000x16xf32, #tpu.memory_space<hbm>> -> memref<10000x16xf32, #tpu.memory_space<hbm>>
      tpu.wait_indirect_dma semaphore(%arg21 : memref<!tpu.dma_semaphore, #tpu.memory_space<semaphore_mem>>) src(%dma_wait3A_183 : memref<10000x16xf32, #tpu.memory_space<hbm>>) dst(%arg13 : memref<128x16xf32, #tpu.memory_space<vmem>>)
      %dma_start3A_184 = arith.constant 0 : i32
      %dma_start3A_185 = tpu.memref_slice %arg8[%add3A_177, %dma_start3A_184] : memref<80x128xi32, #tpu.memory_space<vmem>> -> memref<1x128xi32, #tpu.memory_space<vmem>>
      %dma_start3A_186 = tpu.memref_squeeze %dma_start3A_185 : memref<1x128xi32, #tpu.memory_space<vmem>> -> memref<128xi32, #tpu.memory_space<vmem>>
      %dma_start3A_187 = arith.constant 0 : i32
      %dma_start3A_188 = arith.constant 0 : i32
      %dma_start3A_189 = tpu.memref_slice %arg9[%dma_start3A_187, %dma_start3A_188] : memref<10112x16xf32, #tpu.memory_space<vmem_shared>> -> memref<10112x16xf32, #tpu.memory_space<vmem_shared>>
      tpu.enqueue_indirect_dma source(%arg13 : memref<128x16xf32, #tpu.memory_space<vmem>>) target(%dma_start3A_189 : memref<10112x16xf32, #tpu.memory_space<vmem_shared>>) offsets(%dma_start3A_186 : memref<128xi32, #tpu.memory_space<vmem>>) semaphore(%arg29 : memref<!tpu.dma_semaphore, #tpu.memory_space<semaphore_mem>>) {add = true}
      %mul3A_190 = arith.constant 8 : i32
      %mul3A_191 = arith.muli %scan3A_125, %mul3A_190 : i32
      %add3A_192 = arith.constant 4 : i32
      %add3A_193 = arith.addi %mul3A_191, %add3A_192 : i32
      %dma_wait3A_194 = arith.constant 0 : i32
      %dma_wait3A_195 = tpu.memref_slice %arg7[%add3A_193, %dma_wait3A_194] : memref<80x128xi32, #tpu.memory_space<vmem>> -> memref<1x128xi32, #tpu.memory_space<vmem>>
      %dma_wait3A_196 = tpu.memref_squeeze %dma_wait3A_195 : memref<1x128xi32, #tpu.memory_space<vmem>> -> memref<128xi32, #tpu.memory_space<vmem>>
      %dma_wait3A_197 = arith.constant 0 : i32
      %dma_wait3A_198 = arith.constant 0 : i32
      %dma_wait3A_199 = tpu.memref_slice %arg4[%dma_wait3A_197, %dma_wait3A_198] : memref<10000x16xf32, #tpu.memory_space<hbm>> -> memref<10000x16xf32, #tpu.memory_space<hbm>>
      tpu.wait_indirect_dma semaphore(%arg22 : memref<!tpu.dma_semaphore, #tpu.memory_space<semaphore_mem>>) src(%dma_wait3A_199 : memref<10000x16xf32, #tpu.memory_space<hbm>>) dst(%arg14 : memref<128x16xf32, #tpu.memory_space<vmem>>)
      %dma_start3A_200 = arith.constant 0 : i32
      %dma_start3A_201 = tpu.memref_slice %arg8[%add3A_193, %dma_start3A_200] : memref<80x128xi32, #tpu.memory_space<vmem>> -> memref<1x128xi32, #tpu.memory_space<vmem>>
      %dma_start3A_202 = tpu.memref_squeeze %dma_start3A_201 : memref<1x128xi32, #tpu.memory_space<vmem>> -> memref<128xi32, #tpu.memory_space<vmem>>
      %dma_start3A_203 = arith.constant 0 : i32
      %dma_start3A_204 = arith.constant 0 : i32
      %dma_start3A_205 = tpu.memref_slice %arg9[%dma_start3A_203, %dma_start3A_204] : memref<10112x16xf32, #tpu.memory_space<vmem_shared>> -> memref<10112x16xf32, #tpu.memory_space<vmem_shared>>
      tpu.enqueue_indirect_dma source(%arg14 : memref<128x16xf32, #tpu.memory_space<vmem>>) target(%dma_start3A_205 : memref<10112x16xf32, #tpu.memory_space<vmem_shared>>) offsets(%dma_start3A_202 : memref<128xi32, #tpu.memory_space<vmem>>) semaphore(%arg30 : memref<!tpu.dma_semaphore, #tpu.memory_space<semaphore_mem>>) {add = true}
      %mul3A_206 = arith.constant 8 : i32
      %mul3A_207 = arith.muli %scan3A_125, %mul3A_206 : i32
      %add3A_208 = arith.constant 5 : i32
      %add3A_209 = arith.addi %mul3A_207, %add3A_208 : i32
      %dma_wait3A_210 = arith.constant 0 : i32
      %dma_wait3A_211 = tpu.memref_slice %arg7[%add3A_209, %dma_wait3A_210] : memref<80x128xi32, #tpu.memory_space<vmem>> -> memref<1x128xi32, #tpu.memory_space<vmem>>
      %dma_wait3A_212 = tpu.memref_squeeze %dma_wait3A_211 : memref<1x128xi32, #tpu.memory_space<vmem>> -> memref<128xi32, #tpu.memory_space<vmem>>
      %dma_wait3A_213 = arith.constant 0 : i32
      %dma_wait3A_214 = arith.constant 0 : i32
      %dma_wait3A_215 = tpu.memref_slice %arg4[%dma_wait3A_213, %dma_wait3A_214] : memref<10000x16xf32, #tpu.memory_space<hbm>> -> memref<10000x16xf32, #tpu.memory_space<hbm>>
      tpu.wait_indirect_dma semaphore(%arg23 : memref<!tpu.dma_semaphore, #tpu.memory_space<semaphore_mem>>) src(%dma_wait3A_215 : memref<10000x16xf32, #tpu.memory_space<hbm>>) dst(%arg15 : memref<128x16xf32, #tpu.memory_space<vmem>>)
      %dma_start3A_216 = arith.constant 0 : i32
      %dma_start3A_217 = tpu.memref_slice %arg8[%add3A_209, %dma_start3A_216] : memref<80x128xi32, #tpu.memory_space<vmem>> -> memref<1x128xi32, #tpu.memory_space<vmem>>
      %dma_start3A_218 = tpu.memref_squeeze %dma_start3A_217 : memref<1x128xi32, #tpu.memory_space<vmem>> -> memref<128xi32, #tpu.memory_space<vmem>>
      %dma_start3A_219 = arith.constant 0 : i32
      %dma_start3A_220 = arith.constant 0 : i32
      %dma_start3A_221 = tpu.memref_slice %arg9[%dma_start3A_219, %dma_start3A_220] : memref<10112x16xf32, #tpu.memory_space<vmem_shared>> -> memref<10112x16xf32, #tpu.memory_space<vmem_shared>>
      tpu.enqueue_indirect_dma source(%arg15 : memref<128x16xf32, #tpu.memory_space<vmem>>) target(%dma_start3A_221 : memref<10112x16xf32, #tpu.memory_space<vmem_shared>>) offsets(%dma_start3A_218 : memref<128xi32, #tpu.memory_space<vmem>>) semaphore(%arg31 : memref<!tpu.dma_semaphore, #tpu.memory_space<semaphore_mem>>) {add = true}
      %mul3A_222 = arith.constant 8 : i32
      %mul3A_223 = arith.muli %scan3A_125, %mul3A_222 : i32
      %add3A_224 = arith.constant 6 : i32
      %add3A_225 = arith.addi %mul3A_223, %add3A_224 : i32
      %dma_wait3A_226 = arith.constant 0 : i32
      %dma_wait3A_227 = tpu.memref_slice %arg7[%add3A_225, %dma_wait3A_226] : memref<80x128xi32, #tpu.memory_space<vmem>> -> memref<1x128xi32, #tpu.memory_space<vmem>>
      %dma_wait3A_228 = tpu.memref_squeeze %dma_wait3A_227 : memref<1x128xi32, #tpu.memory_space<vmem>> -> memref<128xi32, #tpu.memory_space<vmem>>
      %dma_wait3A_229 = arith.constant 0 : i32
      %dma_wait3A_230 = arith.constant 0 : i32
      %dma_wait3A_231 = tpu.memref_slice %arg4[%dma_wait3A_229, %dma_wait3A_230] : memref<10000x16xf32, #tpu.memory_space<hbm>> -> memref<10000x16xf32, #tpu.memory_space<hbm>>
      tpu.wait_indirect_dma semaphore(%arg24 : memref<!tpu.dma_semaphore, #tpu.memory_space<semaphore_mem>>) src(%dma_wait3A_231 : memref<10000x16xf32, #tpu.memory_space<hbm>>) dst(%arg16 : memref<128x16xf32, #tpu.memory_space<vmem>>)
      %dma_start3A_232 = arith.constant 0 : i32
      %dma_start3A_233 = tpu.memref_slice %arg8[%add3A_225, %dma_start3A_232] : memref<80x128xi32, #tpu.memory_space<vmem>> -> memref<1x128xi32, #tpu.memory_space<vmem>>
      %dma_start3A_234 = tpu.memref_squeeze %dma_start3A_233 : memref<1x128xi32, #tpu.memory_space<vmem>> -> memref<128xi32, #tpu.memory_space<vmem>>
      %dma_start3A_235 = arith.constant 0 : i32
      %dma_start3A_236 = arith.constant 0 : i32
      %dma_start3A_237 = tpu.memref_slice %arg9[%dma_start3A_235, %dma_start3A_236] : memref<10112x16xf32, #tpu.memory_space<vmem_shared>> -> memref<10112x16xf32, #tpu.memory_space<vmem_shared>>
      tpu.enqueue_indirect_dma source(%arg16 : memref<128x16xf32, #tpu.memory_space<vmem>>) target(%dma_start3A_237 : memref<10112x16xf32, #tpu.memory_space<vmem_shared>>) offsets(%dma_start3A_234 : memref<128xi32, #tpu.memory_space<vmem>>) semaphore(%arg32 : memref<!tpu.dma_semaphore, #tpu.memory_space<semaphore_mem>>) {add = true}
      %mul3A_238 = arith.constant 8 : i32
      %mul3A_239 = arith.muli %scan3A_125, %mul3A_238 : i32
      %add3A_240 = arith.constant 7 : i32
      %add3A_241 = arith.addi %mul3A_239, %add3A_240 : i32
      %dma_wait3A_242 = arith.constant 0 : i32
      %dma_wait3A_243 = tpu.memref_slice %arg7[%add3A_241, %dma_wait3A_242] : memref<80x128xi32, #tpu.memory_space<vmem>> -> memref<1x128xi32, #tpu.memory_space<vmem>>
      %dma_wait3A_244 = tpu.memref_squeeze %dma_wait3A_243 : memref<1x128xi32, #tpu.memory_space<vmem>> -> memref<128xi32, #tpu.memory_space<vmem>>
      %dma_wait3A_245 = arith.constant 0 : i32
      %dma_wait3A_246 = arith.constant 0 : i32
      %dma_wait3A_247 = tpu.memref_slice %arg4[%dma_wait3A_245, %dma_wait3A_246] : memref<10000x16xf32, #tpu.memory_space<hbm>> -> memref<10000x16xf32, #tpu.memory_space<hbm>>
      tpu.wait_indirect_dma semaphore(%arg25 : memref<!tpu.dma_semaphore, #tpu.memory_space<semaphore_mem>>) src(%dma_wait3A_247 : memref<10000x16xf32, #tpu.memory_space<hbm>>) dst(%arg17 : memref<128x16xf32, #tpu.memory_space<vmem>>)
      %dma_start3A_248 = arith.constant 0 : i32
      %dma_start3A_249 = tpu.memref_slice %arg8[%add3A_241, %dma_start3A_248] : memref<80x128xi32, #tpu.memory_space<vmem>> -> memref<1x128xi32, #tpu.memory_space<vmem>>
      %dma_start3A_250 = tpu.memref_squeeze %dma_start3A_249 : memref<1x128xi32, #tpu.memory_space<vmem>> -> memref<128xi32, #tpu.memory_space<vmem>>
      %dma_start3A_251 = arith.constant 0 : i32
      %dma_start3A_252 = arith.constant 0 : i32
      %dma_start3A_253 = tpu.memref_slice %arg9[%dma_start3A_251, %dma_start3A_252] : memref<10112x16xf32, #tpu.memory_space<vmem_shared>> -> memref<10112x16xf32, #tpu.memory_space<vmem_shared>>
      tpu.enqueue_indirect_dma source(%arg17 : memref<128x16xf32, #tpu.memory_space<vmem>>) target(%dma_start3A_253 : memref<10112x16xf32, #tpu.memory_space<vmem_shared>>) offsets(%dma_start3A_250 : memref<128xi32, #tpu.memory_space<vmem>>) semaphore(%arg33 : memref<!tpu.dma_semaphore, #tpu.memory_space<semaphore_mem>>) {add = true}
      %mul3A_254 = arith.constant 8 : i32
      %mul3A_255 = arith.muli %scan3A_125, %mul3A_254 : i32
      %add3A_256 = arith.constant 0 : i32
      %add3A_257 = arith.addi %mul3A_255, %add3A_256 : i32
      %add3A_258 = arith.constant 8 : i32
      %add3A_259 = arith.addi %add3A_257, %add3A_258 : i32
      %rem3A = arith.constant 80 : i32
      %rem3A_260 = arith.remsi %add3A_259, %rem3A : i32
      %dma_wait3A_261 = arith.constant 0 : i32
      %dma_wait3A_262 = tpu.memref_slice %arg8[%add3A_257, %dma_wait3A_261] : memref<80x128xi32, #tpu.memory_space<vmem>> -> memref<1x128xi32, #tpu.memory_space<vmem>>
      %dma_wait3A_263 = tpu.memref_squeeze %dma_wait3A_262 : memref<1x128xi32, #tpu.memory_space<vmem>> -> memref<128xi32, #tpu.memory_space<vmem>>
      %dma_wait3A_264 = arith.constant 0 : i32
      %dma_wait3A_265 = arith.constant 0 : i32
      %dma_wait3A_266 = tpu.memref_slice %arg9[%dma_wait3A_264, %dma_wait3A_265] : memref<10112x16xf32, #tpu.memory_space<vmem_shared>> -> memref<10112x16xf32, #tpu.memory_space<vmem_shared>>
      tpu.wait_indirect_dma semaphore(%arg26 : memref<!tpu.dma_semaphore, #tpu.memory_space<semaphore_mem>>) src(%arg10 : memref<128x16xf32, #tpu.memory_space<vmem>>) dst(%dma_wait3A_266 : memref<10112x16xf32, #tpu.memory_space<vmem_shared>>)
      %dma_start3A_267 = arith.constant 0 : i32
      %dma_start3A_268 = tpu.memref_slice %arg7[%rem3A_260, %dma_start3A_267] : memref<80x128xi32, #tpu.memory_space<vmem>> -> memref<1x128xi32, #tpu.memory_space<vmem>>
      %dma_start3A_269 = tpu.memref_squeeze %dma_start3A_268 : memref<1x128xi32, #tpu.memory_space<vmem>> -> memref<128xi32, #tpu.memory_space<vmem>>
      %dma_start3A_270 = arith.constant 0 : i32
      %dma_start3A_271 = arith.constant 0 : i32
      %dma_start3A_272 = tpu.memref_slice %arg4[%dma_start3A_270, %dma_start3A_271] : memref<10000x16xf32, #tpu.memory_space<hbm>> -> memref<10000x16xf32, #tpu.memory_space<hbm>>
      tpu.enqueue_indirect_dma source(%dma_start3A_272 : memref<10000x16xf32, #tpu.memory_space<hbm>>) target(%arg10 : memref<128x16xf32, #tpu.memory_space<vmem>>) offsets(%dma_start3A_269 : memref<128xi32, #tpu.memory_space<vmem>>) semaphore(%arg18 : memref<!tpu.dma_semaphore, #tpu.memory_space<semaphore_mem>>)
      %mul3A_273 = arith.constant 8 : i32
      %mul3A_274 = arith.muli %scan3A_125, %mul3A_273 : i32
      %add3A_275 = arith.constant 1 : i32
      %add3A_276 = arith.addi %mul3A_274, %add3A_275 : i32
      %add3A_277 = arith.constant 8 : i32
      %add3A_278 = arith.addi %add3A_276, %add3A_277 : i32
      %rem3A_279 = arith.constant 80 : i32
      %rem3A_280 = arith.remsi %add3A_278, %rem3A_279 : i32
      %dma_wait3A_281 = arith.constant 0 : i32
      %dma_wait3A_282 = tpu.memref_slice %arg8[%add3A_276, %dma_wait3A_281] : memref<80x128xi32, #tpu.memory_space<vmem>> -> memref<1x128xi32, #tpu.memory_space<vmem>>
      %dma_wait3A_283 = tpu.memref_squeeze %dma_wait3A_282 : memref<1x128xi32, #tpu.memory_space<vmem>> -> memref<128xi32, #tpu.memory_space<vmem>>
      %dma_wait3A_284 = arith.constant 0 : i32
      %dma_wait3A_285 = arith.constant 0 : i32
      %dma_wait3A_286 = tpu.memref_slice %arg9[%dma_wait3A_284, %dma_wait3A_285] : memref<10112x16xf32, #tpu.memory_space<vmem_shared>> -> memref<10112x16xf32, #tpu.memory_space<vmem_shared>>
      tpu.wait_indirect_dma semaphore(%arg27 : memref<!tpu.dma_semaphore, #tpu.memory_space<semaphore_mem>>) src(%arg11 : memref<128x16xf32, #tpu.memory_space<vmem>>) dst(%dma_wait3A_286 : memref<10112x16xf32, #tpu.memory_space<vmem_shared>>)
      %dma_start3A_287 = arith.constant 0 : i32
      %dma_start3A_288 = tpu.memref_slice %arg7[%rem3A_280, %dma_start3A_287] : memref<80x128xi32, #tpu.memory_space<vmem>> -> memref<1x128xi32, #tpu.memory_space<vmem>>
      %dma_start3A_289 = tpu.memref_squeeze %dma_start3A_288 : memref<1x128xi32, #tpu.memory_space<vmem>> -> memref<128xi32, #tpu.memory_space<vmem>>
      %dma_start3A_290 = arith.constant 0 : i32
      %dma_start3A_291 = arith.constant 0 : i32
      %dma_start3A_292 = tpu.memref_slice %arg4[%dma_start3A_290, %dma_start3A_291] : memref<10000x16xf32, #tpu.memory_space<hbm>> -> memref<10000x16xf32, #tpu.memory_space<hbm>>
      tpu.enqueue_indirect_dma source(%dma_start3A_292 : memref<10000x16xf32, #tpu.memory_space<hbm>>) target(%arg11 : memref<128x16xf32, #tpu.memory_space<vmem>>) offsets(%dma_start3A_289 : memref<128xi32, #tpu.memory_space<vmem>>) semaphore(%arg19 : memref<!tpu.dma_semaphore, #tpu.memory_space<semaphore_mem>>)
      %mul3A_293 = arith.constant 8 : i32
      %mul3A_294 = arith.muli %scan3A_125, %mul3A_293 : i32
      %add3A_295 = arith.constant 2 : i32
      %add3A_296 = arith.addi %mul3A_294, %add3A_295 : i32
      %add3A_297 = arith.constant 8 : i32
      %add3A_298 = arith.addi %add3A_296, %add3A_297 : i32
      %rem3A_299 = arith.constant 80 : i32
      %rem3A_300 = arith.remsi %add3A_298, %rem3A_299 : i32
      %dma_wait3A_301 = arith.constant 0 : i32
      %dma_wait3A_302 = tpu.memref_slice %arg8[%add3A_296, %dma_wait3A_301] : memref<80x128xi32, #tpu.memory_space<vmem>> -> memref<1x128xi32, #tpu.memory_space<vmem>>
      %dma_wait3A_303 = tpu.memref_squeeze %dma_wait3A_302 : memref<1x128xi32, #tpu.memory_space<vmem>> -> memref<128xi32, #tpu.memory_space<vmem>>
      %dma_wait3A_304 = arith.constant 0 : i32
      %dma_wait3A_305 = arith.constant 0 : i32
      %dma_wait3A_306 = tpu.memref_slice %arg9[%dma_wait3A_304, %dma_wait3A_305] : memref<10112x16xf32, #tpu.memory_space<vmem_shared>> -> memref<10112x16xf32, #tpu.memory_space<vmem_shared>>
      tpu.wait_indirect_dma semaphore(%arg28 : memref<!tpu.dma_semaphore, #tpu.memory_space<semaphore_mem>>) src(%arg12 : memref<128x16xf32, #tpu.memory_space<vmem>>) dst(%dma_wait3A_306 : memref<10112x16xf32, #tpu.memory_space<vmem_shared>>)
      %dma_start3A_307 = arith.constant 0 : i32
      %dma_start3A_308 = tpu.memref_slice %arg7[%rem3A_300, %dma_start3A_307] : memref<80x128xi32, #tpu.memory_space<vmem>> -> memref<1x128xi32, #tpu.memory_space<vmem>>
      %dma_start3A_309 = tpu.memref_squeeze %dma_start3A_308 : memref<1x128xi32, #tpu.memory_space<vmem>> -> memref<128xi32, #tpu.memory_space<vmem>>
      %dma_start3A_310 = arith.constant 0 : i32
      %dma_start3A_311 = arith.constant 0 : i32
      %dma_start3A_312 = tpu.memref_slice %arg4[%dma_start3A_310, %dma_start3A_311] : memref<10000x16xf32, #tpu.memory_space<hbm>> -> memref<10000x16xf32, #tpu.memory_space<hbm>>
      tpu.enqueue_indirect_dma source(%dma_start3A_312 : memref<10000x16xf32, #tpu.memory_space<hbm>>) target(%arg12 : memref<128x16xf32, #tpu.memory_space<vmem>>) offsets(%dma_start3A_309 : memref<128xi32, #tpu.memory_space<vmem>>) semaphore(%arg20 : memref<!tpu.dma_semaphore, #tpu.memory_space<semaphore_mem>>)
      %mul3A_313 = arith.constant 8 : i32
      %mul3A_314 = arith.muli %scan3A_125, %mul3A_313 : i32
      %add3A_315 = arith.constant 3 : i32
      %add3A_316 = arith.addi %mul3A_314, %add3A_315 : i32
      %add3A_317 = arith.constant 8 : i32
      %add3A_318 = arith.addi %add3A_316, %add3A_317 : i32
      %rem3A_319 = arith.constant 80 : i32
      %rem3A_320 = arith.remsi %add3A_318, %rem3A_319 : i32
      %dma_wait3A_321 = arith.constant 0 : i32
      %dma_wait3A_322 = tpu.memref_slice %arg8[%add3A_316, %dma_wait3A_321] : memref<80x128xi32, #tpu.memory_space<vmem>> -> memref<1x128xi32, #tpu.memory_space<vmem>>
      %dma_wait3A_323 = tpu.memref_squeeze %dma_wait3A_322 : memref<1x128xi32, #tpu.memory_space<vmem>> -> memref<128xi32, #tpu.memory_space<vmem>>
      %dma_wait3A_324 = arith.constant 0 : i32
      %dma_wait3A_325 = arith.constant 0 : i32
      %dma_wait3A_326 = tpu.memref_slice %arg9[%dma_wait3A_324, %dma_wait3A_325] : memref<10112x16xf32, #tpu.memory_space<vmem_shared>> -> memref<10112x16xf32, #tpu.memory_space<vmem_shared>>
      tpu.wait_indirect_dma semaphore(%arg29 : memref<!tpu.dma_semaphore, #tpu.memory_space<semaphore_mem>>) src(%arg13 : memref<128x16xf32, #tpu.memory_space<vmem>>) dst(%dma_wait3A_326 : memref<10112x16xf32, #tpu.memory_space<vmem_shared>>)
      %dma_start3A_327 = arith.constant 0 : i32
      %dma_start3A_328 = tpu.memref_slice %arg7[%rem3A_320, %dma_start3A_327] : memref<80x128xi32, #tpu.memory_space<vmem>> -> memref<1x128xi32, #tpu.memory_space<vmem>>
      %dma_start3A_329 = tpu.memref_squeeze %dma_start3A_328 : memref<1x128xi32, #tpu.memory_space<vmem>> -> memref<128xi32, #tpu.memory_space<vmem>>
      %dma_start3A_330 = arith.constant 0 : i32
      %dma_start3A_331 = arith.constant 0 : i32
      %dma_start3A_332 = tpu.memref_slice %arg4[%dma_start3A_330, %dma_start3A_331] : memref<10000x16xf32, #tpu.memory_space<hbm>> -> memref<10000x16xf32, #tpu.memory_space<hbm>>
      tpu.enqueue_indirect_dma source(%dma_start3A_332 : memref<10000x16xf32, #tpu.memory_space<hbm>>) target(%arg13 : memref<128x16xf32, #tpu.memory_space<vmem>>) offsets(%dma_start3A_329 : memref<128xi32, #tpu.memory_space<vmem>>) semaphore(%arg21 : memref<!tpu.dma_semaphore, #tpu.memory_space<semaphore_mem>>)
      %mul3A_333 = arith.constant 8 : i32
      %mul3A_334 = arith.muli %scan3A_125, %mul3A_333 : i32
      %add3A_335 = arith.constant 4 : i32
      %add3A_336 = arith.addi %mul3A_334, %add3A_335 : i32
      %add3A_337 = arith.constant 8 : i32
      %add3A_338 = arith.addi %add3A_336, %add3A_337 : i32
      %rem3A_339 = arith.constant 80 : i32
      %rem3A_340 = arith.remsi %add3A_338, %rem3A_339 : i32
      %dma_wait3A_341 = arith.constant 0 : i32
      %dma_wait3A_342 = tpu.memref_slice %arg8[%add3A_336, %dma_wait3A_341] : memref<80x128xi32, #tpu.memory_space<vmem>> -> memref<1x128xi32, #tpu.memory_space<vmem>>
      %dma_wait3A_343 = tpu.memref_squeeze %dma_wait3A_342 : memref<1x128xi32, #tpu.memory_space<vmem>> -> memref<128xi32, #tpu.memory_space<vmem>>
      %dma_wait3A_344 = arith.constant 0 : i32
      %dma_wait3A_345 = arith.constant 0 : i32
      %dma_wait3A_346 = tpu.memref_slice %arg9[%dma_wait3A_344, %dma_wait3A_345] : memref<10112x16xf32, #tpu.memory_space<vmem_shared>> -> memref<10112x16xf32, #tpu.memory_space<vmem_shared>>
      tpu.wait_indirect_dma semaphore(%arg30 : memref<!tpu.dma_semaphore, #tpu.memory_space<semaphore_mem>>) src(%arg14 : memref<128x16xf32, #tpu.memory_space<vmem>>) dst(%dma_wait3A_346 : memref<10112x16xf32, #tpu.memory_space<vmem_shared>>)
      %dma_start3A_347 = arith.constant 0 : i32
      %dma_start3A_348 = tpu.memref_slice %arg7[%rem3A_340, %dma_start3A_347] : memref<80x128xi32, #tpu.memory_space<vmem>> -> memref<1x128xi32, #tpu.memory_space<vmem>>
      %dma_start3A_349 = tpu.memref_squeeze %dma_start3A_348 : memref<1x128xi32, #tpu.memory_space<vmem>> -> memref<128xi32, #tpu.memory_space<vmem>>
      %dma_start3A_350 = arith.constant 0 : i32
      %dma_start3A_351 = arith.constant 0 : i32
      %dma_start3A_352 = tpu.memref_slice %arg4[%dma_start3A_350, %dma_start3A_351] : memref<10000x16xf32, #tpu.memory_space<hbm>> -> memref<10000x16xf32, #tpu.memory_space<hbm>>
      tpu.enqueue_indirect_dma source(%dma_start3A_352 : memref<10000x16xf32, #tpu.memory_space<hbm>>) target(%arg14 : memref<128x16xf32, #tpu.memory_space<vmem>>) offsets(%dma_start3A_349 : memref<128xi32, #tpu.memory_space<vmem>>) semaphore(%arg22 : memref<!tpu.dma_semaphore, #tpu.memory_space<semaphore_mem>>)
      %mul3A_353 = arith.constant 8 : i32
      %mul3A_354 = arith.muli %scan3A_125, %mul3A_353 : i32
      %add3A_355 = arith.constant 5 : i32
      %add3A_356 = arith.addi %mul3A_354, %add3A_355 : i32
      %add3A_357 = arith.constant 8 : i32
      %add3A_358 = arith.addi %add3A_356, %add3A_357 : i32
      %rem3A_359 = arith.constant 80 : i32
      %rem3A_360 = arith.remsi %add3A_358, %rem3A_359 : i32
      %dma_wait3A_361 = arith.constant 0 : i32
      %dma_wait3A_362 = tpu.memref_slice %arg8[%add3A_356, %dma_wait3A_361] : memref<80x128xi32, #tpu.memory_space<vmem>> -> memref<1x128xi32, #tpu.memory_space<vmem>>
      %dma_wait3A_363 = tpu.memref_squeeze %dma_wait3A_362 : memref<1x128xi32, #tpu.memory_space<vmem>> -> memref<128xi32, #tpu.memory_space<vmem>>
      %dma_wait3A_364 = arith.constant 0 : i32
      %dma_wait3A_365 = arith.constant 0 : i32
      %dma_wait3A_366 = tpu.memref_slice %arg9[%dma_wait3A_364, %dma_wait3A_365] : memref<10112x16xf32, #tpu.memory_space<vmem_shared>> -> memref<10112x16xf32, #tpu.memory_space<vmem_shared>>
      tpu.wait_indirect_dma semaphore(%arg31 : memref<!tpu.dma_semaphore, #tpu.memory_space<semaphore_mem>>) src(%arg15 : memref<128x16xf32, #tpu.memory_space<vmem>>) dst(%dma_wait3A_366 : memref<10112x16xf32, #tpu.memory_space<vmem_shared>>)
      %dma_start3A_367 = arith.constant 0 : i32
      %dma_start3A_368 = tpu.memref_slice %arg7[%rem3A_360, %dma_start3A_367] : memref<80x128xi32, #tpu.memory_space<vmem>> -> memref<1x128xi32, #tpu.memory_space<vmem>>
      %dma_start3A_369 = tpu.memref_squeeze %dma_start3A_368 : memref<1x128xi32, #tpu.memory_space<vmem>> -> memref<128xi32, #tpu.memory_space<vmem>>
      %dma_start3A_370 = arith.constant 0 : i32
      %dma_start3A_371 = arith.constant 0 : i32
      %dma_start3A_372 = tpu.memref_slice %arg4[%dma_start3A_370, %dma_start3A_371] : memref<10000x16xf32, #tpu.memory_space<hbm>> -> memref<10000x16xf32, #tpu.memory_space<hbm>>
      tpu.enqueue_indirect_dma source(%dma_start3A_372 : memref<10000x16xf32, #tpu.memory_space<hbm>>) target(%arg15 : memref<128x16xf32, #tpu.memory_space<vmem>>) offsets(%dma_start3A_369 : memref<128xi32, #tpu.memory_space<vmem>>) semaphore(%arg23 : memref<!tpu.dma_semaphore, #tpu.memory_space<semaphore_mem>>)
      %mul3A_373 = arith.constant 8 : i32
      %mul3A_374 = arith.muli %scan3A_125, %mul3A_373 : i32
      %add3A_375 = arith.constant 6 : i32
      %add3A_376 = arith.addi %mul3A_374, %add3A_375 : i32
      %add3A_377 = arith.constant 8 : i32
      %add3A_378 = arith.addi %add3A_376, %add3A_377 : i32
      %rem3A_379 = arith.constant 80 : i32
      %rem3A_380 = arith.remsi %add3A_378, %rem3A_379 : i32
      %dma_wait3A_381 = arith.constant 0 : i32
      %dma_wait3A_382 = tpu.memref_slice %arg8[%add3A_376, %dma_wait3A_381] : memref<80x128xi32, #tpu.memory_space<vmem>> -> memref<1x128xi32, #tpu.memory_space<vmem>>
      %dma_wait3A_383 = tpu.memref_squeeze %dma_wait3A_382 : memref<1x128xi32, #tpu.memory_space<vmem>> -> memref<128xi32, #tpu.memory_space<vmem>>
      %dma_wait3A_384 = arith.constant 0 : i32
      %dma_wait3A_385 = arith.constant 0 : i32
      %dma_wait3A_386 = tpu.memref_slice %arg9[%dma_wait3A_384, %dma_wait3A_385] : memref<10112x16xf32, #tpu.memory_space<vmem_shared>> -> memref<10112x16xf32, #tpu.memory_space<vmem_shared>>
      tpu.wait_indirect_dma semaphore(%arg32 : memref<!tpu.dma_semaphore, #tpu.memory_space<semaphore_mem>>) src(%arg16 : memref<128x16xf32, #tpu.memory_space<vmem>>) dst(%dma_wait3A_386 : memref<10112x16xf32, #tpu.memory_space<vmem_shared>>)
      %dma_start3A_387 = arith.constant 0 : i32
      %dma_start3A_388 = tpu.memref_slice %arg7[%rem3A_380, %dma_start3A_387] : memref<80x128xi32, #tpu.memory_space<vmem>> -> memref<1x128xi32, #tpu.memory_space<vmem>>
      %dma_start3A_389 = tpu.memref_squeeze %dma_start3A_388 : memref<1x128xi32, #tpu.memory_space<vmem>> -> memref<128xi32, #tpu.memory_space<vmem>>
      %dma_start3A_390 = arith.constant 0 : i32
      %dma_start3A_391 = arith.constant 0 : i32
      %dma_start3A_392 = tpu.memref_slice %arg4[%dma_start3A_390, %dma_start3A_391] : memref<10000x16xf32, #tpu.memory_space<hbm>> -> memref<10000x16xf32, #tpu.memory_space<hbm>>
      tpu.enqueue_indirect_dma source(%dma_start3A_392 : memref<10000x16xf32, #tpu.memory_space<hbm>>) target(%arg16 : memref<128x16xf32, #tpu.memory_space<vmem>>) offsets(%dma_start3A_389 : memref<128xi32, #tpu.memory_space<vmem>>) semaphore(%arg24 : memref<!tpu.dma_semaphore, #tpu.memory_space<semaphore_mem>>)
      %mul3A_393 = arith.constant 8 : i32
      %mul3A_394 = arith.muli %scan3A_125, %mul3A_393 : i32
      %add3A_395 = arith.constant 7 : i32
      %add3A_396 = arith.addi %mul3A_394, %add3A_395 : i32
      %add3A_397 = arith.constant 8 : i32
      %add3A_398 = arith.addi %add3A_396, %add3A_397 : i32
      %rem3A_399 = arith.constant 80 : i32
      %rem3A_400 = arith.remsi %add3A_398, %rem3A_399 : i32
      %dma_wait3A_401 = arith.constant 0 : i32
      %dma_wait3A_402 = tpu.memref_slice %arg8[%add3A_396, %dma_wait3A_401] : memref<80x128xi32, #tpu.memory_space<vmem>> -> memref<1x128xi32, #tpu.memory_space<vmem>>
      %dma_wait3A_403 = tpu.memref_squeeze %dma_wait3A_402 : memref<1x128xi32, #tpu.memory_space<vmem>> -> memref<128xi32, #tpu.memory_space<vmem>>
      %dma_wait3A_404 = arith.constant 0 : i32
      %dma_wait3A_405 = arith.constant 0 : i32
      %dma_wait3A_406 = tpu.memref_slice %arg9[%dma_wait3A_404, %dma_wait3A_405] : memref<10112x16xf32, #tpu.memory_space<vmem_shared>> -> memref<10112x16xf32, #tpu.memory_space<vmem_shared>>
      tpu.wait_indirect_dma semaphore(%arg33 : memref<!tpu.dma_semaphore, #tpu.memory_space<semaphore_mem>>) src(%arg17 : memref<128x16xf32, #tpu.memory_space<vmem>>) dst(%dma_wait3A_406 : memref<10112x16xf32, #tpu.memory_space<vmem_shared>>)
      %dma_start3A_407 = arith.constant 0 : i32
      %dma_start3A_408 = tpu.memref_slice %arg7[%rem3A_400, %dma_start3A_407] : memref<80x128xi32, #tpu.memory_space<vmem>> -> memref<1x128xi32, #tpu.memory_space<vmem>>
      %dma_start3A_409 = tpu.memref_squeeze %dma_start3A_408 : memref<1x128xi32, #tpu.memory_space<vmem>> -> memref<128xi32, #tpu.memory_space<vmem>>
      %dma_start3A_410 = arith.constant 0 : i32
      %dma_start3A_411 = arith.constant 0 : i32
      %dma_start3A_412 = tpu.memref_slice %arg4[%dma_start3A_410, %dma_start3A_411] : memref<10000x16xf32, #tpu.memory_space<hbm>> -> memref<10000x16xf32, #tpu.memory_space<hbm>>
      tpu.enqueue_indirect_dma source(%dma_start3A_412 : memref<10000x16xf32, #tpu.memory_space<hbm>>) target(%arg17 : memref<128x16xf32, #tpu.memory_space<vmem>>) offsets(%dma_start3A_409 : memref<128xi32, #tpu.memory_space<vmem>>) semaphore(%arg25 : memref<!tpu.dma_semaphore, #tpu.memory_space<semaphore_mem>>)
    }
    %scan3A_64 = arith.constant 10 : i32
    %dma_wait3A = arith.constant 0 : i32
    %dma_wait3A_65 = arith.constant 0 : i32
    %dma_wait3A_66 = tpu.memref_slice %arg7[%dma_wait3A, %dma_wait3A_65] : memref<80x128xi32, #tpu.memory_space<vmem>> -> memref<1x128xi32, #tpu.memory_space<vmem>>
    %dma_wait3A_67 = tpu.memref_squeeze %dma_wait3A_66 : memref<1x128xi32, #tpu.memory_space<vmem>> -> memref<128xi32, #tpu.memory_space<vmem>>
    %dma_wait3A_68 = arith.constant 0 : i32
    %dma_wait3A_69 = arith.constant 0 : i32
    %dma_wait3A_70 = tpu.memref_slice %arg4[%dma_wait3A_68, %dma_wait3A_69] : memref<10000x16xf32, #tpu.memory_space<hbm>> -> memref<10000x16xf32, #tpu.memory_space<hbm>>
    tpu.wait_indirect_dma semaphore(%arg18 : memref<!tpu.dma_semaphore, #tpu.memory_space<semaphore_mem>>) src(%dma_wait3A_70 : memref<10000x16xf32, #tpu.memory_space<hbm>>) dst(%arg10 : memref<128x16xf32, #tpu.memory_space<vmem>>)
    %dma_wait3A_71 = arith.constant 1 : i32
    %dma_wait3A_72 = arith.constant 0 : i32
    %dma_wait3A_73 = tpu.memref_slice %arg7[%dma_wait3A_71, %dma_wait3A_72] : memref<80x128xi32, #tpu.memory_space<vmem>> -> memref<1x128xi32, #tpu.memory_space<vmem>>
    %dma_wait3A_74 = tpu.memref_squeeze %dma_wait3A_73 : memref<1x128xi32, #tpu.memory_space<vmem>> -> memref<128xi32, #tpu.memory_space<vmem>>
    %dma_wait3A_75 = arith.constant 0 : i32
    %dma_wait3A_76 = arith.constant 0 : i32
    %dma_wait3A_77 = tpu.memref_slice %arg4[%dma_wait3A_75, %dma_wait3A_76] : memref<10000x16xf32, #tpu.memory_space<hbm>> -> memref<10000x16xf32, #tpu.memory_space<hbm>>
    tpu.wait_indirect_dma semaphore(%arg19 : memref<!tpu.dma_semaphore, #tpu.memory_space<semaphore_mem>>) src(%dma_wait3A_77 : memref<10000x16xf32, #tpu.memory_space<hbm>>) dst(%arg11 : memref<128x16xf32, #tpu.memory_space<vmem>>)
    %dma_wait3A_78 = arith.constant 2 : i32
    %dma_wait3A_79 = arith.constant 0 : i32
    %dma_wait3A_80 = tpu.memref_slice %arg7[%dma_wait3A_78, %dma_wait3A_79] : memref<80x128xi32, #tpu.memory_space<vmem>> -> memref<1x128xi32, #tpu.memory_space<vmem>>
    %dma_wait3A_81 = tpu.memref_squeeze %dma_wait3A_80 : memref<1x128xi32, #tpu.memory_space<vmem>> -> memref<128xi32, #tpu.memory_space<vmem>>
    %dma_wait3A_82 = arith.constant 0 : i32
    %dma_wait3A_83 = arith.constant 0 : i32
    %dma_wait3A_84 = tpu.memref_slice %arg4[%dma_wait3A_82, %dma_wait3A_83] : memref<10000x16xf32, #tpu.memory_space<hbm>> -> memref<10000x16xf32, #tpu.memory_space<hbm>>
    tpu.wait_indirect_dma semaphore(%arg20 : memref<!tpu.dma_semaphore, #tpu.memory_space<semaphore_mem>>) src(%dma_wait3A_84 : memref<10000x16xf32, #tpu.memory_space<hbm>>) dst(%arg12 : memref<128x16xf32, #tpu.memory_space<vmem>>)
    %dma_wait3A_85 = arith.constant 3 : i32
    %dma_wait3A_86 = arith.constant 0 : i32
    %dma_wait3A_87 = tpu.memref_slice %arg7[%dma_wait3A_85, %dma_wait3A_86] : memref<80x128xi32, #tpu.memory_space<vmem>> -> memref<1x128xi32, #tpu.memory_space<vmem>>
    %dma_wait3A_88 = tpu.memref_squeeze %dma_wait3A_87 : memref<1x128xi32, #tpu.memory_space<vmem>> -> memref<128xi32, #tpu.memory_space<vmem>>
    %dma_wait3A_89 = arith.constant 0 : i32
    %dma_wait3A_90 = arith.constant 0 : i32
    %dma_wait3A_91 = tpu.memref_slice %arg4[%dma_wait3A_89, %dma_wait3A_90] : memref<10000x16xf32, #tpu.memory_space<hbm>> -> memref<10000x16xf32, #tpu.memory_space<hbm>>
    tpu.wait_indirect_dma semaphore(%arg21 : memref<!tpu.dma_semaphore, #tpu.memory_space<semaphore_mem>>) src(%dma_wait3A_91 : memref<10000x16xf32, #tpu.memory_space<hbm>>) dst(%arg13 : memref<128x16xf32, #tpu.memory_space<vmem>>)
    %dma_wait3A_92 = arith.constant 4 : i32
    %dma_wait3A_93 = arith.constant 0 : i32
    %dma_wait3A_94 = tpu.memref_slice %arg7[%dma_wait3A_92, %dma_wait3A_93] : memref<80x128xi32, #tpu.memory_space<vmem>> -> memref<1x128xi32, #tpu.memory_space<vmem>>
    %dma_wait3A_95 = tpu.memref_squeeze %dma_wait3A_94 : memref<1x128xi32, #tpu.memory_space<vmem>> -> memref<128xi32, #tpu.memory_space<vmem>>
    %dma_wait3A_96 = arith.constant 0 : i32
    %dma_wait3A_97 = arith.constant 0 : i32
    %dma_wait3A_98 = tpu.memref_slice %arg4[%dma_wait3A_96, %dma_wait3A_97] : memref<10000x16xf32, #tpu.memory_space<hbm>> -> memref<10000x16xf32, #tpu.memory_space<hbm>>
    tpu.wait_indirect_dma semaphore(%arg22 : memref<!tpu.dma_semaphore, #tpu.memory_space<semaphore_mem>>) src(%dma_wait3A_98 : memref<10000x16xf32, #tpu.memory_space<hbm>>) dst(%arg14 : memref<128x16xf32, #tpu.memory_space<vmem>>)
    %dma_wait3A_99 = arith.constant 5 : i32
    %dma_wait3A_100 = arith.constant 0 : i32
    %dma_wait3A_101 = tpu.memref_slice %arg7[%dma_wait3A_99, %dma_wait3A_100] : memref<80x128xi32, #tpu.memory_space<vmem>> -> memref<1x128xi32, #tpu.memory_space<vmem>>
    %dma_wait3A_102 = tpu.memref_squeeze %dma_wait3A_101 : memref<1x128xi32, #tpu.memory_space<vmem>> -> memref<128xi32, #tpu.memory_space<vmem>>
    %dma_wait3A_103 = arith.constant 0 : i32
    %dma_wait3A_104 = arith.constant 0 : i32
    %dma_wait3A_105 = tpu.memref_slice %arg4[%dma_wait3A_103, %dma_wait3A_104] : memref<10000x16xf32, #tpu.memory_space<hbm>> -> memref<10000x16xf32, #tpu.memory_space<hbm>>
    tpu.wait_indirect_dma semaphore(%arg23 : memref<!tpu.dma_semaphore, #tpu.memory_space<semaphore_mem>>) src(%dma_wait3A_105 : memref<10000x16xf32, #tpu.memory_space<hbm>>) dst(%arg15 : memref<128x16xf32, #tpu.memory_space<vmem>>)
    %dma_wait3A_106 = arith.constant 6 : i32
    %dma_wait3A_107 = arith.constant 0 : i32
    %dma_wait3A_108 = tpu.memref_slice %arg7[%dma_wait3A_106, %dma_wait3A_107] : memref<80x128xi32, #tpu.memory_space<vmem>> -> memref<1x128xi32, #tpu.memory_space<vmem>>
    %dma_wait3A_109 = tpu.memref_squeeze %dma_wait3A_108 : memref<1x128xi32, #tpu.memory_space<vmem>> -> memref<128xi32, #tpu.memory_space<vmem>>
    %dma_wait3A_110 = arith.constant 0 : i32
    %dma_wait3A_111 = arith.constant 0 : i32
    %dma_wait3A_112 = tpu.memref_slice %arg4[%dma_wait3A_110, %dma_wait3A_111] : memref<10000x16xf32, #tpu.memory_space<hbm>> -> memref<10000x16xf32, #tpu.memory_space<hbm>>
    tpu.wait_indirect_dma semaphore(%arg24 : memref<!tpu.dma_semaphore, #tpu.memory_space<semaphore_mem>>) src(%dma_wait3A_112 : memref<10000x16xf32, #tpu.memory_space<hbm>>) dst(%arg16 : memref<128x16xf32, #tpu.memory_space<vmem>>)
    %dma_wait3A_113 = arith.constant 7 : i32
    %dma_wait3A_114 = arith.constant 0 : i32
    %dma_wait3A_115 = tpu.memref_slice %arg7[%dma_wait3A_113, %dma_wait3A_114] : memref<80x128xi32, #tpu.memory_space<vmem>> -> memref<1x128xi32, #tpu.memory_space<vmem>>
    %dma_wait3A_116 = tpu.memref_squeeze %dma_wait3A_115 : memref<1x128xi32, #tpu.memory_space<vmem>> -> memref<128xi32, #tpu.memory_space<vmem>>
    %dma_wait3A_117 = arith.constant 0 : i32
    %dma_wait3A_118 = arith.constant 0 : i32
    %dma_wait3A_119 = tpu.memref_slice %arg4[%dma_wait3A_117, %dma_wait3A_118] : memref<10000x16xf32, #tpu.memory_space<hbm>> -> memref<10000x16xf32, #tpu.memory_space<hbm>>
    tpu.wait_indirect_dma semaphore(%arg25 : memref<!tpu.dma_semaphore, #tpu.memory_space<semaphore_mem>>) src(%dma_wait3A_119 : memref<10000x16xf32, #tpu.memory_space<hbm>>) dst(%arg17 : memref<128x16xf32, #tpu.memory_space<vmem>>)
    %barrier3A_120 = arith.constant 0 : index
    tpu.barrier barrier_id(%barrier3A_120)
    %mul3A_121 = arith.constant 632 : i32
    %mul3A_122 = arith.muli %arg1, %mul3A_121 : i32
    %mul3A_123 = arith.constant 632 : i32
    %mul3A_124 = arith.muli %arg1, %mul3A_123 : i32
    "tpu.region"() ({
      %run_scoped3A = tpu.sem_alloc : memref<!tpu.dma_semaphore, #tpu.memory_space<semaphore_mem>>
      %dma_start3A_125 = arith.constant 0 : i32
      %dma_start3A_126 = tpu.memref_slice %arg6[%arg0, %mul3A_124, %dma_start3A_125] : memref<2x10112x16xf32, #tpu.memory_space<hbm>> -> memref<1x632x16xf32, #tpu.memory_space<hbm>>
      %dma_start3A_127 = tpu.memref_squeeze %dma_start3A_126 : memref<1x632x16xf32, #tpu.memory_space<hbm>> -> memref<632x16xf32, #tpu.memory_space<hbm>>
      %dma_start3A_128 = arith.constant 0 : i32
      %dma_start3A_129 = tpu.memref_slice %arg9[%mul3A_122, %dma_start3A_128] : memref<10112x16xf32, #tpu.memory_space<vmem_shared>> -> memref<632x16xf32, #tpu.memory_space<vmem_shared>>
      tpu.enqueue_dma source(%dma_start3A_129 : memref<632x16xf32, #tpu.memory_space<vmem_shared>>) target(%dma_start3A_127 : memref<632x16xf32, #tpu.memory_space<hbm>>) target_semaphore(%run_scoped3A : memref<!tpu.dma_semaphore, #tpu.memory_space<semaphore_mem>>)
      %dma_wait3A_130 = arith.constant 0 : i32
      %dma_wait3A_131 = tpu.memref_slice %arg6[%arg0, %mul3A_124, %dma_wait3A_130] : memref<2x10112x16xf32, #tpu.memory_space<hbm>> -> memref<1x632x16xf32, #tpu.memory_space<hbm>>
      %dma_wait3A_132 = tpu.memref_squeeze %dma_wait3A_131 : memref<1x632x16xf32, #tpu.memory_space<hbm>> -> memref<632x16xf32, #tpu.memory_space<hbm>>
      %dma_wait3A_133 = arith.constant 0 : i32
      %dma_wait3A_134 = tpu.memref_slice %arg9[%mul3A_122, %dma_wait3A_133] : memref<10112x16xf32, #tpu.memory_space<vmem_shared>> -> memref<632x16xf32, #tpu.memory_space<vmem_shared>>
      tpu.wait_dma2 semaphore(%run_scoped3A : memref<!tpu.dma_semaphore, #tpu.memory_space<semaphore_mem>>) src(%dma_wait3A_134 : memref<632x16xf32, #tpu.memory_space<vmem_shared>>) dst(%dma_wait3A_132 : memref<632x16xf32, #tpu.memory_space<hbm>>)
      tpu.yield
    }) : () -> ()
    return
  }
}

module attributes {stable_mosaic.version = 14 : i64} {
  func.func @_tc1_body(%arg0: i32, %arg1: memref<2x1000x16xf32, #tpu.memory_space<vmem>>, %arg2: memref<1000x128xf32, #tpu.memory_space<vmem>>, %arg3: memref<128x16xf32, #tpu.memory_space<vmem>>, %arg4: memref<1000x1xf32, #tpu.memory_space<vmem>>, %arg5: memref<1000x16xf32, #tpu.memory_space<vmem>>) attributes {dimension_semantics = [#tpu.dimension_semantics<arbitrary>], iteration_bounds = array<i64: 10>, scalar_prefetch = 0 : i64, scratch_operands = 0 : i64, tpu.core_type = #tpu.core_type<tc>, window_params = [{transform_indices = @transform_0, window_bounds = array<i64: 2, 1000, 16>}, {transform_indices = @transform_1, window_bounds = array<i64: 1000, 128>}, {pipeline_mode = #tpu.pipeline_mode<synchronous>, transform_indices = @transform_2, window_bounds = array<i64: 128, 16>}, {transform_indices = @transform_3, window_bounds = array<i64: 1000, 1>}, {transform_indices = @transform_4, window_bounds = array<i64: 1000, 16>}]} {
    %get3A = arith.constant 0 : index
    %get3A_0 = arith.constant 0 : index
    %get3A_1 = arith.constant 0 : index
    %get3A_2 = vector.load %arg1[%get3A, %get3A_0, %get3A_1] : memref<2x1000x16xf32, #tpu.memory_space<vmem>>, vector<1x1000x1xf32>
    %get3A_3 = vector.shape_cast %get3A_2 : vector<1x1000x1xf32> to vector<1000x1xf32>
    %get3A_4 = arith.constant 1 : index
    %get3A_5 = arith.constant 0 : index
    %get3A_6 = arith.constant 0 : index
    %get3A_7 = vector.load %arg1[%get3A_4, %get3A_5, %get3A_6] : memref<2x1000x16xf32, #tpu.memory_space<vmem>>, vector<1x1000x1xf32>
    %get3A_8 = vector.shape_cast %get3A_7 : vector<1x1000x1xf32> to vector<1000x1xf32>
    %add3A = arith.addf %get3A_3, %get3A_8 : vector<1000x1xf32>
    %add3A_9 = arith.constant 1.000000e+00 : f32
    %add3A_10 = vector.broadcast %add3A_9 : f32 to vector<1000x1xf32>
    %add3A_11 = arith.addf %add3A, %add3A_10 : vector<1000x1xf32>
    %rsqrt3A = math.rsqrt %add3A_11 : vector<1000x1xf32>
    %swap3A = arith.constant 0 : index
    %swap3A_12 = arith.constant 0 : index
    %swap3A_13 = vector.load %arg4[%swap3A, %swap3A_12] : memref<1000x1xf32, #tpu.memory_space<vmem>>, vector<1000x1xf32>
    tpu.vector_store %arg4[%swap3A, %swap3A_12], %rsqrt3A {strides = array<i32>} : memref<1000x1xf32, #tpu.memory_space<vmem>>, vector<1000x1xf32>,
    %get3A_14 = arith.constant 0 : index
    %get3A_15 = arith.constant 0 : index
    %get3A_16 = vector.load %arg2[%get3A_14, %get3A_15] : memref<1000x128xf32, #tpu.memory_space<vmem>>, vector<1000x128xf32>
    %get3A_17 = arith.constant 0 : index
    %get3A_18 = arith.constant 0 : index
    %get3A_19 = vector.load %arg3[%get3A_17, %get3A_18] : memref<128x16xf32, #tpu.memory_space<vmem>>, vector<128x16xf32>
    %dot_general3A = arith.constant dense<0.000000e+00> : vector<1000x16xf32>
    %dot_general3A_20 = tpu.matmul %get3A_16, %get3A_19, %dot_general3A {dimension_numbers = #tpu.dot_dimension_numbers<[1], [0], [0], [1], [0, 0, 1, 1], [], []>, transpose_lhs_hint = false} : vector<1000x128xf32>, vector<128x16xf32>, vector<1000x16xf32> -> vector<1000x16xf32>
    %mul3A = vector.broadcast %rsqrt3A : vector<1000x1xf32> to vector<1000x16xf32>
    %mul3A_21 = arith.mulf %dot_general3A_20, %mul3A : vector<1000x16xf32>
    %swap3A_22 = arith.constant 0 : index
    %swap3A_23 = arith.constant 0 : index
    %swap3A_24 = vector.load %arg5[%swap3A_22, %swap3A_23] : memref<1000x16xf32, #tpu.memory_space<vmem>>, vector<1000x16xf32>
    tpu.vector_store %arg5[%swap3A_22, %swap3A_23], %mul3A_21 {strides = array<i32>} : memref<1000x16xf32, #tpu.memory_space<vmem>>, vector<1000x16xf32>,
    return
  }
  func.func @transform_0(%arg0: i32) -> (i32, i32, i32) {
    %c0_i32 = arith.constant 0 : i32
    %c0_i32_0 = arith.constant 0 : i32
    %c0_i32_1 = arith.constant 0 : i32
    return %c0_i32, %arg0, %c0_i32_0 : i32, i32, i32
  }
  func.func @transform_1(%arg0: i32) -> (i32, i32) {
    %c0_i32 = arith.constant 0 : i32
    %c0_i32_0 = arith.constant 0 : i32
    return %arg0, %c0_i32 : i32, i32
  }
  func.func @transform_2(%arg0: i32) -> (i32, i32) {
    %c0_i32 = arith.constant 0 : i32
    %c0_i32_0 = arith.constant 0 : i32
    %c0_i32_1 = arith.constant 0 : i32
    return %c0_i32, %c0_i32_0 : i32, i32
  }
  func.func @transform_3(%arg0: i32) -> (i32, i32) {
    %c0_i32 = arith.constant 0 : i32
    %c0_i32_0 = arith.constant 0 : i32
    return %arg0, %c0_i32 : i32, i32
  }
  func.func @transform_4(%arg0: i32) -> (i32, i32) {
    %c0_i32 = arith.constant 0 : i32
    %c0_i32_0 = arith.constant 0 : i32
    return %arg0, %c0_i32 : i32, i32
  }
}

module attributes {stable_mosaic.version = 14 : i64} {
  func.func @_tc2_body(%arg0: i32, %arg1: memref<2x1000x16xf32, #tpu.memory_space<vmem>>, %arg2: memref<1000x16xf32, #tpu.memory_space<vmem>>, %arg3: memref<1000x1xf32, #tpu.memory_space<vmem>>, %arg4: memref<1x16xf32, #tpu.memory_space<vmem>>, %arg5: memref<1000x16xf32, #tpu.memory_space<vmem>>) attributes {dimension_semantics = [#tpu.dimension_semantics<arbitrary>], iteration_bounds = array<i64: 10>, scalar_prefetch = 0 : i64, scratch_operands = 0 : i64, tpu.core_type = #tpu.core_type<tc>, window_params = [{transform_indices = @transform_0, window_bounds = array<i64: 2, 1000, 16>}, {transform_indices = @transform_1, window_bounds = array<i64: 1000, 16>}, {transform_indices = @transform_2, window_bounds = array<i64: 1000, 1>}, {pipeline_mode = #tpu.pipeline_mode<synchronous>, transform_indices = @transform_3, window_bounds = array<i64: 1, 16>}, {transform_indices = @transform_4, window_bounds = array<i64: 1000, 16>}]} {
    %get3A = arith.constant 0 : index
    %get3A_0 = arith.constant 0 : index
    %get3A_1 = vector.load %arg3[%get3A, %get3A_0] : memref<1000x1xf32, #tpu.memory_space<vmem>>, vector<1000x1xf32>
    %get3A_2 = arith.constant 0 : index
    %get3A_3 = arith.constant 0 : index
    %get3A_4 = arith.constant 0 : index
    %get3A_5 = vector.load %arg1[%get3A_2, %get3A_3, %get3A_4] : memref<2x1000x16xf32, #tpu.memory_space<vmem>>, vector<1x1000x16xf32>
    %get3A_6 = vector.shape_cast %get3A_5 : vector<1x1000x16xf32> to vector<1000x16xf32>
    %get3A_7 = arith.constant 1 : index
    %get3A_8 = arith.constant 0 : index
    %get3A_9 = arith.constant 0 : index
    %get3A_10 = vector.load %arg1[%get3A_7, %get3A_8, %get3A_9] : memref<2x1000x16xf32, #tpu.memory_space<vmem>>, vector<1x1000x16xf32>
    %get3A_11 = vector.shape_cast %get3A_10 : vector<1x1000x16xf32> to vector<1000x16xf32>
    %add3A = arith.addf %get3A_6, %get3A_11 : vector<1000x16xf32>
    %get3A_12 = arith.constant 0 : index
    %get3A_13 = arith.constant 0 : index
    %get3A_14 = vector.load %arg2[%get3A_12, %get3A_13] : memref<1000x16xf32, #tpu.memory_space<vmem>>, vector<1000x16xf32>
    %add3A_15 = arith.addf %add3A, %get3A_14 : vector<1000x16xf32>
    %mul3A = vector.broadcast %get3A_1 : vector<1000x1xf32> to vector<1000x16xf32>
    %mul3A_16 = arith.mulf %mul3A, %add3A_15 : vector<1000x16xf32>
    %get3A_17 = arith.constant 0 : index
    %get3A_18 = arith.constant 0 : index
    %get3A_19 = vector.load %arg4[%get3A_17, %get3A_18] : memref<1x16xf32, #tpu.memory_space<vmem>>, vector<1x16xf32>
    %add3A_20 = vector.broadcast %get3A_19 : vector<1x16xf32> to vector<1000x16xf32>
    %add3A_21 = arith.addf %mul3A_16, %add3A_20 : vector<1000x16xf32>
    %max3A = arith.constant 0.000000e+00 : f32
    %max3A_22 = vector.broadcast %max3A : f32 to vector<1000x16xf32>
    %max3A_23 = arith.maximumf %add3A_21, %max3A_22 : vector<1000x16xf32>
    %mul3A_24 = vector.broadcast %get3A_1 : vector<1000x1xf32> to vector<1000x16xf32>
    %mul3A_25 = arith.mulf %max3A_23, %mul3A_24 : vector<1000x16xf32>
    %swap3A = arith.constant 0 : index
    %swap3A_26 = arith.constant 0 : index
    %swap3A_27 = vector.load %arg5[%swap3A, %swap3A_26] : memref<1000x16xf32, #tpu.memory_space<vmem>>, vector<1000x16xf32>
    tpu.vector_store %arg5[%swap3A, %swap3A_26], %mul3A_25 {strides = array<i32>} : memref<1000x16xf32, #tpu.memory_space<vmem>>, vector<1000x16xf32>,
    return
  }
  func.func @transform_0(%arg0: i32) -> (i32, i32, i32) {
    %c0_i32 = arith.constant 0 : i32
    %c0_i32_0 = arith.constant 0 : i32
    %c0_i32_1 = arith.constant 0 : i32
    return %c0_i32, %arg0, %c0_i32_0 : i32, i32, i32
  }
  func.func @transform_1(%arg0: i32) -> (i32, i32) {
    %c0_i32 = arith.constant 0 : i32
    %c0_i32_0 = arith.constant 0 : i32
    return %arg0, %c0_i32 : i32, i32
  }
  func.func @transform_2(%arg0: i32) -> (i32, i32) {
    %c0_i32 = arith.constant 0 : i32
    %c0_i32_0 = arith.constant 0 : i32
    return %arg0, %c0_i32 : i32, i32
  }
  func.func @transform_3(%arg0: i32) -> (i32, i32) {
    %c0_i32 = arith.constant 0 : i32
    %c0_i32_0 = arith.constant 0 : i32
    %c0_i32_1 = arith.constant 0 : i32
    return %c0_i32, %c0_i32_0 : i32, i32
  }
  func.func @transform_4(%arg0: i32) -> (i32, i32) {
    %c0_i32 = arith.constant 0 : i32
    %c0_i32_0 = arith.constant 0 : i32
    return %arg0, %c0_i32 : i32, i32
  }
}

module attributes {stable_mosaic.version = 14 : i64} {
  func.func @_tc3_body(%arg0: i32, %arg1: memref<2x1000x16xf32, #tpu.memory_space<vmem>>, %arg2: memref<1000x16xf32, #tpu.memory_space<vmem>>, %arg3: memref<1000x1xf32, #tpu.memory_space<vmem>>, %arg4: memref<16x32xf32, #tpu.memory_space<vmem>>, %arg5: memref<1x32xf32, #tpu.memory_space<vmem>>, %arg6: memref<32x64xf32, #tpu.memory_space<vmem>>, %arg7: memref<1x64xf32, #tpu.memory_space<vmem>>, %arg8: memref<64x32xf32, #tpu.memory_space<vmem>>, %arg9: memref<1x32xf32, #tpu.memory_space<vmem>>, %arg10: memref<32x40xf32, #tpu.memory_space<vmem>>, %arg11: memref<1x40xf32, #tpu.memory_space<vmem>>, %arg12: memref<1000x40xf32, #tpu.memory_space<vmem>>) attributes {dimension_semantics = [#tpu.dimension_semantics<arbitrary>], iteration_bounds = array<i64: 10>, scalar_prefetch = 0 : i64, scratch_operands = 0 : i64, tpu.core_type = #tpu.core_type<tc>, window_params = [{transform_indices = @transform_0, window_bounds = array<i64: 2, 1000, 16>}, {transform_indices = @transform_1, window_bounds = array<i64: 1000, 16>}, {transform_indices = @transform_2, window_bounds = array<i64: 1000, 1>}, {pipeline_mode = #tpu.pipeline_mode<synchronous>, transform_indices = @transform_3, window_bounds = array<i64: 16, 32>}, {pipeline_mode = #tpu.pipeline_mode<synchronous>, transform_indices = @transform_4, window_bounds = array<i64: 1, 32>}, {pipeline_mode = #tpu.pipeline_mode<synchronous>, transform_indices = @transform_5, window_bounds = array<i64: 32, 64>}, {pipeline_mode = #tpu.pipeline_mode<synchronous>, transform_indices = @transform_6, window_bounds = array<i64: 1, 64>}, {pipeline_mode = #tpu.pipeline_mode<synchronous>, transform_indices = @transform_7, window_bounds = array<i64: 64, 32>}, {pipeline_mode = #tpu.pipeline_mode<synchronous>, transform_indices = @transform_8, window_bounds = array<i64: 1, 32>}, {pipeline_mode = #tpu.pipeline_mode<synchronous>, transform_indices = @transform_9, window_bounds = array<i64: 32, 40>}, {pipeline_mode = #tpu.pipeline_mode<synchronous>, transform_indices = @transform_10, window_bounds = array<i64: 1, 40>}, {transform_indices = @transform_11, window_bounds = array<i64: 1000, 40>}]} {
    %get3A = arith.constant 0 : index
    %get3A_0 = arith.constant 0 : index
    %get3A_1 = vector.load %arg3[%get3A, %get3A_0] : memref<1000x1xf32, #tpu.memory_space<vmem>>, vector<1000x1xf32>
    %get3A_2 = arith.constant 0 : index
    %get3A_3 = arith.constant 0 : index
    %get3A_4 = arith.constant 0 : index
    %get3A_5 = vector.load %arg1[%get3A_2, %get3A_3, %get3A_4] : memref<2x1000x16xf32, #tpu.memory_space<vmem>>, vector<1x1000x16xf32>
    %get3A_6 = vector.shape_cast %get3A_5 : vector<1x1000x16xf32> to vector<1000x16xf32>
    %get3A_7 = arith.constant 1 : index
    %get3A_8 = arith.constant 0 : index
    %get3A_9 = arith.constant 0 : index
    %get3A_10 = vector.load %arg1[%get3A_7, %get3A_8, %get3A_9] : memref<2x1000x16xf32, #tpu.memory_space<vmem>>, vector<1x1000x16xf32>
    %get3A_11 = vector.shape_cast %get3A_10 : vector<1x1000x16xf32> to vector<1000x16xf32>
    %add3A = arith.addf %get3A_6, %get3A_11 : vector<1000x16xf32>
    %get3A_12 = arith.constant 0 : index
    %get3A_13 = arith.constant 0 : index
    %get3A_14 = vector.load %arg2[%get3A_12, %get3A_13] : memref<1000x16xf32, #tpu.memory_space<vmem>>, vector<1000x16xf32>
    %add3A_15 = arith.addf %add3A, %get3A_14 : vector<1000x16xf32>
    %mul3A = vector.broadcast %get3A_1 : vector<1000x1xf32> to vector<1000x16xf32>
    %mul3A_16 = arith.mulf %mul3A, %add3A_15 : vector<1000x16xf32>
    %get3A_17 = arith.constant 0 : index
    %get3A_18 = arith.constant 0 : index
    %get3A_19 = vector.load %arg4[%get3A_17, %get3A_18] : memref<16x32xf32, #tpu.memory_space<vmem>>, vector<16x32xf32>
    %dot_general3A = arith.constant dense<0.000000e+00> : vector<1000x32xf32>
    %dot_general3A_20 = tpu.matmul %mul3A_16, %get3A_19, %dot_general3A {dimension_numbers = #tpu.dot_dimension_numbers<[1], [0], [0], [1], [0, 0, 1, 1], [], []>, transpose_lhs_hint = false} : vector<1000x16xf32>, vector<16x32xf32>, vector<1000x32xf32> -> vector<1000x32xf32>
    %get3A_21 = arith.constant 0 : index
    %get3A_22 = arith.constant 0 : index
    %get3A_23 = vector.load %arg5[%get3A_21, %get3A_22] : memref<1x32xf32, #tpu.memory_space<vmem>>, vector<1x32xf32>
    %add3A_24 = vector.broadcast %get3A_23 : vector<1x32xf32> to vector<1000x32xf32>
    %add3A_25 = arith.addf %dot_general3A_20, %add3A_24 : vector<1000x32xf32>
    %max3A = arith.constant 0.000000e+00 : f32
    %max3A_26 = vector.broadcast %max3A : f32 to vector<1000x32xf32>
    %max3A_27 = arith.maximumf %add3A_25, %max3A_26 : vector<1000x32xf32>
    %get3A_28 = arith.constant 0 : index
    %get3A_29 = arith.constant 0 : index
    %get3A_30 = vector.load %arg6[%get3A_28, %get3A_29] : memref<32x64xf32, #tpu.memory_space<vmem>>, vector<32x64xf32>
    %dot_general3A_31 = arith.constant dense<0.000000e+00> : vector<1000x64xf32>
    %dot_general3A_32 = tpu.matmul %max3A_27, %get3A_30, %dot_general3A_31 {dimension_numbers = #tpu.dot_dimension_numbers<[1], [0], [0], [1], [0, 0, 1, 1], [], []>, transpose_lhs_hint = false} : vector<1000x32xf32>, vector<32x64xf32>, vector<1000x64xf32> -> vector<1000x64xf32>
    %get3A_33 = arith.constant 0 : index
    %get3A_34 = arith.constant 0 : index
    %get3A_35 = vector.load %arg7[%get3A_33, %get3A_34] : memref<1x64xf32, #tpu.memory_space<vmem>>, vector<1x64xf32>
    %add3A_36 = vector.broadcast %get3A_35 : vector<1x64xf32> to vector<1000x64xf32>
    %add3A_37 = arith.addf %dot_general3A_32, %add3A_36 : vector<1000x64xf32>
    %max3A_38 = arith.constant 0.000000e+00 : f32
    %max3A_39 = vector.broadcast %max3A_38 : f32 to vector<1000x64xf32>
    %max3A_40 = arith.maximumf %add3A_37, %max3A_39 : vector<1000x64xf32>
    %get3A_41 = arith.constant 0 : index
    %get3A_42 = arith.constant 0 : index
    %get3A_43 = vector.load %arg8[%get3A_41, %get3A_42] : memref<64x32xf32, #tpu.memory_space<vmem>>, vector<64x32xf32>
    %dot_general3A_44 = arith.constant dense<0.000000e+00> : vector<1000x32xf32>
    %dot_general3A_45 = tpu.matmul %max3A_40, %get3A_43, %dot_general3A_44 {dimension_numbers = #tpu.dot_dimension_numbers<[1], [0], [0], [1], [0, 0, 1, 1], [], []>, transpose_lhs_hint = false} : vector<1000x64xf32>, vector<64x32xf32>, vector<1000x32xf32> -> vector<1000x32xf32>
    %get3A_46 = arith.constant 0 : index
    %get3A_47 = arith.constant 0 : index
    %get3A_48 = vector.load %arg9[%get3A_46, %get3A_47] : memref<1x32xf32, #tpu.memory_space<vmem>>, vector<1x32xf32>
    %add3A_49 = vector.broadcast %get3A_48 : vector<1x32xf32> to vector<1000x32xf32>
    %add3A_50 = arith.addf %dot_general3A_45, %add3A_49 : vector<1000x32xf32>
    %max3A_51 = arith.constant 0.000000e+00 : f32
    %max3A_52 = vector.broadcast %max3A_51 : f32 to vector<1000x32xf32>
    %max3A_53 = arith.maximumf %add3A_50, %max3A_52 : vector<1000x32xf32>
    %get3A_54 = arith.constant 0 : index
    %get3A_55 = arith.constant 0 : index
    %get3A_56 = vector.load %arg10[%get3A_54, %get3A_55] : memref<32x40xf32, #tpu.memory_space<vmem>>, vector<32x40xf32>
    %dot_general3A_57 = arith.constant dense<0.000000e+00> : vector<1000x40xf32>
    %dot_general3A_58 = tpu.matmul %max3A_53, %get3A_56, %dot_general3A_57 {dimension_numbers = #tpu.dot_dimension_numbers<[1], [0], [0], [1], [0, 0, 1, 1], [], []>, transpose_lhs_hint = false} : vector<1000x32xf32>, vector<32x40xf32>, vector<1000x40xf32> -> vector<1000x40xf32>
    %get3A_59 = arith.constant 0 : index
    %get3A_60 = arith.constant 0 : index
    %get3A_61 = vector.load %arg11[%get3A_59, %get3A_60] : memref<1x40xf32, #tpu.memory_space<vmem>>, vector<1x40xf32>
    %add3A_62 = vector.broadcast %get3A_61 : vector<1x40xf32> to vector<1000x40xf32>
    %add3A_63 = arith.addf %dot_general3A_58, %add3A_62 : vector<1000x40xf32>
    %swap3A = arith.constant 0 : index
    %swap3A_64 = arith.constant 0 : index
    %swap3A_65 = vector.load %arg12[%swap3A, %swap3A_64] : memref<1000x40xf32, #tpu.memory_space<vmem>>, vector<1000x40xf32>
    tpu.vector_store %arg12[%swap3A, %swap3A_64], %add3A_63 {strides = array<i32>} : memref<1000x40xf32, #tpu.memory_space<vmem>>, vector<1000x40xf32>,
    return
  }
  func.func @transform_0(%arg0: i32) -> (i32, i32, i32) {
    %c0_i32 = arith.constant 0 : i32
    %c0_i32_0 = arith.constant 0 : i32
    %c0_i32_1 = arith.constant 0 : i32
    return %c0_i32, %arg0, %c0_i32_0 : i32, i32, i32
  }
  func.func @transform_1(%arg0: i32) -> (i32, i32) {
    %c0_i32 = arith.constant 0 : i32
    %c0_i32_0 = arith.constant 0 : i32
    return %arg0, %c0_i32 : i32, i32
  }
  func.func @transform_2(%arg0: i32) -> (i32, i32) {
    %c0_i32 = arith.constant 0 : i32
    %c0_i32_0 = arith.constant 0 : i32
    return %arg0, %c0_i32 : i32, i32
  }
  func.func @transform_3(%arg0: i32) -> (i32, i32) {
    %c0_i32 = arith.constant 0 : i32
    %c0_i32_0 = arith.constant 0 : i32
    %c0_i32_1 = arith.constant 0 : i32
    return %c0_i32, %c0_i32_0 : i32, i32
  }
  func.func @transform_4(%arg0: i32) -> (i32, i32) {
    %c0_i32 = arith.constant 0 : i32
    %c0_i32_0 = arith.constant 0 : i32
    %c0_i32_1 = arith.constant 0 : i32
    return %c0_i32, %c0_i32_0 : i32, i32
  }
  func.func @transform_5(%arg0: i32) -> (i32, i32) {
    %c0_i32 = arith.constant 0 : i32
    %c0_i32_0 = arith.constant 0 : i32
    %c0_i32_1 = arith.constant 0 : i32
    return %c0_i32, %c0_i32_0 : i32, i32
  }
  func.func @transform_6(%arg0: i32) -> (i32, i32) {
    %c0_i32 = arith.constant 0 : i32
    %c0_i32_0 = arith.constant 0 : i32
    %c0_i32_1 = arith.constant 0 : i32
    return %c0_i32, %c0_i32_0 : i32, i32
  }
  func.func @transform_7(%arg0: i32) -> (i32, i32) {
    %c0_i32 = arith.constant 0 : i32
    %c0_i32_0 = arith.constant 0 : i32
    %c0_i32_1 = arith.constant 0 : i32
    return %c0_i32, %c0_i32_0 : i32, i32
  }
  func.func @transform_8(%arg0: i32) -> (i32, i32) {
    %c0_i32 = arith.constant 0 : i32
    %c0_i32_0 = arith.constant 0 : i32
    %c0_i32_1 = arith.constant 0 : i32
    return %c0_i32, %c0_i32_0 : i32, i32
  }
  func.func @transform_9(%arg0: i32) -> (i32, i32) {
    %c0_i32 = arith.constant 0 : i32
    %c0_i32_0 = arith.constant 0 : i32
    %c0_i32_1 = arith.constant 0 : i32
    return %c0_i32, %c0_i32_0 : i32, i32
  }
  func.func @transform_10(%arg0: i32) -> (i32, i32) {
    %c0_i32 = arith.constant 0 : i32
    %c0_i32_0 = arith.constant 0 : i32
    %c0_i32_1 = arith.constant 0 : i32
    return %c0_i32, %c0_i32_0 : i32, i32
  }
  func.func @transform_11(%arg0: i32) -> (i32, i32) {
    %c0_i32 = arith.constant 0 : i32
    %c0_i32_0 = arith.constant 0 : i32
    return %arg0, %c0_i32 : i32, i32
  }
}

</mosaic_0001>

<sc_bundles>
// kernel: kernel.11.cloned.1.call-start
scs
__scs_entry_jumppad:
0x0: {  	(pc) =	sbr.rel $0x88, $3  }
0x1: {  	(tag) =	ssettag $0x0;
	lr =	simm.s32 $0x1  }
0x2: {  	[smem:$0x3F95] =	sst lr;
	_ =	strace $0xD0000000  }
0x3: {  	_ = 	snop  }
0x4: {  	_ = 	snop  }
0x5: {  	_ = 	snop  }
0x6: {  	_ = 	snop  }
0x7: {  	_ = 	snop  }
__scs_overlays_trampoline_lowered:
0x8: {  	[smem:$0x3FA4] =	sst s0  }
0x9: {  	[smem:$0x3FA5] =	sst s1  }
0xa: {  	[smem:$0x3FA6] =	sst s2  }
0xb: {  	[smem:$0x3FA7] =	sst s3  }
0xc: {  	[smem:$0x3FA8] =	sst s4  }
0xd: {  	[smem:$0x3FA9] =	sst s5  }
0xe: {  	[smem:$0x3FAA] =	sst s6  }
0xf: {  	[smem:$0x3FAB] =	sst s7  }
0x10: {  	[smem:$0x3FAC] =	sst s8  }
0x11: {  	[smem:$0x3FAD] =	sst s9;
	s0 =	simm.s32 @!p0 $0x0  }
0x12: {  	s1 =	sld [smem:$0x3F93];
	s0 =	simm.s32 @p0 $0x1  }
0x13: {  	[smem:$0x3FAE] =	sst s0;
	s0 =	simm.s32 @!p1 $0x0  }
0x14: {  	s2 =	sld [smem:$0x3F92];
	s0 =	simm.s32 @p1 $0x1  }
0x15: {  	[smem:$0x3FAF] =	sst s0;
	s0 =	simm.s32 @!p2 $0x0  }
0x16: {  	s3 =	sld [smem:$0x3FDB];
	s0 =	simm.s32 @p2 $0x1  }
0x17: {  	s4 =	simm.s32 $0x1BF5;
	[smem:$0x3FB1] =	sst s0  }
0x18: {  	s0 =	sld [smem:$0x3F94];
	_ =	swait.ge [sflag:s4], $0x0  }
0x19: {  	s7 =	sld [smem:$0x3F95]  }
0x1a: {  	s8 =	sadd.s32 $0xFFFFE003, lr  }
0x1b: {  	s9 =	sadd.s32 $0xFFFFFEF7, lr;
	s5 =	simm.s32 $0xFFFFFFFF;
	p2 =	slt.u32 s8, $0xFFFFF086  }
0x1c: {  	p1 =	slt.u32 s9, $0xF7A;
	s5 =	simm.s32 @!p2 $0x0  }
0x1d: {  	s5 =	simm.s32 @p1 $0x1;
	p0 =	seq.s32 s7, s2  }
0x1e: {  	s7 =	smul.u32 @!p0 $0xF7A, s2;
	p2 =	seq.s32 @!p0 s5, $0x0  }
0x1f: {  	s9 =	smul.u32 $0xF7A, s1;
	s8 =	simm.s32 @!p0 $0x1BF5;
	p2 =	por !p2, p0  }
0x20: {  	[sflag:s8] =	ssyncset.s32 @!p0 $0xFFFFF086;
	s6 =	sadd.s32 @!p0 s3, s7;
	s7 =	simm.s32 @!p0 $0x108  }
0x21: {  	s3 =	sadd.s32 s3, s9;
	s6 =	sadd.s32 @!p0 $0x88, s6;
	s7 =	simm.s32 @p2 $0x1082  }
0x22: {  	[simem:s7], [sflag:s8] =	dma.local @!p0 [hbm:s6], $0xF7A  }
0x23: {  	s9 =	sor.u32 $0xD0000000, s2;
	s6 =	simm.s32 $0x108;
	_ =	swait.ge @!p0 [sflag:s8], $0x0  }
0x24: {  	s3 =	sadd.s32 $0x88, s3;
	s6 =	simm.s32 @!p1 $0x1082;
	[sflag:s4] =	ssyncset.s32 $0xFFFFF086  }
0x25: {  	[simem:s6], [sflag:s4] =	dma.local [hbm:s3], $0xF7A  }
0x26: {  	[smem:$0x3F95] =	sst s1;
	(tag) =	ssettag s2;
	_ =	strace s9  }
0x27: {  	s1 =	sld [smem:$0x3FA5]  }
0x28: {  	s2 =	sld [smem:$0x3FA6]  }
0x29: {  	s4 =	sld [smem:$0x3FA8]  }
0x2a: {  	p0 =	seq.s32 s5, $0x0;
	s5 =	sld [smem:$0x3FA9]  }
0x2b: {  	s6 =	sld [smem:$0x3FAA]  }
0x2c: {  	s7 =	sld [smem:$0x3FAB]  }
0x2d: {  	s3 =	simm.s32 $0x108;
	s8 =	sld [smem:$0x3FAC]  }
0x2e: {  	s3 =	simm.s32 @!p0 $0x1082;
	s9 =	sld [smem:$0x3FAD]  }
0x2f: {  	lr =	sadd.s32 s0, s3;
	s0 =	sld [smem:$0x3FA4]  }
0x30: {  	s3 =	sld [smem:$0x3FA7]  }
0x31: {  	[smem:$0x3FB0] =	sst s10  }
0x32: {  	s10 =	sld [smem:$0x3FAE];
	_ =	sdelay $0x3  }
0x33: {  	p0 =	seq.s32 s10, $0x1;
	s10 =	sld [smem:$0x3FB0];
	_ =	sdelay $0x3  }
0x34: {  	[smem:$0x3FB0] =	sst s10  }
0x35: {  	s10 =	sld [smem:$0x3FAF];
	_ =	sdelay $0x3  }
0x36: {  	p1 =	seq.s32 s10, $0x1;
	s10 =	sld [smem:$0x3FB0];
	_ =	sdelay $0x3  }
0x37: {  	[smem:$0x3FB0] =	sst s10  }
0x38: {  	s10 =	sld [smem:$0x3FB1]  }
0x39: {  	_ = 	snop;
	(pc) =	sbr.ind lr, $3  }
0x3a: {  	_ = 	snop  }
0x3b: {  	_ = 	snop  }
0x3c: {  	p2 =	seq.s32 s10, $0x1;
	s10 =	sld [smem:$0x3FB0]  }
0x3d: {  	_ =	shalt  }
0x3e: {  	_ =	shalt  }
0x3f: {  	_ =	shalt  }
0x40: {  	_ =	shalt  }
0x41: {  	_ =	shalt  }
0x42: {  	_ =	shalt  }
0x43: {  	_ =	shalt  }
0x44: {  	_ =	shalt  }
0x45: {  	_ =	shalt  }
0x46: {  	_ =	shalt  }
0x47: {  	_ =	shalt  }
0x48: {  	_ =	shalt  }
0x49: {  	_ =	shalt  }
0x4a: {  	_ =	shalt  }
0x4b: {  	_ =	shalt  }
0x4c: {  	_ =	shalt  }
0x4d: {  	_ =	shalt  }
0x4e: {  	_ =	shalt  }
0x4f: {  	_ =	shalt  }
0x50: {  	_ =	shalt  }
0x51: {  	_ =	shalt  }
0x52: {  	_ =	shalt  }
0x53: {  	_ =	shalt  }
0x54: {  	_ =	shalt  }
0x55: {  	_ =	shalt  }
0x56: {  	_ =	shalt  }
0x57: {  	_ =	shalt  }
0x58: {  	_ =	shalt  }
0x59: {  	_ =	shalt  }
0x5a: {  	_ =	shalt  }
0x5b: {  	_ =	shalt  }
0x5c: {  	_ =	shalt  }
0x5d: {  	_ =	shalt  }
0x5e: {  	_ =	shalt  }
0x5f: {  	_ =	shalt  }
0x60: {  	_ =	shalt  }
0x61: {  	_ =	shalt  }
0x62: {  	_ =	shalt  }
0x63: {  	_ =	shalt  }
0x64: {  	_ =	shalt  }
0x65: {  	_ =	shalt  }
0x66: {  	_ =	shalt  }
0x67: {  	_ =	shalt  }
0x68: {  	_ =	shalt  }
0x69: {  	_ =	shalt  }
0x6a: {  	_ =	shalt  }
0x6b: {  	_ =	shalt  }
0x6c: {  	_ =	shalt  }
0x6d: {  	_ =	shalt  }
0x6e: {  	_ =	shalt  }
0x6f: {  	_ =	shalt  }
0x70: {  	_ =	shalt  }
0x71: {  	_ =	shalt  }
0x72: {  	_ =	shalt  }
0x73: {  	_ =	shalt  }
0x74: {  	_ =	shalt  }
0x75: {  	_ =	shalt  }
0x76: {  	_ =	shalt  }
0x77: {  	_ =	shalt  }
0x78: {  	_ =	shalt  }
0x79: {  	_ =	shalt  }
0x7a: {  	_ =	shalt  }
0x7b: {  	_ =	shalt  }
0x7c: {  	_ =	shalt  }
0x7d: {  	_ =	shalt  }
0x7e: {  	_ =	shalt  }
0x7f: {  	_ =	shalt  }
0x80: {  	_ =	shalt  }
0x81: {  	_ =	shalt  }
0x82: {  	_ =	shalt  }
0x83: {  	_ =	shalt  }
0x84: {  	_ =	shalt  }
0x85: {  	_ =	shalt  }
0x86: {  	_ =	shalt  }
0x87: {  	_ =	shalt  }
.Lfunc_end0:
.L_simem_size_0:
called_computation.1_lowered:
.L_overlay_start_0:
0x88: {  	s2 =	sld [smem:$0x3FD9]  }
0x89: {  	s3 =	sld [smem:$0x3FFE];
	_ =	sdelay $0x1  }
0x8a: {  	s1 =	srdreg.scid  }
0x8b: {  	s0 =	sand.u32 $0x1, s1  }
0x8c: {  	s17 =	sshll.u32 s0, $0xA;
	s2 =	sadd.s32 s3, s2  }
0x8d: {  	s2 =	sadd.s32 s2, s17  }
0x8e: {  	[smem:$0x3FBC] =	sst s2  }
0x8f: {  	_ = 	snop  }
0x90: {  	s2 =	sld [smem:$0x3FD0];
	(tm) =	ssettm $0x1  }
0x91: {  	s18 =	sld [smem:$0x3FFB];
	_ =	sdelay $0x3  }
0x92: {  	_ =	strace s18  }
0x93: {  	s3 =	sld [smem:$0x3FFC];
	_ =	sdelay $0x3  }
0x94: {  	_ =	strace s3  }
0x95: {  	s3 =	sld [smem:$0x3FFD];
	_ =	sdelay $0x3  }
0x96: {  	_ =	strace s3  }
0x97: {  	_ =	strace $0x8FFFFFFF  }
0x98: {  	s19 =	sld [smem:$0x3FDB];
	_ =	sdelay $0x1  }
0x99: {  	s4 =	simm.s32 $_scs_section_size  }
0x9a: {  	s5 =	simm.s32 $_size__tile_overlayer_lowered;
	s6 =	simm.s32 $_tile_overlayer_lowered  }
0x9b: {  	s22 =	simm.s32 $0x1BFF;
	s21 =	sshll.u32 s6, $0x1;
	s3 =	sadd.s32 s4, s19  }
0x9c: {  	s7 =	simm.s32 $0x0;
	s20 =	sshll.u32 s5, $0x1;
	s5 =	sadd.s32 s21, s3  }
0x9d: {  	[timem:s7], [sflag:s22] =	dma.local [hbm:s5], s20  }
0x9e: {  	_ =	swait.ge [sflag:s22], s20  }
0x9f: {  	s4 =	ssub.s32 $0x0, s20;
	[sflag:s22] =	ssyncset.done $0x0  }
0xa0: {  	[sflag:s22] =	ssyncadd.s32 s4;
	_ =	sdelay $0x1  }
0xa1: {  	s23 =	simm.s32 $0x1B8B  }
0xa2: {  	_ =	swait.ge [sflag:s23], $0x1  }
0xa3: {  	[sflag:s23] =	ssyncset.done $0x0  }
0xa4: {  	s25 =	simm.s32 $0x1B8E;
	s24 =	sld [smem:$0x3FFE];
	[sflag:s23] =	ssyncadd.s32 $0xFFFFFFFF  }
0xa5: {  	s26 =	simm.s32 $execute0_lowered;
	[smem:$0x3FD2] =	sst s25  }
0xa6: {  	s5 =	sshll.u32 s26, $0x1;
	_ =	strace $0x80000049;
	[dreg:$0x1] =	wrdreg $0xFFFFFFFF  }
0xa7: {  	s28 =	simm.s32 $_size_execute0_lowered;
	s3 =	sadd.s32 s3, s5;
	[dreg:$0x0] =	wrdreg $0x0  }
0xa8: {  	s5 =	sshll.u32 s28, $0x1;
	[dreg:$0x2] =	wrdreg s3  }
0xa9: {  	[dreg:$0x3] =	wrdreg s5  }
0xaa: {  	[dreg:$0x4] =	wrdreg $0xC0  }
0xab: {  	_ =	task [dreg:s7], $0x5FFFF  }
0xac: {  	[dreg:$0x1] =	wrdreg $0xFFFFFFFF  }
0xad: {  	[dreg:$0x0] =	wrdreg $0x60  }
0xae: {  	[dreg:$0x2] =	wrdreg s2  }
0xaf: {  	[dreg:$0x3] =	wrdreg s24  }
0xb0: {  	[dreg:$0x4] =	wrdreg $0x50000  }
0xb1: {  	[dreg:$0x5] =	wrdreg $0x9  }
0xb2: {  	_ =	task.clear_ibuf [dreg:s7], $0x6FFFF;
	_ =	strace $0x90000049  }
0xb3: {  	s29 =	simm.s32 $0x9;
	_ =	strace $0x8000004B  }
0xb4: {  	_ =	swait.ge [sflag:s29], $0x1  }
0xb5: {  	[sflag:s29] =	ssyncadd.s32 $0xFFFFFFFF  }
0xb6: {  	_ =	strace $0x9000004B  }
0xb7: {  	_ =	sfence  }
0xb8: {  	s30 =	sld [smem:$0x0];
	_ =	sdelay $0x2  }
0xb9: {  	s31 =	sshll.u32 s1, $0xD;
	s1 =	sshrl.u32 s1, $0x2  }
0xba: {  	s3 =	sand.u32 $0x4000, s31;
	s1 =	sadd.s32 s1, s30  }
0xbb: {  	s0 =	sor.u32 s3, s0;
	s1 =	sshll.u32 s1, $0x11  }
0xbc: {  	s0 =	sor.u32 s1, s0  }
0xbd: {  	s0 =	sadd.s32 $0x8F2B, s0  }
0xbe: {  	[sflag:s0] =	ssyncadd.remote.s32 $0x1  }
0xbf: {  	_ =	sfence.sel $0xFFFF  }
0xc0: {  	[dreg:$0x0] =	wrdreg $0xFFFFFFFF;
	(pc) =	sbr.abs _section_cstart, $3  }
0xc1: {  	[dreg:$0x1] =	wrdreg $0xFFFFFFFF  }
0xc2: {  	_ =	task.clear_ibuf [dreg:s7], $0x2FFFF;
	_ =	strace $0x9FFFFFFF  }
0xc3: {  	(tm) =	ssettm $0x7FFFFFFF  }
tec
execute0_lowered:
.L_overlay_start_1:
0x0: {  	(tag) =	ssettag $0x1  }
0x1: {  	s0 =	srdreg.scid;
	s1 =	rddreg [dreg:$0x0]  }
0x2: {  	s11 =	stileid.u32;
	s3 =	rddreg [dreg:$0x1];
	s23 =	simm.s32 $0x0  }
0x3: {  	s12 =	simm.s32 $0x11;
	s14 =	simm.s32 $0x80;
	s15 =	simm.s32 $0x7780  }
0x4: {  	s16 =	simm.s32 $0x7F80;
	s18 =	simm.s32 $0x8780;
	s20 =	simm.s32 $0x8F80  }
0x5: {  	s22 =	simm.s32 $0x9780;
	s29 =	simm.s32 $0xAF80;
	s30 =	simm.s32 $0x1  }
0x6: {  	s31 =	simm.s32 $0x2;
	s13 =	simm.s32 $0x5;
	s17 =	simm.s32 $0x6  }
0x7: {  	s19 =	simm.s32 $0x7;
	s21 =	simm.s32 $0x8;
	s28 =	simm.s32 $0xB  }
0x8: {  	s0 =	sand.u32 $0x1, s0;
	s2 =	sshll.u32 s11, $0x1;
	s6 =	smul.u32 $0x2780, s11  }
0x9: {  	[smem:$0x7FF] =	sst s23;
	s24 =	sshll.u32 s11, $0x6;
	s23 =	simm.s32 $0x9  }
0xa: {  	s4 =	sor.u32 s0, s2;
	s2 =	rddreg [dreg:$0x2];
	s7 =	smul.u32 $0x27800, s0  }
0xb: {  	_ =	strace $0x8000004A;
	s0 =	ssub.s32 $0x2, s0;
	s11 =	sor.u32 $0x1C11, s24  }
0xc: {  	s24 =	simm.s32 $0x9F80;
	s5 =	smul.u32 $0x500, s4;
	s4 =	sadd.s32 $0x11200, s3  }
0xd: {  	s9 =	sshrl.u32 s6, $0x3;
	s10 =	sshrl.u32 s0, $0x1;
	[dreg:$0x5] =	wrdreg s11  }
0xe: {  	s7 =	sadd.s32 s6, s7;
	s9 =	sadd.s32 s9, s3;
	s0 =	ssub.s32 s0, s10  }
0xf: {  	s6 =	sadd.s32 s6, s2;
	s10 =	simm.s32 $0x10;
	s8 =	sadd.s32 s5, s3  }
0x10: {  	s7 =	sshrl.u32 s7, $0x3;
	s9 =	sadd.s32 $0xC200, s9;
	s1 =	sadd.s32 s1, s5  }
0x11: {  	s0 =	smax.u32 s0, $0x1;
	s6 =	sshrl.u32 s6, $0x3;
	[dreg:$0x4] =	wrdreg s9  }
0x12: {  	s5 =	simm.s32 $0xC;
	s3 =	sadd.s32 s7, s3;
	[dreg:$0x6] =	wrdreg s1  }
0x13: {  	s25 =	sadd.s32 $0x2200, s8;
	[dreg:$0x9] =	wrdreg s0;
	s1 =	simm.s32 $0x3  }
0x14: {  	s0 =	simm.s32 $0x4;
	s7 =	simm.s32 $0xD;
	[dreg:$0xa] =	wrdreg s6  }
0x15: {  	s8 =	simm.s32 $0xE;
	[dreg:$0x7] =	wrdreg s25;
	s26 =	sadd.s32 $0x16200, s3  }
0x16: {  	s9 =	simm.s32 $0xF;
	s3 =	simm.s32 $0x0;
	[dreg:$0x8] =	wrdreg s26  }
0x17: {  	s25 =	simm.s32 $0xA;
	s26 =	simm.s32 $0xA780;
	[dreg:$0xb] =	wrdreg s3  }
.LBB2_1:
0x18: {  	s3 =	rddreg [dreg:$0x4]  }
0x19: {  	[spmem:s6], [sflag:s11] =	dma.local [hbm:s3], $0x4F0  }
0x1a: {  	_ =	swait.ge [sflag:s12], $0x4F0  }
0x1b: {  	[sflag:s12] =	ssyncset.done $0x0  }
0x1c: {  	s3 =	simm.s32 $0x0;
	s11 =	rddreg [dreg:$0x6];
	[sflag:s12] =	ssyncadd.s32 $0xFFFFFB10  }
0x1d: {  	[tilespmem:s3], [sflag:$0x11] =	stream.linear.gather [hbm4b:s11+s3], $0x2800, $0x38;
	[tilespmem:$0xB780] =	vst v63  }
0x1e: {  	_ =	swait.ge [sflag:s12], $0x2800  }
0x1f: {  	[sflag:s12] =	ssyncset.done $0x0  }
0x20: {  	s11 =	simm.s32 $0x2800;
	s6 =	rddreg [dreg:$0x7];
	[sflag:s12] =	ssyncadd.s32 $0xFFFFD800  }
0x21: {  	[tilespmem:s11], [sflag:$0x11] =	stream.linear.gather [hbm4b:s6+s3], $0x2800, $0x38;
	[tilespmem:$0xB780] =	vst v63  }
0x22: {  	_ =	swait.ge [sflag:s12], $0x2800  }
0x23: {  	[sflag:s12] =	ssyncset.done $0x0  }
0x24: {  	[sflag:s12] =	ssyncadd.s32 $0xFFFFD800  }
0x25: {  	[bflag:$0x0] =	sbarrier.arrive $0xFFFF  }
0x26: {  	[tilespmem:s15], [sflag:$0x1] =	stream.indirect.gather [hbm4b:s4+s14], $0x10, s3, s14, $0xb8;
	[tilespmem:$0xB780] =	vst v63  }
0x27: {  	_ = 	snop  }
0x28: {  	[tilespmem:s16], [sflag:$0x2] =	stream.indirect.gather [hbm4b:s4+s14], $0x10, s14, s14, $0xb8;
	[tilespmem:$0xB780] =	vst v63  }
0x29: {  	s11 =	simm.s32 $0x100  }
0x2a: {  	[tilespmem:s18], [sflag:$0x3] =	stream.indirect.gather [hbm4b:s4+s14], $0x10, s11, s14, $0xb8;
	[tilespmem:$0xB780] =	vst v63  }
0x2b: {  	s12 =	simm.s32 $0x180  }
0x2c: {  	[tilespmem:s20], [sflag:$0x4] =	stream.indirect.gather [hbm4b:s4+s14], $0x10, s12, s14, $0xb8;
	[tilespmem:$0xB780] =	vst v63  }
0x2d: {  	s6 =	simm.s32 $0x200  }
0x2e: {  	[tilespmem:s22], [sflag:$0x5] =	stream.indirect.gather [hbm4b:s4+s14], $0x10, s6, s14, $0xb8;
	[tilespmem:$0xB780] =	vst v63  }
0x2f: {  	s11 =	simm.s32 $0x280  }
0x30: {  	[tilespmem:s24], [sflag:$0x6] =	stream.indirect.gather [hbm4b:s4+s14], $0x10, s11, s14, $0xb8;
	[tilespmem:$0xB780] =	vst v63  }
0x31: {  	s12 =	simm.s32 $0x300  }
0x32: {  	[tilespmem:s26], [sflag:$0x7] =	stream.indirect.gather [hbm4b:s4+s14], $0x10, s12, s14, $0xb8;
	[tilespmem:$0xB780] =	vst v63  }
0x33: {  	s6 =	simm.s32 $0x380  }
0x34: {  	[tilespmem:s29], [sflag:$0x8] =	stream.indirect.gather [hbm4b:s4+s14], $0x10, s6, s14, $0xb8;
	[tilespmem:$0xB780] =	vst v63  }
0x35: {  	_ =	swait.ge [sflag:s30], $0x800  }
0x36: {  	[sflag:s30] =	ssyncset.done $0x0  }
0x37: {  	s11 =	simm.s32 $0x2800;
	[sflag:s30] =	ssyncadd.s32 $0xFFFFF800  }
0x38: {  	[spmem:s2] =	stream.indirect.scatter.add.f32 [tilespmem:s15], [sflag:$0x9], $0x10, s11, s14, $0xb8;
	[tilespmem:$0xB780] =	vst v63  }
0x39: {  	_ =	swait.ge [sflag:s31], $0x800  }
0x3a: {  	[sflag:s31] =	ssyncset.done $0x0  }
0x3b: {  	s12 =	simm.s32 $0x2880;
	[sflag:s31] =	ssyncadd.s32 $0xFFFFF800  }
0x3c: {  	[spmem:s2] =	stream.indirect.scatter.add.f32 [tilespmem:s16], [sflag:$0xA], $0x10, s12, s14, $0xb8;
	[tilespmem:$0xB780] =	vst v63  }
0x3d: {  	_ =	swait.ge [sflag:s1], $0x800  }
0x3e: {  	[sflag:s1] =	ssyncset.done $0x0  }
0x3f: {  	s3 =	simm.s32 $0x2900;
	[sflag:s1] =	ssyncadd.s32 $0xFFFFF800  }
0x40: {  	[spmem:s2] =	stream.indirect.scatter.add.f32 [tilespmem:s18], [sflag:$0xB], $0x10, s3, s14, $0xb8;
	[tilespmem:$0xB780] =	vst v63  }
0x41: {  	_ =	swait.ge [sflag:s0], $0x800  }
0x42: {  	[sflag:s0] =	ssyncset.done $0x0  }
0x43: {  	s11 =	simm.s32 $0x2980;
	[sflag:s0] =	ssyncadd.s32 $0xFFFFF800  }
0x44: {  	[spmem:s2] =	stream.indirect.scatter.add.f32 [tilespmem:s20], [sflag:$0xC], $0x10, s11, s14, $0xb8;
	[tilespmem:$0xB780] =	vst v63  }
0x45: {  	_ =	swait.ge [sflag:s13], $0x800  }
0x46: {  	[sflag:s13] =	ssyncset.done $0x0  }
0x47: {  	s12 =	simm.s32 $0x2A00;
	[sflag:s13] =	ssyncadd.s32 $0xFFFFF800  }
0x48: {  	[spmem:s2] =	stream.indirect.scatter.add.f32 [tilespmem:s22], [sflag:$0xD], $0x10, s12, s14, $0xb8;
	[tilespmem:$0xB780] =	vst v63  }
0x49: {  	_ =	swait.ge [sflag:s17], $0x800  }
0x4a: {  	[sflag:s17] =	ssyncset.done $0x0  }
0x4b: {  	s3 =	simm.s32 $0x2A80;
	[sflag:s17] =	ssyncadd.s32 $0xFFFFF800  }
0x4c: {  	[spmem:s2] =	stream.indirect.scatter.add.f32 [tilespmem:s24], [sflag:$0xE], $0x10, s3, s14, $0xb8;
	[tilespmem:$0xB780] =	vst v63  }
0x4d: {  	_ =	swait.ge [sflag:s19], $0x800  }
0x4e: {  	[sflag:s19] =	ssyncset.done $0x0  }
0x4f: {  	s11 =	simm.s32 $0x2B00;
	[sflag:s19] =	ssyncadd.s32 $0xFFFFF800  }
0x50: {  	[spmem:s2] =	stream.indirect.scatter.add.f32 [tilespmem:s26], [sflag:$0xF], $0x10, s11, s14, $0xb8;
	[tilespmem:$0xB780] =	vst v63  }
0x51: {  	_ =	swait.ge [sflag:s21], $0x800  }
0x52: {  	[sflag:s21] =	ssyncset.done $0x0  }
0x53: {  	s12 =	simm.s32 $0x2B80;
	[sflag:s21] =	ssyncadd.s32 $0xFFFFF800  }
0x54: {  	[spmem:s2] =	stream.indirect.scatter.add.f32 [tilespmem:s29], [sflag:$0x10], $0x10, s12, s14, $0xb8;
	[tilespmem:$0xB780] =	vst v63  }
0x55: {  	p0 =	por $0x0, $0x0;
	s6 =	simm.s32 $0x1000;
	_ =	swait.ge [sflag:s23], $0x800  }
0x56: {  	s6 =	simm.s32 @p0 $0x0;
	[sflag:s23] =	ssyncset.done $0x0  }
0x57: {  	s6 =	sshra.s32 s6, $0x2;
	[sflag:s23] =	ssyncadd.s32 $0xFFFFF800  }
0x58: {  	[tilespmem:s15], [sflag:$0x1] =	stream.indirect.gather [hbm4b:s4+s14], $0x10, s6, s14, $0xb8;
	[tilespmem:$0xB780] =	vst v63  }
0x59: {  	s6 =	simm.s32 $0x1200;
	_ =	swait.ge [sflag:s25], $0x800  }
0x5a: {  	s6 =	simm.s32 @p0 $0x200;
	[sflag:s25] =	ssyncset.done $0x0  }
0x5b: {  	s6 =	sshra.s32 s6, $0x2;
	[sflag:s25] =	ssyncadd.s32 $0xFFFFF800  }
0x5c: {  	[tilespmem:s16], [sflag:$0x2] =	stream.indirect.gather [hbm4b:s4+s14], $0x10, s6, s14, $0xb8;
	[tilespmem:$0xB780] =	vst v63  }
0x5d: {  	s6 =	simm.s32 $0x1400;
	_ =	swait.ge [sflag:s28], $0x800  }
0x5e: {  	s6 =	simm.s32 @p0 $0x400;
	[sflag:s28] =	ssyncset.done $0x0  }
0x5f: {  	s6 =	sshra.s32 s6, $0x2;
	[sflag:s28] =	ssyncadd.s32 $0xFFFFF800  }
0x60: {  	[tilespmem:s18], [sflag:$0x3] =	stream.indirect.gather [hbm4b:s4+s14], $0x10, s6, s14, $0xb8;
	[tilespmem:$0xB780] =	vst v63  }
0x61: {  	s6 =	simm.s32 $0x1600;
	_ =	swait.ge [sflag:s5], $0x800  }
0x62: {  	s6 =	simm.s32 @p0 $0x600;
	[sflag:s5] =	ssyncset.done $0x0  }
0x63: {  	s6 =	sshra.s32 s6, $0x2;
	[sflag:s5] =	ssyncadd.s32 $0xFFFFF800  }
0x64: {  	[tilespmem:s20], [sflag:$0x4] =	stream.indirect.gather [hbm4b:s4+s14], $0x10, s6, s14, $0xb8;
	[tilespmem:$0xB780] =	vst v63  }
0x65: {  	s6 =	simm.s32 $0x1800;
	_ =	swait.ge [sflag:s7], $0x800  }
0x66: {  	s6 =	simm.s32 @p0 $0x800;
	[sflag:s7] =	ssyncset.done $0x0  }
0x67: {  	s6 =	sshra.s32 s6, $0x2;
	[sflag:s7] =	ssyncadd.s32 $0xFFFFF800  }
0x68: {  	[tilespmem:s22], [sflag:$0x5] =	stream.indirect.gather [hbm4b:s4+s14], $0x10, s6, s14, $0xb8;
	[tilespmem:$0xB780] =	vst v63  }
0x69: {  	s6 =	simm.s32 $0x1A00;
	_ =	swait.ge [sflag:s8], $0x800  }
0x6a: {  	s6 =	simm.s32 @p0 $0xA00;
	[sflag:s8] =	ssyncset.done $0x0  }
0x6b: {  	s6 =	sshra.s32 s6, $0x2;
	[sflag:s8] =	ssyncadd.s32 $0xFFFFF800  }
0x6c: {  	[tilespmem:s24], [sflag:$0x6] =	stream.indirect.gather [hbm4b:s4+s14], $0x10, s6, s14, $0xb8;
	[tilespmem:$0xB780] =	vst v63  }
0x6d: {  	s6 =	simm.s32 $0x1C00;
	_ =	swait.ge [sflag:s9], $0x800  }
0x6e: {  	s6 =	simm.s32 @p0 $0xC00;
	[sflag:s9] =	ssyncset.done $0x0  }
0x6f: {  	s6 =	sshra.s32 s6, $0x2;
	[sflag:s9] =	ssyncadd.s32 $0xFFFFF800  }
0x70: {  	[tilespmem:s26], [sflag:$0x7] =	stream.indirect.gather [hbm4b:s4+s14], $0x10, s6, s14, $0xb8;
	[tilespmem:$0xB780] =	vst v63  }
0x71: {  	s11 =	simm.s32 $0x1E00;
	_ =	swait.ge [sflag:s10], $0x800  }
0x72: {  	s11 =	simm.s32 @p0 $0xE00;
	[sflag:s10] =	ssyncset.done $0x0  }
0x73: {  	s11 =	sshra.s32 s11, $0x2;
	s6 =	simm.s32 $0x2E00;
	[sflag:s10] =	ssyncadd.s32 $0xFFFFF800  }
.LBB2_2:
0x74: {  	[tilespmem:s29], [sflag:$0x8] =	stream.indirect.gather [hbm4b:s4+s14], $0x10, s11, s14, $0xb8;
	[tilespmem:$0xB780] =	vst v63  }
0x75: {  	s11 =	smov.u32 s6  }
0x76: {  	p0 =	sne.s32 s6, $0xAE00;
	s6 =	sadd.s32 $0x1000, s6;
	_ =	swait.ge [sflag:s30], $0x800  }
0x77: {  	s12 =	sshra.s32 s11, $0x2;
	[sflag:s30] =	ssyncset.done $0x0  }
0x78: {  	s3 =	sadd.s32 $0x2080, s12;
	[sflag:s30] =	ssyncadd.s32 $0xFFFFF800  }
0x79: {  	[spmem:s2] =	stream.indirect.scatter.add.f32 [tilespmem:s15], [sflag:$0x9], $0x10, s3, s14, $0xb8;
	[tilespmem:$0xB780] =	vst v63  }
0x7a: {  	_ =	swait.ge [sflag:s31], $0x800  }
0x7b: {  	[sflag:s31] =	ssyncset.done $0x0  }
0x7c: {  	s3 =	sadd.s32 $0x2100, s12;
	[sflag:s31] =	ssyncadd.s32 $0xFFFFF800  }
0x7d: {  	[spmem:s2] =	stream.indirect.scatter.add.f32 [tilespmem:s16], [sflag:$0xA], $0x10, s3, s14, $0xb8;
	[tilespmem:$0xB780] =	vst v63  }
0x7e: {  	_ =	swait.ge [sflag:s1], $0x800  }
0x7f: {  	[sflag:s1] =	ssyncset.done $0x0  }
0x80: {  	s3 =	sadd.s32 $0x2180, s12;
	[sflag:s1] =	ssyncadd.s32 $0xFFFFF800  }
0x81: {  	[spmem:s2] =	stream.indirect.scatter.add.f32 [tilespmem:s18], [sflag:$0xB], $0x10, s3, s14, $0xb8;
	[tilespmem:$0xB780] =	vst v63  }
0x82: {  	_ =	swait.ge [sflag:s0], $0x800  }
0x83: {  	[sflag:s0] =	ssyncset.done $0x0  }
0x84: {  	s3 =	sadd.s32 $0x2200, s12;
	[sflag:s0] =	ssyncadd.s32 $0xFFFFF800  }
0x85: {  	[spmem:s2] =	stream.indirect.scatter.add.f32 [tilespmem:s20], [sflag:$0xC], $0x10, s3, s14, $0xb8;
	[tilespmem:$0xB780] =	vst v63  }
0x86: {  	_ =	swait.ge [sflag:s13], $0x800  }
0x87: {  	[sflag:s13] =	ssyncset.done $0x0  }
0x88: {  	s3 =	sadd.s32 $0x2280, s12;
	[sflag:s13] =	ssyncadd.s32 $0xFFFFF800  }
0x89: {  	[spmem:s2] =	stream.indirect.scatter.add.f32 [tilespmem:s22], [sflag:$0xD], $0x10, s3, s14, $0xb8;
	[tilespmem:$0xB780] =	vst v63  }
0x8a: {  	_ =	swait.ge [sflag:s17], $0x800  }
0x8b: {  	[sflag:s17] =	ssyncset.done $0x0  }
0x8c: {  	s3 =	sadd.s32 $0x2300, s12;
	[sflag:s17] =	ssyncadd.s32 $0xFFFFF800  }
0x8d: {  	[spmem:s2] =	stream.indirect.scatter.add.f32 [tilespmem:s24], [sflag:$0xE], $0x10, s3, s14, $0xb8;
	[tilespmem:$0xB780] =	vst v63  }
0x8e: {  	_ =	swait.ge [sflag:s19], $0x800  }
0x8f: {  	[sflag:s19] =	ssyncset.done $0x0  }
0x90: {  	s3 =	sadd.s32 $0x2380, s12;
	[sflag:s19] =	ssyncadd.s32 $0xFFFFF800  }
0x91: {  	[spmem:s2] =	stream.indirect.scatter.add.f32 [tilespmem:s26], [sflag:$0xF], $0x10, s3, s14, $0xb8;
	[tilespmem:$0xB780] =	vst v63  }
0x92: {  	_ =	swait.ge [sflag:s21], $0x800  }
0x93: {  	[sflag:s21] =	ssyncset.done $0x0  }
0x94: {  	s3 =	sadd.s32 $0x2400, s12;
	s12 =	sadd.s32 $0xFFFFFC00, s11;
	[sflag:s21] =	ssyncadd.s32 $0xFFFFF800  }
0x95: {  	[spmem:s2] =	stream.indirect.scatter.add.f32 [tilespmem:s29], [sflag:$0x10], $0x10, s3, s14, $0xb8;
	[tilespmem:$0xB780] =	vst v63  }
0x96: {  	p1 =	seq.s32 s11, $0xAE00;
	s3 =	sadd.s32 $0xFFFFF200, s11;
	_ =	swait.ge [sflag:s23], $0x800  }
0x97: {  	s12 =	simm.s32 @p1 $0xA00;
	s3 =	simm.s32 @p1 $0x0;
	[sflag:s23] =	ssyncset.done $0x0  }
0x98: {  	s3 =	sshra.s32 s3, $0x2;
	[sflag:s23] =	ssyncadd.s32 $0xFFFFF800  }
0x99: {  	[tilespmem:s15], [sflag:$0x1] =	stream.indirect.gather [hbm4b:s4+s14], $0x10, s3, s14, $0xb8;
	[tilespmem:$0xB780] =	vst v63  }
0x9a: {  	s3 =	sadd.s32 $0xFFFFF400, s11;
	_ =	swait.ge [sflag:s25], $0x800  }
0x9b: {  	s3 =	simm.s32 @p1 $0x200;
	[sflag:s25] =	ssyncset.done $0x0  }
0x9c: {  	s3 =	sshra.s32 s3, $0x2;
	[sflag:s25] =	ssyncadd.s32 $0xFFFFF800  }
0x9d: {  	[tilespmem:s16], [sflag:$0x2] =	stream.indirect.gather [hbm4b:s4+s14], $0x10, s3, s14, $0xb8;
	[tilespmem:$0xB780] =	vst v63  }
0x9e: {  	s3 =	sadd.s32 $0xFFFFF600, s11;
	_ =	swait.ge [sflag:s28], $0x800  }
0x9f: {  	s3 =	simm.s32 @p1 $0x400;
	[sflag:s28] =	ssyncset.done $0x0  }
0xa0: {  	s3 =	sshra.s32 s3, $0x2;
	[sflag:s28] =	ssyncadd.s32 $0xFFFFF800  }
0xa1: {  	[tilespmem:s18], [sflag:$0x3] =	stream.indirect.gather [hbm4b:s4+s14], $0x10, s3, s14, $0xb8;
	[tilespmem:$0xB780] =	vst v63  }
0xa2: {  	s3 =	sadd.s32 $0xFFFFF800, s11;
	_ =	swait.ge [sflag:s5], $0x800  }
0xa3: {  	s3 =	simm.s32 @p1 $0x600;
	[sflag:s5] =	ssyncset.done $0x0  }
0xa4: {  	s3 =	sshra.s32 s3, $0x2;
	[sflag:s5] =	ssyncadd.s32 $0xFFFFF800  }
0xa5: {  	[tilespmem:s20], [sflag:$0x4] =	stream.indirect.gather [hbm4b:s4+s14], $0x10, s3, s14, $0xb8;
	[tilespmem:$0xB780] =	vst v63  }
0xa6: {  	s3 =	sadd.s32 $0xFFFFFA00, s11;
	_ =	swait.ge [sflag:s7], $0x800  }
0xa7: {  	s3 =	simm.s32 @p1 $0x800;
	[sflag:s7] =	ssyncset.done $0x0  }
0xa8: {  	s3 =	sshra.s32 s3, $0x2;
	[sflag:s7] =	ssyncadd.s32 $0xFFFFF800  }
0xa9: {  	[tilespmem:s22], [sflag:$0x5] =	stream.indirect.gather [hbm4b:s4+s14], $0x10, s3, s14, $0xb8;
	[tilespmem:$0xB780] =	vst v63  }
0xaa: {  	_ =	swait.ge [sflag:s8], $0x800  }
0xab: {  	[sflag:s8] =	ssyncset.done $0x0  }
0xac: {  	s3 =	sshra.s32 s12, $0x2;
	[sflag:s8] =	ssyncadd.s32 $0xFFFFF800  }
0xad: {  	[tilespmem:s24], [sflag:$0x6] =	stream.indirect.gather [hbm4b:s4+s14], $0x10, s3, s14, $0xb8;
	[tilespmem:$0xB780] =	vst v63  }
0xae: {  	s3 =	sadd.s32 $0xFFFFFE00, s11;
	_ =	swait.ge [sflag:s9], $0x800  }
0xaf: {  	s3 =	simm.s32 @p1 $0xC00;
	[sflag:s9] =	ssyncset.done $0x0  }
.Ltmp0:
0xb0: {  	s3 =	sshra.s32 s3, $0x2;
	[sflag:s9] =	ssyncadd.s32 $0xFFFFF800;
	(pc) =	sbr.rel @p0 .LBB2_2-.Ltmp0, $4  }
0xb1: {  	[tilespmem:s26], [sflag:$0x7] =	stream.indirect.gather [hbm4b:s4+s14], $0x10, s3, s14, $0xb8;
	[tilespmem:$0xB780] =	vst v63  }
0xb2: {  	_ =	swait.ge [sflag:s10], $0x800  }
0xb3: {  	s11 =	simm.s32 @p1 $0xE00;
	[sflag:s10] =	ssyncset.done $0x0  }
0xb4: {  	s11 =	sshra.s32 s11, $0x2;
	[sflag:s10] =	ssyncadd.s32 $0xFFFFF800  }
0xb5: {  	[tilespmem:s29], [sflag:$0x8] =	stream.indirect.gather [hbm4b:s4+s14], $0x10, s11, s14, $0xb8;
	[tilespmem:$0xB780] =	vst v63  }
0xb6: {  	_ =	swait.ge [sflag:s30], $0x800  }
0xb7: {  	[sflag:s30] =	ssyncset.done $0x0  }
0xb8: {  	[sflag:s30] =	ssyncadd.s32 $0xFFFFF800  }
0xb9: {  	_ =	swait.ge [sflag:s31], $0x800  }
0xba: {  	[sflag:s31] =	ssyncset.done $0x0  }
0xbb: {  	[sflag:s31] =	ssyncadd.s32 $0xFFFFF800  }
0xbc: {  	_ =	swait.ge [sflag:s1], $0x800  }
0xbd: {  	[sflag:s1] =	ssyncset.done $0x0  }
0xbe: {  	[sflag:s1] =	ssyncadd.s32 $0xFFFFF800  }
0xbf: {  	_ =	swait.ge [sflag:s0], $0x800  }
0xc0: {  	[sflag:s0] =	ssyncset.done $0x0  }
0xc1: {  	[sflag:s0] =	ssyncadd.s32 $0xFFFFF800  }
0xc2: {  	_ =	swait.ge [sflag:s13], $0x800  }
0xc3: {  	[sflag:s13] =	ssyncset.done $0x0  }
0xc4: {  	[sflag:s13] =	ssyncadd.s32 $0xFFFFF800  }
0xc5: {  	_ =	swait.ge [sflag:s17], $0x800  }
0xc6: {  	[sflag:s17] =	ssyncset.done $0x0  }
0xc7: {  	[sflag:s17] =	ssyncadd.s32 $0xFFFFF800  }
0xc8: {  	_ =	swait.ge [sflag:s19], $0x800  }
0xc9: {  	[sflag:s19] =	ssyncset.done $0x0  }
0xca: {  	[sflag:s19] =	ssyncadd.s32 $0xFFFFF800  }
0xcb: {  	_ =	swait.ge [sflag:s21], $0x800  }
0xcc: {  	[sflag:s21] =	ssyncset.done $0x0  }
0xcd: {  	[sflag:s21] =	ssyncadd.s32 $0xFFFFF800  }
0xce: {  	[bflag:$0x0] =	sbarrier.arrive $0xFFFF  }
0xcf: {  	s12 =	rddreg [dreg:$0x5]  }
0xd0: {  	s3 =	rddreg [dreg:$0x8]  }
0xd1: {  	s6 =	rddreg [dreg:$0xa]  }
0xd2: {  	[hbm:s3], [sflag:s12] =	dma.local [spmem:s6], $0x4F0  }
0xd3: {  	s12 =	simm.s32 $0x11  }
0xd4: {  	_ =	swait.ge [sflag:s12], $0x4F0  }
0xd5: {  	s3 =	rddreg [dreg:$0xb]  }
0xd6: {  	s11 =	sadd.s32 $0x1, s3;
	s3 =	rddreg [dreg:$0x9]  }
0xd7: {  	p0 =	sne.s32 s11, s3  }
.Ltmp1:
0xd8: {  	_ = 	snop;
	(pc) =	sbr.rel @p0 .LBB2_1-.Ltmp1, $3  }
0xd9: {  	_ =	sdelay $0x1  }
0xda: {  	[sflag:s12] =	ssyncset.done $0x0;
	[dreg:$0xb] =	wrdreg s11  }
0xdb: {  	[sflag:s12] =	ssyncadd.s32 $0xFFFFFB10;
	s11 =	rddreg [dreg:$0x5]  }
0xdc: {  	_ =	sfence.sel $0x180000  }
0xdd: {  	[bflag:$0x0] =	sbarrier.arrive $0xFFFF  }
0xde: {  	_ =	strace $0x9000004A  }
0xdf: {  	s0 =	stileid.u32;
	[bflag:$0x2] =	sbarrier.arrive $0xFFFF  }
0xe0: {  	p0 =	sne.s32 s0, $0x0;
	s0 =	rddreg [dreg:$0x3]  }
0xe1: {  	s0 =	sadd.s32 @!p0 $0x100000, s0  }
0xe2: {  	[sflag:s0] =	ssyncadd.tile.s32 @!p0 $0x1;
	_ =	shalt  }
.Lfunc_end2:
_tile_overlayer_lowered:
.L_overlay_start_2:
0xe3: {  	(tag) =	ssettag $0x2  }
0xe4: {  	s0 =	rddreg [dreg:$0x0];
	s2 =	stileid.u32  }
0xe5: {  	s1 =	rddreg [dreg:$0x1];
	p0 =	sne.s32 s2, $0x0  }
0xe6: {  	s3 =	rddreg [dreg:$0x2];
	[bflag:$0x3] =	sbarrier.arrive $0xFFFF;
	s2 =	simm.s32 @!p0 $0x1C11  }
0xe7: {  	[timem:s3], [sflag:s2] =	dma.local @!p0 [hbm:s0], s1  }
0xe8: {  	s0 =	simm.s32 @!p0 $0x11  }
0xe9: {  	_ =	swait.ge @!p0 [sflag:s0], s1  }
0xea: {  	s1 =	ssub.s32 @!p0 $0x0, s1;
	[sflag:s0] =	ssyncset.done @!p0 $0x0  }
0xeb: {  	[sflag:s0] =	ssyncadd.s32 @!p0 s1  }
0xec: {  	[bflag:$0x3] =	sbarrier.arrive $0xFFFF  }
0xed: {  	_ =	shalt  }

// kernel: kernel.14.cloned.1.call-start
scs
__scs_entry_jumppad:
0x0: {  	(pc) =	sbr.rel $0x88, $3  }
0x1: {  	(tag) =	ssettag $0x0;
	lr =	simm.s32 $0x1  }
0x2: {  	[smem:$0x3F95] =	sst lr;
	_ =	strace $0xD0000000  }
0x3: {  	_ = 	snop  }
0x4: {  	_ = 	snop  }
0x5: {  	_ = 	snop  }
0x6: {  	_ = 	snop  }
0x7: {  	_ = 	snop  }
__scs_overlays_trampoline_lowered:
0x8: {  	[smem:$0x3FA4] =	sst s0  }
0x9: {  	[smem:$0x3FA5] =	sst s1  }
0xa: {  	[smem:$0x3FA6] =	sst s2  }
0xb: {  	[smem:$0x3FA7] =	sst s3  }
0xc: {  	[smem:$0x3FA8] =	sst s4  }
0xd: {  	[smem:$0x3FA9] =	sst s5  }
0xe: {  	[smem:$0x3FAA] =	sst s6  }
0xf: {  	[smem:$0x3FAB] =	sst s7  }
0x10: {  	[smem:$0x3FAC] =	sst s8  }
0x11: {  	[smem:$0x3FAD] =	sst s9;
	s0 =	simm.s32 @!p0 $0x0  }
0x12: {  	s1 =	sld [smem:$0x3F93];
	s0 =	simm.s32 @p0 $0x1  }
0x13: {  	[smem:$0x3FAE] =	sst s0;
	s0 =	simm.s32 @!p1 $0x0  }
0x14: {  	s2 =	sld [smem:$0x3F92];
	s0 =	simm.s32 @p1 $0x1  }
0x15: {  	[smem:$0x3FAF] =	sst s0;
	s0 =	simm.s32 @!p2 $0x0  }
0x16: {  	s3 =	sld [smem:$0x3FDB];
	s0 =	simm.s32 @p2 $0x1  }
0x17: {  	s4 =	simm.s32 $0x1BF5;
	[smem:$0x3FB1] =	sst s0  }
0x18: {  	s0 =	sld [smem:$0x3F94];
	_ =	swait.ge [sflag:s4], $0x0  }
0x19: {  	s7 =	sld [smem:$0x3F95]  }
0x1a: {  	s8 =	sadd.s32 $0xFFFFE003, lr  }
0x1b: {  	s9 =	sadd.s32 $0xFFFFFEF7, lr;
	s5 =	simm.s32 $0xFFFFFFFF;
	p2 =	slt.u32 s8, $0xFFFFF086  }
0x1c: {  	p1 =	slt.u32 s9, $0xF7A;
	s5 =	simm.s32 @!p2 $0x0  }
0x1d: {  	s5 =	simm.s32 @p1 $0x1;
	p0 =	seq.s32 s7, s2  }
0x1e: {  	s7 =	smul.u32 @!p0 $0xF7A, s2;
	p2 =	seq.s32 @!p0 s5, $0x0  }
0x1f: {  	s9 =	smul.u32 $0xF7A, s1;
	s8 =	simm.s32 @!p0 $0x1BF5;
	p2 =	por !p2, p0  }
0x20: {  	[sflag:s8] =	ssyncset.s32 @!p0 $0xFFFFF086;
	s6 =	sadd.s32 @!p0 s3, s7;
	s7 =	simm.s32 @!p0 $0x108  }
0x21: {  	s3 =	sadd.s32 s3, s9;
	s6 =	sadd.s32 @!p0 $0x88, s6;
	s7 =	simm.s32 @p2 $0x1082  }
0x22: {  	[simem:s7], [sflag:s8] =	dma.local @!p0 [hbm:s6], $0xF7A  }
0x23: {  	s9 =	sor.u32 $0xD0000000, s2;
	s6 =	simm.s32 $0x108;
	_ =	swait.ge @!p0 [sflag:s8], $0x0  }
0x24: {  	s3 =	sadd.s32 $0x88, s3;
	s6 =	simm.s32 @!p1 $0x1082;
	[sflag:s4] =	ssyncset.s32 $0xFFFFF086  }
0x25: {  	[simem:s6], [sflag:s4] =	dma.local [hbm:s3], $0xF7A  }
0x26: {  	[smem:$0x3F95] =	sst s1;
	(tag) =	ssettag s2;
	_ =	strace s9  }
0x27: {  	s1 =	sld [smem:$0x3FA5]  }
0x28: {  	s2 =	sld [smem:$0x3FA6]  }
0x29: {  	s4 =	sld [smem:$0x3FA8]  }
0x2a: {  	p0 =	seq.s32 s5, $0x0;
	s5 =	sld [smem:$0x3FA9]  }
0x2b: {  	s6 =	sld [smem:$0x3FAA]  }
0x2c: {  	s7 =	sld [smem:$0x3FAB]  }
0x2d: {  	s3 =	simm.s32 $0x108;
	s8 =	sld [smem:$0x3FAC]  }
0x2e: {  	s3 =	simm.s32 @!p0 $0x1082;
	s9 =	sld [smem:$0x3FAD]  }
0x2f: {  	lr =	sadd.s32 s0, s3;
	s0 =	sld [smem:$0x3FA4]  }
0x30: {  	s3 =	sld [smem:$0x3FA7]  }
0x31: {  	[smem:$0x3FB0] =	sst s10  }
0x32: {  	s10 =	sld [smem:$0x3FAE];
	_ =	sdelay $0x3  }
0x33: {  	p0 =	seq.s32 s10, $0x1;
	s10 =	sld [smem:$0x3FB0];
	_ =	sdelay $0x3  }
0x34: {  	[smem:$0x3FB0] =	sst s10  }
0x35: {  	s10 =	sld [smem:$0x3FAF];
	_ =	sdelay $0x3  }
0x36: {  	p1 =	seq.s32 s10, $0x1;
	s10 =	sld [smem:$0x3FB0];
	_ =	sdelay $0x3  }
0x37: {  	[smem:$0x3FB0] =	sst s10  }
0x38: {  	s10 =	sld [smem:$0x3FB1]  }
0x39: {  	_ = 	snop;
	(pc) =	sbr.ind lr, $3  }
0x3a: {  	_ = 	snop  }
0x3b: {  	_ = 	snop  }
0x3c: {  	p2 =	seq.s32 s10, $0x1;
	s10 =	sld [smem:$0x3FB0]  }
0x3d: {  	_ =	shalt  }
0x3e: {  	_ =	shalt  }
0x3f: {  	_ =	shalt  }
0x40: {  	_ =	shalt  }
0x41: {  	_ =	shalt  }
0x42: {  	_ =	shalt  }
0x43: {  	_ =	shalt  }
0x44: {  	_ =	shalt  }
0x45: {  	_ =	shalt  }
0x46: {  	_ =	shalt  }
0x47: {  	_ =	shalt  }
0x48: {  	_ =	shalt  }
0x49: {  	_ =	shalt  }
0x4a: {  	_ =	shalt  }
0x4b: {  	_ =	shalt  }
0x4c: {  	_ =	shalt  }
0x4d: {  	_ =	shalt  }
0x4e: {  	_ =	shalt  }
0x4f: {  	_ =	shalt  }
0x50: {  	_ =	shalt  }
0x51: {  	_ =	shalt  }
0x52: {  	_ =	shalt  }
0x53: {  	_ =	shalt  }
0x54: {  	_ =	shalt  }
0x55: {  	_ =	shalt  }
0x56: {  	_ =	shalt  }
0x57: {  	_ =	shalt  }
0x58: {  	_ =	shalt  }
0x59: {  	_ =	shalt  }
0x5a: {  	_ =	shalt  }
0x5b: {  	_ =	shalt  }
0x5c: {  	_ =	shalt  }
0x5d: {  	_ =	shalt  }
0x5e: {  	_ =	shalt  }
0x5f: {  	_ =	shalt  }
0x60: {  	_ =	shalt  }
0x61: {  	_ =	shalt  }
0x62: {  	_ =	shalt  }
0x63: {  	_ =	shalt  }
0x64: {  	_ =	shalt  }
0x65: {  	_ =	shalt  }
0x66: {  	_ =	shalt  }
0x67: {  	_ =	shalt  }
0x68: {  	_ =	shalt  }
0x69: {  	_ =	shalt  }
0x6a: {  	_ =	shalt  }
0x6b: {  	_ =	shalt  }
0x6c: {  	_ =	shalt  }
0x6d: {  	_ =	shalt  }
0x6e: {  	_ =	shalt  }
0x6f: {  	_ =	shalt  }
0x70: {  	_ =	shalt  }
0x71: {  	_ =	shalt  }
0x72: {  	_ =	shalt  }
0x73: {  	_ =	shalt  }
0x74: {  	_ =	shalt  }
0x75: {  	_ =	shalt  }
0x76: {  	_ =	shalt  }
0x77: {  	_ =	shalt  }
0x78: {  	_ =	shalt  }
0x79: {  	_ =	shalt  }
0x7a: {  	_ =	shalt  }
0x7b: {  	_ =	shalt  }
0x7c: {  	_ =	shalt  }
0x7d: {  	_ =	shalt  }
0x7e: {  	_ =	shalt  }
0x7f: {  	_ =	shalt  }
0x80: {  	_ =	shalt  }
0x81: {  	_ =	shalt  }
0x82: {  	_ =	shalt  }
0x83: {  	_ =	shalt  }
0x84: {  	_ =	shalt  }
0x85: {  	_ =	shalt  }
0x86: {  	_ =	shalt  }
0x87: {  	_ =	shalt  }
.Lfunc_end0:
.L_simem_size_0:
called_computation.2_lowered:
.L_overlay_start_0:
0x88: {  	s2 =	sld [smem:$0x3FD9]  }
0x89: {  	s3 =	sld [smem:$0x3FFE];
	_ =	sdelay $0x1  }
0x8a: {  	s1 =	srdreg.scid  }
0x8b: {  	s0 =	sand.u32 $0x1, s1  }
0x8c: {  	s17 =	sshll.u32 s0, $0xA;
	s2 =	sadd.s32 s3, s2  }
0x8d: {  	s2 =	sadd.s32 s2, s17  }
0x8e: {  	[smem:$0x3FBC] =	sst s2  }
0x8f: {  	_ = 	snop  }
0x90: {  	s2 =	sld [smem:$0x3FD0];
	(tm) =	ssettm $0x1  }
0x91: {  	s18 =	sld [smem:$0x3FFB];
	_ =	sdelay $0x3  }
0x92: {  	_ =	strace s18  }
0x93: {  	s3 =	sld [smem:$0x3FFC];
	_ =	sdelay $0x3  }
0x94: {  	_ =	strace s3  }
0x95: {  	s3 =	sld [smem:$0x3FFD];
	_ =	sdelay $0x3  }
0x96: {  	_ =	strace s3  }
0x97: {  	_ =	strace $0x8FFFFFFF  }
0x98: {  	s19 =	sld [smem:$0x3FDB];
	_ =	sdelay $0x1  }
0x99: {  	s4 =	simm.s32 $_scs_section_size  }
0x9a: {  	s5 =	simm.s32 $_size__tile_overlayer_lowered;
	s6 =	simm.s32 $_tile_overlayer_lowered  }
0x9b: {  	s22 =	simm.s32 $0x1BFF;
	s21 =	sshll.u32 s6, $0x1;
	s3 =	sadd.s32 s4, s19  }
0x9c: {  	s7 =	simm.s32 $0x0;
	s20 =	sshll.u32 s5, $0x1;
	s5 =	sadd.s32 s21, s3  }
0x9d: {  	[timem:s7], [sflag:s22] =	dma.local [hbm:s5], s20  }
0x9e: {  	_ =	swait.ge [sflag:s22], s20  }
0x9f: {  	s4 =	ssub.s32 $0x0, s20;
	[sflag:s22] =	ssyncset.done $0x0  }
0xa0: {  	[sflag:s22] =	ssyncadd.s32 s4;
	_ =	sdelay $0x1  }
0xa1: {  	s23 =	simm.s32 $0x1B8B  }
0xa2: {  	_ =	swait.ge [sflag:s23], $0x1  }
0xa3: {  	[sflag:s23] =	ssyncset.done $0x0  }
0xa4: {  	s25 =	simm.s32 $0x1B8E;
	s24 =	sld [smem:$0x3FFE];
	[sflag:s23] =	ssyncadd.s32 $0xFFFFFFFF  }
0xa5: {  	s26 =	simm.s32 $execute0_lowered;
	[smem:$0x3FD2] =	sst s25  }
0xa6: {  	s5 =	sshll.u32 s26, $0x1;
	_ =	strace $0x8000004C;
	[dreg:$0x1] =	wrdreg $0xFFFFFFFF  }
0xa7: {  	s28 =	simm.s32 $_size_execute0_lowered;
	s3 =	sadd.s32 s3, s5;
	[dreg:$0x0] =	wrdreg $0x0  }
0xa8: {  	s5 =	sshll.u32 s28, $0x1;
	[dreg:$0x2] =	wrdreg s3  }
0xa9: {  	[dreg:$0x3] =	wrdreg s5  }
0xaa: {  	[dreg:$0x4] =	wrdreg $0xC0  }
0xab: {  	_ =	task [dreg:s7], $0x5FFFF  }
0xac: {  	[dreg:$0x1] =	wrdreg $0xFFFFFFFF  }
0xad: {  	[dreg:$0x0] =	wrdreg $0x60  }
0xae: {  	[dreg:$0x2] =	wrdreg s2  }
0xaf: {  	[dreg:$0x3] =	wrdreg s24  }
0xb0: {  	[dreg:$0x4] =	wrdreg $0x50000  }
0xb1: {  	[dreg:$0x5] =	wrdreg $0x9  }
0xb2: {  	_ =	task.clear_ibuf [dreg:s7], $0x6FFFF;
	_ =	strace $0x9000004C  }
0xb3: {  	s29 =	simm.s32 $0x9;
	_ =	strace $0x8000004E  }
0xb4: {  	_ =	swait.ge [sflag:s29], $0x1  }
0xb5: {  	[sflag:s29] =	ssyncadd.s32 $0xFFFFFFFF  }
0xb6: {  	_ =	strace $0x9000004E  }
0xb7: {  	_ =	sfence  }
0xb8: {  	s30 =	sld [smem:$0x0];
	_ =	sdelay $0x2  }
0xb9: {  	s31 =	sshll.u32 s1, $0xD;
	s1 =	sshrl.u32 s1, $0x2  }
0xba: {  	s3 =	sand.u32 $0x4000, s31;
	s1 =	sadd.s32 s1, s30  }
0xbb: {  	s0 =	sor.u32 s3, s0;
	s1 =	sshll.u32 s1, $0x11  }
0xbc: {  	s0 =	sor.u32 s1, s0  }
0xbd: {  	s0 =	sadd.s32 $0x8F2B, s0  }
0xbe: {  	[sflag:s0] =	ssyncadd.remote.s32 $0x1  }
0xbf: {  	_ =	sfence.sel $0xFFFF  }
0xc0: {  	[dreg:$0x0] =	wrdreg $0xFFFFFFFF;
	(pc) =	sbr.abs _section_cstart, $3  }
0xc1: {  	[dreg:$0x1] =	wrdreg $0xFFFFFFFF  }
0xc2: {  	_ =	task.clear_ibuf [dreg:s7], $0x2FFFF;
	_ =	strace $0x9FFFFFFF  }
0xc3: {  	(tm) =	ssettm $0x7FFFFFFF  }
tec
execute0_lowered:
.L_overlay_start_1:
0x0: {  	(tag) =	ssettag $0x1  }
0x1: {  	s0 =	srdreg.scid;
	s1 =	rddreg [dreg:$0x0]  }
0x2: {  	s11 =	stileid.u32;
	s3 =	rddreg [dreg:$0x1];
	s23 =	simm.s32 $0x0  }
0x3: {  	s12 =	simm.s32 $0x11;
	s14 =	simm.s32 $0x80;
	s15 =	simm.s32 $0x7780  }
0x4: {  	s16 =	simm.s32 $0x7F80;
	s18 =	simm.s32 $0x8780;
	s20 =	simm.s32 $0x8F80  }
0x5: {  	s22 =	simm.s32 $0x9780;
	s29 =	simm.s32 $0xAF80;
	s30 =	simm.s32 $0x1  }
0x6: {  	s31 =	simm.s32 $0x2;
	s13 =	simm.s32 $0x5;
	s17 =	simm.s32 $0x6  }
0x7: {  	s19 =	simm.s32 $0x7;
	s21 =	simm.s32 $0x8;
	s28 =	simm.s32 $0xB  }
0x8: {  	s0 =	sand.u32 $0x1, s0;
	s2 =	sshll.u32 s11, $0x1;
	s6 =	smul.u32 $0x2780, s11  }
0x9: {  	[smem:$0x7FF] =	sst s23;
	s24 =	sshll.u32 s11, $0x6;
	s23 =	simm.s32 $0x9  }
0xa: {  	s4 =	sor.u32 s0, s2;
	s2 =	rddreg [dreg:$0x2];
	s7 =	smul.u32 $0x27800, s0  }
0xb: {  	_ =	strace $0x8000004D;
	s0 =	ssub.s32 $0x2, s0;
	s11 =	sor.u32 $0x1C11, s24  }
0xc: {  	s24 =	simm.s32 $0x9F80;
	s5 =	smul.u32 $0x500, s4;
	s4 =	sadd.s32 $0x11200, s3  }
0xd: {  	s9 =	sshrl.u32 s6, $0x3;
	s10 =	sshrl.u32 s0, $0x1;
	[dreg:$0x5] =	wrdreg s11  }
0xe: {  	s7 =	sadd.s32 s6, s7;
	s9 =	sadd.s32 s9, s3;
	s0 =	ssub.s32 s0, s10  }
0xf: {  	s6 =	sadd.s32 s6, s2;
	s10 =	simm.s32 $0x10;
	s8 =	sadd.s32 s5, s3  }
0x10: {  	s7 =	sshrl.u32 s7, $0x3;
	s9 =	sadd.s32 $0xC200, s9;
	s1 =	sadd.s32 s1, s5  }
0x11: {  	s0 =	smax.u32 s0, $0x1;
	s6 =	sshrl.u32 s6, $0x3;
	[dreg:$0x4] =	wrdreg s9  }
0x12: {  	s5 =	simm.s32 $0xC;
	s3 =	sadd.s32 s7, s3;
	[dreg:$0x6] =	wrdreg s1  }
0x13: {  	s25 =	sadd.s32 $0x2200, s8;
	[dreg:$0x9] =	wrdreg s0;
	s1 =	simm.s32 $0x3  }
0x14: {  	s0 =	simm.s32 $0x4;
	s7 =	simm.s32 $0xD;
	[dreg:$0xa] =	wrdreg s6  }
0x15: {  	s8 =	simm.s32 $0xE;
	[dreg:$0x7] =	wrdreg s25;
	s26 =	sadd.s32 $0x16200, s3  }
0x16: {  	s9 =	simm.s32 $0xF;
	s3 =	simm.s32 $0x0;
	[dreg:$0x8] =	wrdreg s26  }
0x17: {  	s25 =	simm.s32 $0xA;
	s26 =	simm.s32 $0xA780;
	[dreg:$0xb] =	wrdreg s3  }
.LBB2_1:
0x18: {  	s3 =	rddreg [dreg:$0x4]  }
0x19: {  	[spmem:s6], [sflag:s11] =	dma.local [hbm:s3], $0x4F0  }
0x1a: {  	_ =	swait.ge [sflag:s12], $0x4F0  }
0x1b: {  	[sflag:s12] =	ssyncset.done $0x0  }
0x1c: {  	s3 =	simm.s32 $0x0;
	s11 =	rddreg [dreg:$0x6];
	[sflag:s12] =	ssyncadd.s32 $0xFFFFFB10  }
0x1d: {  	[tilespmem:s3], [sflag:$0x11] =	stream.linear.gather [hbm4b:s11+s3], $0x2800, $0x38;
	[tilespmem:$0xB780] =	vst v63  }
0x1e: {  	_ =	swait.ge [sflag:s12], $0x2800  }
0x1f: {  	[sflag:s12] =	ssyncset.done $0x0  }
0x20: {  	s11 =	simm.s32 $0x2800;
	s6 =	rddreg [dreg:$0x7];
	[sflag:s12] =	ssyncadd.s32 $0xFFFFD800  }
0x21: {  	[tilespmem:s11], [sflag:$0x11] =	stream.linear.gather [hbm4b:s6+s3], $0x2800, $0x38;
	[tilespmem:$0xB780] =	vst v63  }
0x22: {  	_ =	swait.ge [sflag:s12], $0x2800  }
0x23: {  	[sflag:s12] =	ssyncset.done $0x0  }
0x24: {  	[sflag:s12] =	ssyncadd.s32 $0xFFFFD800  }
0x25: {  	[bflag:$0x0] =	sbarrier.arrive $0xFFFF  }
0x26: {  	[tilespmem:s15], [sflag:$0x1] =	stream.indirect.gather [hbm4b:s4+s14], $0x10, s3, s14, $0xb8;
	[tilespmem:$0xB780] =	vst v63  }
0x27: {  	_ = 	snop  }
0x28: {  	[tilespmem:s16], [sflag:$0x2] =	stream.indirect.gather [hbm4b:s4+s14], $0x10, s14, s14, $0xb8;
	[tilespmem:$0xB780] =	vst v63  }
0x29: {  	s11 =	simm.s32 $0x100  }
0x2a: {  	[tilespmem:s18], [sflag:$0x3] =	stream.indirect.gather [hbm4b:s4+s14], $0x10, s11, s14, $0xb8;
	[tilespmem:$0xB780] =	vst v63  }
0x2b: {  	s12 =	simm.s32 $0x180  }
0x2c: {  	[tilespmem:s20], [sflag:$0x4] =	stream.indirect.gather [hbm4b:s4+s14], $0x10, s12, s14, $0xb8;
	[tilespmem:$0xB780] =	vst v63  }
0x2d: {  	s6 =	simm.s32 $0x200  }
0x2e: {  	[tilespmem:s22], [sflag:$0x5] =	stream.indirect.gather [hbm4b:s4+s14], $0x10, s6, s14, $0xb8;
	[tilespmem:$0xB780] =	vst v63  }
0x2f: {  	s11 =	simm.s32 $0x280  }
0x30: {  	[tilespmem:s24], [sflag:$0x6] =	stream.indirect.gather [hbm4b:s4+s14], $0x10, s11, s14, $0xb8;
	[tilespmem:$0xB780] =	vst v63  }
0x31: {  	s12 =	simm.s32 $0x300  }
0x32: {  	[tilespmem:s26], [sflag:$0x7] =	stream.indirect.gather [hbm4b:s4+s14], $0x10, s12, s14, $0xb8;
	[tilespmem:$0xB780] =	vst v63  }
0x33: {  	s6 =	simm.s32 $0x380  }
0x34: {  	[tilespmem:s29], [sflag:$0x8] =	stream.indirect.gather [hbm4b:s4+s14], $0x10, s6, s14, $0xb8;
	[tilespmem:$0xB780] =	vst v63  }
0x35: {  	_ =	swait.ge [sflag:s30], $0x800  }
0x36: {  	[sflag:s30] =	ssyncset.done $0x0  }
0x37: {  	s11 =	simm.s32 $0x2800;
	[sflag:s30] =	ssyncadd.s32 $0xFFFFF800  }
0x38: {  	[spmem:s2] =	stream.indirect.scatter.add.f32 [tilespmem:s15], [sflag:$0x9], $0x10, s11, s14, $0xb8;
	[tilespmem:$0xB780] =	vst v63  }
0x39: {  	_ =	swait.ge [sflag:s31], $0x800  }
0x3a: {  	[sflag:s31] =	ssyncset.done $0x0  }
0x3b: {  	s12 =	simm.s32 $0x2880;
	[sflag:s31] =	ssyncadd.s32 $0xFFFFF800  }
0x3c: {  	[spmem:s2] =	stream.indirect.scatter.add.f32 [tilespmem:s16], [sflag:$0xA], $0x10, s12, s14, $0xb8;
	[tilespmem:$0xB780] =	vst v63  }
0x3d: {  	_ =	swait.ge [sflag:s1], $0x800  }
0x3e: {  	[sflag:s1] =	ssyncset.done $0x0  }
0x3f: {  	s3 =	simm.s32 $0x2900;
	[sflag:s1] =	ssyncadd.s32 $0xFFFFF800  }
0x40: {  	[spmem:s2] =	stream.indirect.scatter.add.f32 [tilespmem:s18], [sflag:$0xB], $0x10, s3, s14, $0xb8;
	[tilespmem:$0xB780] =	vst v63  }
0x41: {  	_ =	swait.ge [sflag:s0], $0x800  }
0x42: {  	[sflag:s0] =	ssyncset.done $0x0  }
0x43: {  	s11 =	simm.s32 $0x2980;
	[sflag:s0] =	ssyncadd.s32 $0xFFFFF800  }
0x44: {  	[spmem:s2] =	stream.indirect.scatter.add.f32 [tilespmem:s20], [sflag:$0xC], $0x10, s11, s14, $0xb8;
	[tilespmem:$0xB780] =	vst v63  }
0x45: {  	_ =	swait.ge [sflag:s13], $0x800  }
0x46: {  	[sflag:s13] =	ssyncset.done $0x0  }
0x47: {  	s12 =	simm.s32 $0x2A00;
	[sflag:s13] =	ssyncadd.s32 $0xFFFFF800  }
0x48: {  	[spmem:s2] =	stream.indirect.scatter.add.f32 [tilespmem:s22], [sflag:$0xD], $0x10, s12, s14, $0xb8;
	[tilespmem:$0xB780] =	vst v63  }
0x49: {  	_ =	swait.ge [sflag:s17], $0x800  }
0x4a: {  	[sflag:s17] =	ssyncset.done $0x0  }
0x4b: {  	s3 =	simm.s32 $0x2A80;
	[sflag:s17] =	ssyncadd.s32 $0xFFFFF800  }
0x4c: {  	[spmem:s2] =	stream.indirect.scatter.add.f32 [tilespmem:s24], [sflag:$0xE], $0x10, s3, s14, $0xb8;
	[tilespmem:$0xB780] =	vst v63  }
0x4d: {  	_ =	swait.ge [sflag:s19], $0x800  }
0x4e: {  	[sflag:s19] =	ssyncset.done $0x0  }
0x4f: {  	s11 =	simm.s32 $0x2B00;
	[sflag:s19] =	ssyncadd.s32 $0xFFFFF800  }
0x50: {  	[spmem:s2] =	stream.indirect.scatter.add.f32 [tilespmem:s26], [sflag:$0xF], $0x10, s11, s14, $0xb8;
	[tilespmem:$0xB780] =	vst v63  }
0x51: {  	_ =	swait.ge [sflag:s21], $0x800  }
0x52: {  	[sflag:s21] =	ssyncset.done $0x0  }
0x53: {  	s12 =	simm.s32 $0x2B80;
	[sflag:s21] =	ssyncadd.s32 $0xFFFFF800  }
0x54: {  	[spmem:s2] =	stream.indirect.scatter.add.f32 [tilespmem:s29], [sflag:$0x10], $0x10, s12, s14, $0xb8;
	[tilespmem:$0xB780] =	vst v63  }
0x55: {  	p0 =	por $0x0, $0x0;
	s6 =	simm.s32 $0x1000;
	_ =	swait.ge [sflag:s23], $0x800  }
0x56: {  	s6 =	simm.s32 @p0 $0x0;
	[sflag:s23] =	ssyncset.done $0x0  }
0x57: {  	s6 =	sshra.s32 s6, $0x2;
	[sflag:s23] =	ssyncadd.s32 $0xFFFFF800  }
0x58: {  	[tilespmem:s15], [sflag:$0x1] =	stream.indirect.gather [hbm4b:s4+s14], $0x10, s6, s14, $0xb8;
	[tilespmem:$0xB780] =	vst v63  }
0x59: {  	s6 =	simm.s32 $0x1200;
	_ =	swait.ge [sflag:s25], $0x800  }
0x5a: {  	s6 =	simm.s32 @p0 $0x200;
	[sflag:s25] =	ssyncset.done $0x0  }
0x5b: {  	s6 =	sshra.s32 s6, $0x2;
	[sflag:s25] =	ssyncadd.s32 $0xFFFFF800  }
0x5c: {  	[tilespmem:s16], [sflag:$0x2] =	stream.indirect.gather [hbm4b:s4+s14], $0x10, s6, s14, $0xb8;
	[tilespmem:$0xB780] =	vst v63  }
0x5d: {  	s6 =	simm.s32 $0x1400;
	_ =	swait.ge [sflag:s28], $0x800  }
0x5e: {  	s6 =	simm.s32 @p0 $0x400;
	[sflag:s28] =	ssyncset.done $0x0  }
0x5f: {  	s6 =	sshra.s32 s6, $0x2;
	[sflag:s28] =	ssyncadd.s32 $0xFFFFF800  }
0x60: {  	[tilespmem:s18], [sflag:$0x3] =	stream.indirect.gather [hbm4b:s4+s14], $0x10, s6, s14, $0xb8;
	[tilespmem:$0xB780] =	vst v63  }
0x61: {  	s6 =	simm.s32 $0x1600;
	_ =	swait.ge [sflag:s5], $0x800  }
0x62: {  	s6 =	simm.s32 @p0 $0x600;
	[sflag:s5] =	ssyncset.done $0x0  }
0x63: {  	s6 =	sshra.s32 s6, $0x2;
	[sflag:s5] =	ssyncadd.s32 $0xFFFFF800  }
0x64: {  	[tilespmem:s20], [sflag:$0x4] =	stream.indirect.gather [hbm4b:s4+s14], $0x10, s6, s14, $0xb8;
	[tilespmem:$0xB780] =	vst v63  }
0x65: {  	s6 =	simm.s32 $0x1800;
	_ =	swait.ge [sflag:s7], $0x800  }
0x66: {  	s6 =	simm.s32 @p0 $0x800;
	[sflag:s7] =	ssyncset.done $0x0  }
0x67: {  	s6 =	sshra.s32 s6, $0x2;
	[sflag:s7] =	ssyncadd.s32 $0xFFFFF800  }
0x68: {  	[tilespmem:s22], [sflag:$0x5] =	stream.indirect.gather [hbm4b:s4+s14], $0x10, s6, s14, $0xb8;
	[tilespmem:$0xB780] =	vst v63  }
0x69: {  	s6 =	simm.s32 $0x1A00;
	_ =	swait.ge [sflag:s8], $0x800  }
0x6a: {  	s6 =	simm.s32 @p0 $0xA00;
	[sflag:s8] =	ssyncset.done $0x0  }
0x6b: {  	s6 =	sshra.s32 s6, $0x2;
	[sflag:s8] =	ssyncadd.s32 $0xFFFFF800  }
0x6c: {  	[tilespmem:s24], [sflag:$0x6] =	stream.indirect.gather [hbm4b:s4+s14], $0x10, s6, s14, $0xb8;
	[tilespmem:$0xB780] =	vst v63  }
0x6d: {  	s6 =	simm.s32 $0x1C00;
	_ =	swait.ge [sflag:s9], $0x800  }
0x6e: {  	s6 =	simm.s32 @p0 $0xC00;
	[sflag:s9] =	ssyncset.done $0x0  }
0x6f: {  	s6 =	sshra.s32 s6, $0x2;
	[sflag:s9] =	ssyncadd.s32 $0xFFFFF800  }
0x70: {  	[tilespmem:s26], [sflag:$0x7] =	stream.indirect.gather [hbm4b:s4+s14], $0x10, s6, s14, $0xb8;
	[tilespmem:$0xB780] =	vst v63  }
0x71: {  	s11 =	simm.s32 $0x1E00;
	_ =	swait.ge [sflag:s10], $0x800  }
0x72: {  	s11 =	simm.s32 @p0 $0xE00;
	[sflag:s10] =	ssyncset.done $0x0  }
0x73: {  	s11 =	sshra.s32 s11, $0x2;
	s6 =	simm.s32 $0x2E00;
	[sflag:s10] =	ssyncadd.s32 $0xFFFFF800  }
.LBB2_2:
0x74: {  	[tilespmem:s29], [sflag:$0x8] =	stream.indirect.gather [hbm4b:s4+s14], $0x10, s11, s14, $0xb8;
	[tilespmem:$0xB780] =	vst v63  }
0x75: {  	s11 =	smov.u32 s6  }
0x76: {  	p0 =	sne.s32 s6, $0xAE00;
	s6 =	sadd.s32 $0x1000, s6;
	_ =	swait.ge [sflag:s30], $0x800  }
0x77: {  	s12 =	sshra.s32 s11, $0x2;
	[sflag:s30] =	ssyncset.done $0x0  }
0x78: {  	s3 =	sadd.s32 $0x2080, s12;
	[sflag:s30] =	ssyncadd.s32 $0xFFFFF800  }
0x79: {  	[spmem:s2] =	stream.indirect.scatter.add.f32 [tilespmem:s15], [sflag:$0x9], $0x10, s3, s14, $0xb8;
	[tilespmem:$0xB780] =	vst v63  }
0x7a: {  	_ =	swait.ge [sflag:s31], $0x800  }
0x7b: {  	[sflag:s31] =	ssyncset.done $0x0  }
0x7c: {  	s3 =	sadd.s32 $0x2100, s12;
	[sflag:s31] =	ssyncadd.s32 $0xFFFFF800  }
0x7d: {  	[spmem:s2] =	stream.indirect.scatter.add.f32 [tilespmem:s16], [sflag:$0xA], $0x10, s3, s14, $0xb8;
	[tilespmem:$0xB780] =	vst v63  }
0x7e: {  	_ =	swait.ge [sflag:s1], $0x800  }
0x7f: {  	[sflag:s1] =	ssyncset.done $0x0  }
0x80: {  	s3 =	sadd.s32 $0x2180, s12;
	[sflag:s1] =	ssyncadd.s32 $0xFFFFF800  }
0x81: {  	[spmem:s2] =	stream.indirect.scatter.add.f32 [tilespmem:s18], [sflag:$0xB], $0x10, s3, s14, $0xb8;
	[tilespmem:$0xB780] =	vst v63  }
0x82: {  	_ =	swait.ge [sflag:s0], $0x800  }
0x83: {  	[sflag:s0] =	ssyncset.done $0x0  }
0x84: {  	s3 =	sadd.s32 $0x2200, s12;
	[sflag:s0] =	ssyncadd.s32 $0xFFFFF800  }
0x85: {  	[spmem:s2] =	stream.indirect.scatter.add.f32 [tilespmem:s20], [sflag:$0xC], $0x10, s3, s14, $0xb8;
	[tilespmem:$0xB780] =	vst v63  }
0x86: {  	_ =	swait.ge [sflag:s13], $0x800  }
0x87: {  	[sflag:s13] =	ssyncset.done $0x0  }
0x88: {  	s3 =	sadd.s32 $0x2280, s12;
	[sflag:s13] =	ssyncadd.s32 $0xFFFFF800  }
0x89: {  	[spmem:s2] =	stream.indirect.scatter.add.f32 [tilespmem:s22], [sflag:$0xD], $0x10, s3, s14, $0xb8;
	[tilespmem:$0xB780] =	vst v63  }
0x8a: {  	_ =	swait.ge [sflag:s17], $0x800  }
0x8b: {  	[sflag:s17] =	ssyncset.done $0x0  }
0x8c: {  	s3 =	sadd.s32 $0x2300, s12;
	[sflag:s17] =	ssyncadd.s32 $0xFFFFF800  }
0x8d: {  	[spmem:s2] =	stream.indirect.scatter.add.f32 [tilespmem:s24], [sflag:$0xE], $0x10, s3, s14, $0xb8;
	[tilespmem:$0xB780] =	vst v63  }
0x8e: {  	_ =	swait.ge [sflag:s19], $0x800  }
0x8f: {  	[sflag:s19] =	ssyncset.done $0x0  }
0x90: {  	s3 =	sadd.s32 $0x2380, s12;
	[sflag:s19] =	ssyncadd.s32 $0xFFFFF800  }
0x91: {  	[spmem:s2] =	stream.indirect.scatter.add.f32 [tilespmem:s26], [sflag:$0xF], $0x10, s3, s14, $0xb8;
	[tilespmem:$0xB780] =	vst v63  }
0x92: {  	_ =	swait.ge [sflag:s21], $0x800  }
0x93: {  	[sflag:s21] =	ssyncset.done $0x0  }
0x94: {  	s3 =	sadd.s32 $0x2400, s12;
	s12 =	sadd.s32 $0xFFFFFC00, s11;
	[sflag:s21] =	ssyncadd.s32 $0xFFFFF800  }
0x95: {  	[spmem:s2] =	stream.indirect.scatter.add.f32 [tilespmem:s29], [sflag:$0x10], $0x10, s3, s14, $0xb8;
	[tilespmem:$0xB780] =	vst v63  }
0x96: {  	p1 =	seq.s32 s11, $0xAE00;
	s3 =	sadd.s32 $0xFFFFF200, s11;
	_ =	swait.ge [sflag:s23], $0x800  }
0x97: {  	s12 =	simm.s32 @p1 $0xA00;
	s3 =	simm.s32 @p1 $0x0;
	[sflag:s23] =	ssyncset.done $0x0  }
0x98: {  	s3 =	sshra.s32 s3, $0x2;
	[sflag:s23] =	ssyncadd.s32 $0xFFFFF800  }
0x99: {  	[tilespmem:s15], [sflag:$0x1] =	stream.indirect.gather [hbm4b:s4+s14], $0x10, s3, s14, $0xb8;
	[tilespmem:$0xB780] =	vst v63  }
0x9a: {  	s3 =	sadd.s32 $0xFFFFF400, s11;
	_ =	swait.ge [sflag:s25], $0x800  }
0x9b: {  	s3 =	simm.s32 @p1 $0x200;
	[sflag:s25] =	ssyncset.done $0x0  }
0x9c: {  	s3 =	sshra.s32 s3, $0x2;
	[sflag:s25] =	ssyncadd.s32 $0xFFFFF800  }
0x9d: {  	[tilespmem:s16], [sflag:$0x2] =	stream.indirect.gather [hbm4b:s4+s14], $0x10, s3, s14, $0xb8;
	[tilespmem:$0xB780] =	vst v63  }
0x9e: {  	s3 =	sadd.s32 $0xFFFFF600, s11;
	_ =	swait.ge [sflag:s28], $0x800  }
0x9f: {  	s3 =	simm.s32 @p1 $0x400;
	[sflag:s28] =	ssyncset.done $0x0  }
0xa0: {  	s3 =	sshra.s32 s3, $0x2;
	[sflag:s28] =	ssyncadd.s32 $0xFFFFF800  }
0xa1: {  	[tilespmem:s18], [sflag:$0x3] =	stream.indirect.gather [hbm4b:s4+s14], $0x10, s3, s14, $0xb8;
	[tilespmem:$0xB780] =	vst v63  }
0xa2: {  	s3 =	sadd.s32 $0xFFFFF800, s11;
	_ =	swait.ge [sflag:s5], $0x800  }
0xa3: {  	s3 =	simm.s32 @p1 $0x600;
	[sflag:s5] =	ssyncset.done $0x0  }
0xa4: {  	s3 =	sshra.s32 s3, $0x2;
	[sflag:s5] =	ssyncadd.s32 $0xFFFFF800  }
0xa5: {  	[tilespmem:s20], [sflag:$0x4] =	stream.indirect.gather [hbm4b:s4+s14], $0x10, s3, s14, $0xb8;
	[tilespmem:$0xB780] =	vst v63  }
0xa6: {  	s3 =	sadd.s32 $0xFFFFFA00, s11;
	_ =	swait.ge [sflag:s7], $0x800  }
0xa7: {  	s3 =	simm.s32 @p1 $0x800;
	[sflag:s7] =	ssyncset.done $0x0  }
0xa8: {  	s3 =	sshra.s32 s3, $0x2;
	[sflag:s7] =	ssyncadd.s32 $0xFFFFF800  }
0xa9: {  	[tilespmem:s22], [sflag:$0x5] =	stream.indirect.gather [hbm4b:s4+s14], $0x10, s3, s14, $0xb8;
	[tilespmem:$0xB780] =	vst v63  }
0xaa: {  	_ =	swait.ge [sflag:s8], $0x800  }
0xab: {  	[sflag:s8] =	ssyncset.done $0x0  }
0xac: {  	s3 =	sshra.s32 s12, $0x2;
	[sflag:s8] =	ssyncadd.s32 $0xFFFFF800  }
0xad: {  	[tilespmem:s24], [sflag:$0x6] =	stream.indirect.gather [hbm4b:s4+s14], $0x10, s3, s14, $0xb8;
	[tilespmem:$0xB780] =	vst v63  }
0xae: {  	s3 =	sadd.s32 $0xFFFFFE00, s11;
	_ =	swait.ge [sflag:s9], $0x800  }
0xaf: {  	s3 =	simm.s32 @p1 $0xC00;
	[sflag:s9] =	ssyncset.done $0x0  }
.Ltmp0:
0xb0: {  	s3 =	sshra.s32 s3, $0x2;
	[sflag:s9] =	ssyncadd.s32 $0xFFFFF800;
	(pc) =	sbr.rel @p0 .LBB2_2-.Ltmp0, $4  }
0xb1: {  	[tilespmem:s26], [sflag:$0x7] =	stream.indirect.gather [hbm4b:s4+s14], $0x10, s3, s14, $0xb8;
	[tilespmem:$0xB780] =	vst v63  }
0xb2: {  	_ =	swait.ge [sflag:s10], $0x800  }
0xb3: {  	s11 =	simm.s32 @p1 $0xE00;
	[sflag:s10] =	ssyncset.done $0x0  }
0xb4: {  	s11 =	sshra.s32 s11, $0x2;
	[sflag:s10] =	ssyncadd.s32 $0xFFFFF800  }
0xb5: {  	[tilespmem:s29], [sflag:$0x8] =	stream.indirect.gather [hbm4b:s4+s14], $0x10, s11, s14, $0xb8;
	[tilespmem:$0xB780] =	vst v63  }
0xb6: {  	_ =	swait.ge [sflag:s30], $0x800  }
0xb7: {  	[sflag:s30] =	ssyncset.done $0x0  }
0xb8: {  	[sflag:s30] =	ssyncadd.s32 $0xFFFFF800  }
0xb9: {  	_ =	swait.ge [sflag:s31], $0x800  }
0xba: {  	[sflag:s31] =	ssyncset.done $0x0  }
0xbb: {  	[sflag:s31] =	ssyncadd.s32 $0xFFFFF800  }
0xbc: {  	_ =	swait.ge [sflag:s1], $0x800  }
0xbd: {  	[sflag:s1] =	ssyncset.done $0x0  }
0xbe: {  	[sflag:s1] =	ssyncadd.s32 $0xFFFFF800  }
0xbf: {  	_ =	swait.ge [sflag:s0], $0x800  }
0xc0: {  	[sflag:s0] =	ssyncset.done $0x0  }
0xc1: {  	[sflag:s0] =	ssyncadd.s32 $0xFFFFF800  }
0xc2: {  	_ =	swait.ge [sflag:s13], $0x800  }
0xc3: {  	[sflag:s13] =	ssyncset.done $0x0  }
0xc4: {  	[sflag:s13] =	ssyncadd.s32 $0xFFFFF800  }
0xc5: {  	_ =	swait.ge [sflag:s17], $0x800  }
0xc6: {  	[sflag:s17] =	ssyncset.done $0x0  }
0xc7: {  	[sflag:s17] =	ssyncadd.s32 $0xFFFFF800  }
0xc8: {  	_ =	swait.ge [sflag:s19], $0x800  }
0xc9: {  	[sflag:s19] =	ssyncset.done $0x0  }
0xca: {  	[sflag:s19] =	ssyncadd.s32 $0xFFFFF800  }
0xcb: {  	_ =	swait.ge [sflag:s21], $0x800  }
0xcc: {  	[sflag:s21] =	ssyncset.done $0x0  }
0xcd: {  	[sflag:s21] =	ssyncadd.s32 $0xFFFFF800  }
0xce: {  	[bflag:$0x0] =	sbarrier.arrive $0xFFFF  }
0xcf: {  	s12 =	rddreg [dreg:$0x5]  }
0xd0: {  	s3 =	rddreg [dreg:$0x8]  }
0xd1: {  	s6 =	rddreg [dreg:$0xa]  }
0xd2: {  	[hbm:s3], [sflag:s12] =	dma.local [spmem:s6], $0x4F0  }
0xd3: {  	s12 =	simm.s32 $0x11  }
0xd4: {  	_ =	swait.ge [sflag:s12], $0x4F0  }
0xd5: {  	s3 =	rddreg [dreg:$0xb]  }
0xd6: {  	s11 =	sadd.s32 $0x1, s3;
	s3 =	rddreg [dreg:$0x9]  }
0xd7: {  	p0 =	sne.s32 s11, s3  }
.Ltmp1:
0xd8: {  	_ = 	snop;
	(pc) =	sbr.rel @p0 .LBB2_1-.Ltmp1, $3  }
0xd9: {  	_ =	sdelay $0x1  }
0xda: {  	[sflag:s12] =	ssyncset.done $0x0;
	[dreg:$0xb] =	wrdreg s11  }
0xdb: {  	[sflag:s12] =	ssyncadd.s32 $0xFFFFFB10;
	s11 =	rddreg [dreg:$0x5]  }
0xdc: {  	_ =	sfence.sel $0x180000  }
0xdd: {  	[bflag:$0x0] =	sbarrier.arrive $0xFFFF  }
0xde: {  	_ =	strace $0x9000004D  }
0xdf: {  	s0 =	stileid.u32;
	[bflag:$0x2] =	sbarrier.arrive $0xFFFF  }
0xe0: {  	p0 =	sne.s32 s0, $0x0;
	s0 =	rddreg [dreg:$0x3]  }
0xe1: {  	s0 =	sadd.s32 @!p0 $0x100000, s0  }
0xe2: {  	[sflag:s0] =	ssyncadd.tile.s32 @!p0 $0x1;
	_ =	shalt  }
.Lfunc_end2:
_tile_overlayer_lowered:
.L_overlay_start_2:
0xe3: {  	(tag) =	ssettag $0x2  }
0xe4: {  	s0 =	rddreg [dreg:$0x0];
	s2 =	stileid.u32  }
0xe5: {  	s1 =	rddreg [dreg:$0x1];
	p0 =	sne.s32 s2, $0x0  }
0xe6: {  	s3 =	rddreg [dreg:$0x2];
	[bflag:$0x3] =	sbarrier.arrive $0xFFFF;
	s2 =	simm.s32 @!p0 $0x1C11  }
0xe7: {  	[timem:s3], [sflag:s2] =	dma.local @!p0 [hbm:s0], s1  }
0xe8: {  	s0 =	simm.s32 @!p0 $0x11  }
0xe9: {  	_ =	swait.ge @!p0 [sflag:s0], s1  }
0xea: {  	s1 =	ssub.s32 @!p0 $0x0, s1;
	[sflag:s0] =	ssyncset.done @!p0 $0x0  }
0xeb: {  	[sflag:s0] =	ssyncadd.s32 @!p0 s1  }
0xec: {  	[bflag:$0x3] =	sbarrier.arrive $0xFFFF  }
0xed: {  	_ =	shalt  }

// kernel: kernel.8.cloned.1.call-start
scs
__scs_entry_jumppad:
0x0: {  	(pc) =	sbr.rel $0x88, $3  }
0x1: {  	(tag) =	ssettag $0x0;
	lr =	simm.s32 $0x1  }
0x2: {  	[smem:$0x3F95] =	sst lr;
	_ =	strace $0xD0000000  }
0x3: {  	_ = 	snop  }
0x4: {  	_ = 	snop  }
0x5: {  	_ = 	snop  }
0x6: {  	_ = 	snop  }
0x7: {  	_ = 	snop  }
__scs_overlays_trampoline_lowered:
0x8: {  	[smem:$0x3FA4] =	sst s0  }
0x9: {  	[smem:$0x3FA5] =	sst s1  }
0xa: {  	[smem:$0x3FA6] =	sst s2  }
0xb: {  	[smem:$0x3FA7] =	sst s3  }
0xc: {  	[smem:$0x3FA8] =	sst s4  }
0xd: {  	[smem:$0x3FA9] =	sst s5  }
0xe: {  	[smem:$0x3FAA] =	sst s6  }
0xf: {  	[smem:$0x3FAB] =	sst s7  }
0x10: {  	[smem:$0x3FAC] =	sst s8  }
0x11: {  	[smem:$0x3FAD] =	sst s9;
	s0 =	simm.s32 @!p0 $0x0  }
0x12: {  	s1 =	sld [smem:$0x3F93];
	s0 =	simm.s32 @p0 $0x1  }
0x13: {  	[smem:$0x3FAE] =	sst s0;
	s0 =	simm.s32 @!p1 $0x0  }
0x14: {  	s2 =	sld [smem:$0x3F92];
	s0 =	simm.s32 @p1 $0x1  }
0x15: {  	[smem:$0x3FAF] =	sst s0;
	s0 =	simm.s32 @!p2 $0x0  }
0x16: {  	s3 =	sld [smem:$0x3FDB];
	s0 =	simm.s32 @p2 $0x1  }
0x17: {  	s4 =	simm.s32 $0x1BF5;
	[smem:$0x3FB1] =	sst s0  }
0x18: {  	s0 =	sld [smem:$0x3F94];
	_ =	swait.ge [sflag:s4], $0x0  }
0x19: {  	s7 =	sld [smem:$0x3F95]  }
0x1a: {  	s8 =	sadd.s32 $0xFFFFE003, lr  }
0x1b: {  	s9 =	sadd.s32 $0xFFFFFEF7, lr;
	s5 =	simm.s32 $0xFFFFFFFF;
	p2 =	slt.u32 s8, $0xFFFFF086  }
0x1c: {  	p1 =	slt.u32 s9, $0xF7A;
	s5 =	simm.s32 @!p2 $0x0  }
0x1d: {  	s5 =	simm.s32 @p1 $0x1;
	p0 =	seq.s32 s7, s2  }
0x1e: {  	s7 =	smul.u32 @!p0 $0xF7A, s2;
	p2 =	seq.s32 @!p0 s5, $0x0  }
0x1f: {  	s9 =	smul.u32 $0xF7A, s1;
	s8 =	simm.s32 @!p0 $0x1BF5;
	p2 =	por !p2, p0  }
0x20: {  	[sflag:s8] =	ssyncset.s32 @!p0 $0xFFFFF086;
	s6 =	sadd.s32 @!p0 s3, s7;
	s7 =	simm.s32 @!p0 $0x108  }
0x21: {  	s3 =	sadd.s32 s3, s9;
	s6 =	sadd.s32 @!p0 $0x88, s6;
	s7 =	simm.s32 @p2 $0x1082  }
0x22: {  	[simem:s7], [sflag:s8] =	dma.local @!p0 [hbm:s6], $0xF7A  }
0x23: {  	s9 =	sor.u32 $0xD0000000, s2;
	s6 =	simm.s32 $0x108;
	_ =	swait.ge @!p0 [sflag:s8], $0x0  }
0x24: {  	s3 =	sadd.s32 $0x88, s3;
	s6 =	simm.s32 @!p1 $0x1082;
	[sflag:s4] =	ssyncset.s32 $0xFFFFF086  }
0x25: {  	[simem:s6], [sflag:s4] =	dma.local [hbm:s3], $0xF7A  }
0x26: {  	[smem:$0x3F95] =	sst s1;
	(tag) =	ssettag s2;
	_ =	strace s9  }
0x27: {  	s1 =	sld [smem:$0x3FA5]  }
0x28: {  	s2 =	sld [smem:$0x3FA6]  }
0x29: {  	s4 =	sld [smem:$0x3FA8]  }
0x2a: {  	p0 =	seq.s32 s5, $0x0;
	s5 =	sld [smem:$0x3FA9]  }
0x2b: {  	s6 =	sld [smem:$0x3FAA]  }
0x2c: {  	s7 =	sld [smem:$0x3FAB]  }
0x2d: {  	s3 =	simm.s32 $0x108;
	s8 =	sld [smem:$0x3FAC]  }
0x2e: {  	s3 =	simm.s32 @!p0 $0x1082;
	s9 =	sld [smem:$0x3FAD]  }
0x2f: {  	lr =	sadd.s32 s0, s3;
	s0 =	sld [smem:$0x3FA4]  }
0x30: {  	s3 =	sld [smem:$0x3FA7]  }
0x31: {  	[smem:$0x3FB0] =	sst s10  }
0x32: {  	s10 =	sld [smem:$0x3FAE];
	_ =	sdelay $0x3  }
0x33: {  	p0 =	seq.s32 s10, $0x1;
	s10 =	sld [smem:$0x3FB0];
	_ =	sdelay $0x3  }
0x34: {  	[smem:$0x3FB0] =	sst s10  }
0x35: {  	s10 =	sld [smem:$0x3FAF];
	_ =	sdelay $0x3  }
0x36: {  	p1 =	seq.s32 s10, $0x1;
	s10 =	sld [smem:$0x3FB0];
	_ =	sdelay $0x3  }
0x37: {  	[smem:$0x3FB0] =	sst s10  }
0x38: {  	s10 =	sld [smem:$0x3FB1]  }
0x39: {  	_ = 	snop;
	(pc) =	sbr.ind lr, $3  }
0x3a: {  	_ = 	snop  }
0x3b: {  	_ = 	snop  }
0x3c: {  	p2 =	seq.s32 s10, $0x1;
	s10 =	sld [smem:$0x3FB0]  }
0x3d: {  	_ =	shalt  }
0x3e: {  	_ =	shalt  }
0x3f: {  	_ =	shalt  }
0x40: {  	_ =	shalt  }
0x41: {  	_ =	shalt  }
0x42: {  	_ =	shalt  }
0x43: {  	_ =	shalt  }
0x44: {  	_ =	shalt  }
0x45: {  	_ =	shalt  }
0x46: {  	_ =	shalt  }
0x47: {  	_ =	shalt  }
0x48: {  	_ =	shalt  }
0x49: {  	_ =	shalt  }
0x4a: {  	_ =	shalt  }
0x4b: {  	_ =	shalt  }
0x4c: {  	_ =	shalt  }
0x4d: {  	_ =	shalt  }
0x4e: {  	_ =	shalt  }
0x4f: {  	_ =	shalt  }
0x50: {  	_ =	shalt  }
0x51: {  	_ =	shalt  }
0x52: {  	_ =	shalt  }
0x53: {  	_ =	shalt  }
0x54: {  	_ =	shalt  }
0x55: {  	_ =	shalt  }
0x56: {  	_ =	shalt  }
0x57: {  	_ =	shalt  }
0x58: {  	_ =	shalt  }
0x59: {  	_ =	shalt  }
0x5a: {  	_ =	shalt  }
0x5b: {  	_ =	shalt  }
0x5c: {  	_ =	shalt  }
0x5d: {  	_ =	shalt  }
0x5e: {  	_ =	shalt  }
0x5f: {  	_ =	shalt  }
0x60: {  	_ =	shalt  }
0x61: {  	_ =	shalt  }
0x62: {  	_ =	shalt  }
0x63: {  	_ =	shalt  }
0x64: {  	_ =	shalt  }
0x65: {  	_ =	shalt  }
0x66: {  	_ =	shalt  }
0x67: {  	_ =	shalt  }
0x68: {  	_ =	shalt  }
0x69: {  	_ =	shalt  }
0x6a: {  	_ =	shalt  }
0x6b: {  	_ =	shalt  }
0x6c: {  	_ =	shalt  }
0x6d: {  	_ =	shalt  }
0x6e: {  	_ =	shalt  }
0x6f: {  	_ =	shalt  }
0x70: {  	_ =	shalt  }
0x71: {  	_ =	shalt  }
0x72: {  	_ =	shalt  }
0x73: {  	_ =	shalt  }
0x74: {  	_ =	shalt  }
0x75: {  	_ =	shalt  }
0x76: {  	_ =	shalt  }
0x77: {  	_ =	shalt  }
0x78: {  	_ =	shalt  }
0x79: {  	_ =	shalt  }
0x7a: {  	_ =	shalt  }
0x7b: {  	_ =	shalt  }
0x7c: {  	_ =	shalt  }
0x7d: {  	_ =	shalt  }
0x7e: {  	_ =	shalt  }
0x7f: {  	_ =	shalt  }
0x80: {  	_ =	shalt  }
0x81: {  	_ =	shalt  }
0x82: {  	_ =	shalt  }
0x83: {  	_ =	shalt  }
0x84: {  	_ =	shalt  }
0x85: {  	_ =	shalt  }
0x86: {  	_ =	shalt  }
0x87: {  	_ =	shalt  }
.Lfunc_end0:
.L_simem_size_0:
called_computation_lowered:
.L_overlay_start_0:
0x88: {  	s2 =	sld [smem:$0x3FD9]  }
0x89: {  	s3 =	sld [smem:$0x3FFE];
	_ =	sdelay $0x1  }
0x8a: {  	s1 =	srdreg.scid  }
0x8b: {  	s0 =	sand.u32 $0x1, s1  }
0x8c: {  	s16 =	sshll.u32 s0, $0xA;
	s2 =	sadd.s32 s3, s2  }
0x8d: {  	s2 =	sadd.s32 s2, s16  }
0x8e: {  	[smem:$0x3FBC] =	sst s2  }
0x8f: {  	_ = 	snop  }
0x90: {  	(tm) =	ssettm $0x1  }
0x91: {  	s17 =	sld [smem:$0x3FFB];
	_ =	sdelay $0x3  }
0x92: {  	_ =	strace s17  }
0x93: {  	s2 =	sld [smem:$0x3FFC];
	_ =	sdelay $0x3  }
0x94: {  	_ =	strace s2  }
0x95: {  	s2 =	sld [smem:$0x3FFD];
	_ =	sdelay $0x3  }
0x96: {  	_ =	strace s2  }
0x97: {  	_ =	strace $0x8FFFFFFF  }
0x98: {  	s18 =	sld [smem:$0x3FDB];
	_ =	sdelay $0x1  }
0x99: {  	s19 =	simm.s32 $_scs_section_size  }
0x9a: {  	s4 =	simm.s32 $_size__tile_overlayer_lowered;
	s5 =	simm.s32 $_tile_overlayer_lowered  }
0x9b: {  	s22 =	simm.s32 $0x1BFF;
	s21 =	sshll.u32 s5, $0x1;
	s2 =	sadd.s32 s19, s18  }
0x9c: {  	s6 =	simm.s32 $0x0;
	s20 =	sshll.u32 s4, $0x1;
	s4 =	sadd.s32 s21, s2  }
0x9d: {  	[timem:s6], [sflag:s22] =	dma.local [hbm:s4], s20  }
0x9e: {  	_ =	swait.ge [sflag:s22], s20  }
0x9f: {  	s3 =	ssub.s32 $0x0, s20;
	[sflag:s22] =	ssyncset.done $0x0  }
0xa0: {  	[sflag:s22] =	ssyncadd.s32 s3;
	_ =	sdelay $0x1  }
0xa1: {  	s23 =	simm.s32 $0x1B8B  }
0xa2: {  	_ =	swait.ge [sflag:s23], $0x1  }
0xa3: {  	[sflag:s23] =	ssyncset.done $0x0  }
0xa4: {  	s25 =	simm.s32 $0x1B8E;
	s24 =	sld [smem:$0x3FFE];
	[sflag:s23] =	ssyncadd.s32 $0xFFFFFFFF  }
0xa5: {  	s26 =	simm.s32 $execute0_lowered;
	[smem:$0x3FD2] =	sst s25  }
0xa6: {  	s4 =	sshll.u32 s26, $0x1;
	_ =	strace $0x80000046;
	[dreg:$0x1] =	wrdreg $0xFFFFFFFF  }
0xa7: {  	s28 =	simm.s32 $_size_execute0_lowered;
	s2 =	sadd.s32 s2, s4;
	[dreg:$0x0] =	wrdreg $0x0  }
0xa8: {  	s4 =	sshll.u32 s28, $0x1;
	[dreg:$0x2] =	wrdreg s2  }
0xa9: {  	[dreg:$0x3] =	wrdreg s4  }
0xaa: {  	[dreg:$0x4] =	wrdreg $0xC0  }
0xab: {  	_ =	task [dreg:s6], $0x5FFFF  }
0xac: {  	[dreg:$0x1] =	wrdreg $0xFFFFFFFF  }
0xad: {  	[dreg:$0x0] =	wrdreg $0x60  }
0xae: {  	[dreg:$0x2] =	wrdreg s24  }
0xaf: {  	[dreg:$0x3] =	wrdreg $0x30000  }
0xb0: {  	[dreg:$0x4] =	wrdreg $0x9  }
0xb1: {  	_ =	task.clear_ibuf [dreg:s6], $0x5FFFF;
	_ =	strace $0x90000046  }
0xb2: {  	s29 =	simm.s32 $0x9;
	_ =	strace $0x80000048  }
0xb3: {  	_ =	swait.ge [sflag:s29], $0x1  }
0xb4: {  	[sflag:s29] =	ssyncadd.s32 $0xFFFFFFFF  }
0xb5: {  	_ =	strace $0x90000048  }
0xb6: {  	_ =	sfence  }
0xb7: {  	s30 =	sld [smem:$0x0];
	_ =	sdelay $0x2  }
0xb8: {  	s31 =	sshll.u32 s1, $0xD;
	s1 =	sshrl.u32 s1, $0x2  }
0xb9: {  	s3 =	sand.u32 $0x4000, s31;
	s1 =	sadd.s32 s1, s30  }
0xba: {  	s0 =	sor.u32 s3, s0;
	s1 =	sshll.u32 s1, $0x11  }
0xbb: {  	s0 =	sor.u32 s1, s0  }
0xbc: {  	s0 =	sadd.s32 $0x8F2B, s0  }
0xbd: {  	[sflag:s0] =	ssyncadd.remote.s32 $0x1  }
0xbe: {  	_ =	sfence.sel $0xFFFF  }
0xbf: {  	[dreg:$0x0] =	wrdreg $0xFFFFFFFF;
	(pc) =	sbr.abs _section_cstart, $3  }
0xc0: {  	[dreg:$0x1] =	wrdreg $0xFFFFFFFF  }
0xc1: {  	_ =	task.clear_ibuf [dreg:s6], $0x2FFFF;
	_ =	strace $0x9FFFFFFF  }
0xc2: {  	(tm) =	ssettm $0x7FFFFFFF  }
0xc3: {  	_ =	shalt  }
tec
execute0_lowered:
.L_overlay_start_1:
0x0: {  	(tag) =	ssettag $0x1  }
0x1: {  	s1 =	srdreg.scid  }
0x2: {  	s0 =	stileid.u32;
	s6 =	rddreg [dreg:$0x0]  }
0x3: {  	s2 =	rddreg [dreg:$0x1];
	s3 =	simm.s32 $0x0;
	s13 =	simm.s32 $0x80  }
0x4: {  	s14 =	simm.s32 $0x0;
	s5 =	sand.u32 $0x1, s1;
	s30 =	sshll.u32 s0, $0x1  }
0x5: {  	s7 =	smul.u32 $0x2780, s0;
	[smem:$0x7FF] =	sst s3;
	s31 =	sshll.u32 s0, $0x6  }
0x6: {  	s1 =	sor.u32 s5, s30;
	s8 =	smul.u32 $0x27800, s5;
	s5 =	ssub.s32 $0x2, s5  }
0x7: {  	s4 =	smul.u32 $0x500, s1;
	s1 =	rddreg [dreg:$0x2];
	_ =	strace $0x80000047  }
0x8: {  	s10 =	sshrl.u32 s7, $0x3;
	s11 =	sshrl.u32 s5, $0x1;
	s12 =	sadd.s32 s7, s2  }
0x9: {  	s8 =	sadd.s32 s7, s8;
	s10 =	sadd.s32 s10, s6;
	s11 =	ssub.s32 s5, s11  }
0xa: {  	s9 =	sadd.s32 s4, s6;
	s4 =	sadd.s32 $0x11200, s6;
	s8 =	sshrl.u32 s8, $0x3  }
0xb: {  	s5 =	sadd.s32 $0xC200, s10;
	s10 =	sshrl.u32 s12, $0x3;
	s12 =	simm.s32 $0x2800  }
0xc: {  	s8 =	sadd.s32 s8, s6;
	s6 =	sor.u32 $0x1C01, s31;
	s7 =	sadd.s32 $0x2200, s9  }
0xd: {  	s9 =	smax.u32 s11, $0x1;
	s11 =	simm.s32 $0x1;
	s8 =	sadd.s32 $0x11400, s8  }
.LBB2_1:
0xe: {  	[spmem:s10], [sflag:s6] =	dma.local [hbm:s5], $0x4F0  }
0xf: {  	_ =	swait.ge [sflag:s11], $0x4F0  }
0x10: {  	[sflag:s11] =	ssyncset.done $0x0  }
0x11: {  	[sflag:s11] =	ssyncadd.s32 $0xFFFFFB10  }
0x12: {  	[tilespmem:s3], [sflag:$0x1] =	stream.linear.gather [hbm4b:s7+s3], $0x2800, $0x38;
	[tilespmem:$0x5780] =	vst v63  }
0x13: {  	_ =	swait.ge [sflag:s11], $0x2800  }
0x14: {  	[sflag:s11] =	ssyncset.done $0x0  }
0x15: {  	[sflag:s11] =	ssyncadd.s32 $0xFFFFD800  }
0x16: {  	[tilespmem:s12], [sflag:$0x1] =	stream.linear.gather [hbm4b:s4+s3], $0x800, $0x38;
	[tilespmem:$0x5780] =	vst v63  }
0x17: {  	_ =	swait.ge [sflag:s11], $0x800  }
0x18: {  	[sflag:s11] =	ssyncset.done $0x0  }
0x19: {  	[sflag:s11] =	ssyncadd.s32 $0xFFFFF800  }
0x1a: {  	s15 =	simm.s32 $0x0;
	[bflag:$0x0] =	sbarrier.arrive $0xFFFF  }
0x1b: {  	[spmem:s2] =	stream.indirect.scatter.add.f32 [tilespmem:s12], [sflag:$0x1], $0x10, s15, s13, $0xb8;
	[tilespmem:$0x5780] =	vst v63  }
0x1c: {  	_ =	swait.ge [sflag:s11], $0x800  }
0x1d: {  	s15 =	simm.s32 $0x200;
	[sflag:s11] =	ssyncset.done $0x0  }
.LBB2_2:
0x1e: {  	s16 =	sshra.s32 s15, $0x2;
	[sflag:s11] =	ssyncadd.s32 $0xFFFFF800;
	p0 =	sne.s32 s15, $0x9E00  }
0x1f: {  	[spmem:s2] =	stream.indirect.scatter.add.f32 [tilespmem:s12], [sflag:$0x1], $0x10, s16, s13, $0xb8;
	[tilespmem:$0x5780] =	vst v63  }
.Ltmp0:
0x20: {  	_ = 	snop;
	(pc) =	sbr.rel @p0 .LBB2_2-.Ltmp0, $4  }
0x21: {  	_ = 	snop  }
0x22: {  	s15 =	sadd.s32 $0x200, s15  }
0x23: {  	_ =	swait.ge [sflag:s11], $0x800  }
0x24: {  	[sflag:s11] =	ssyncset.done $0x0  }
0x25: {  	s14 =	sadd.s32 $0x1, s14  }
0x26: {  	[sflag:s11] =	ssyncadd.s32 $0xFFFFF800;
	p0 =	sne.s32 s14, s9  }
.Ltmp1:
0x27: {  	[bflag:$0x0] =	sbarrier.arrive $0xFFFF;
	(pc) =	sbr.rel @p0 .LBB2_1-.Ltmp1, $4  }
0x28: {  	[hbm:s8], [sflag:s6] =	dma.local [spmem:s10], $0x4F0  }
0x29: {  	_ =	swait.ge [sflag:s11], $0x4F0  }
0x2a: {  	[sflag:s11] =	ssyncset.done $0x0  }
0x2b: {  	[sflag:s11] =	ssyncadd.s32 $0xFFFFFB10  }
0x2c: {  	_ =	sfence.sel $0x180000  }
0x2d: {  	[bflag:$0x0] =	sbarrier.arrive $0xFFFF  }
0x2e: {  	p0 =	sne.s32 s0, $0x0;
	_ =	strace $0x90000047  }
0x2f: {  	s0 =	sadd.s32 @!p0 $0x100000, s1;
	[bflag:$0x2] =	sbarrier.arrive $0xFFFF  }
0x30: {  	[sflag:s0] =	ssyncadd.tile.s32 @!p0 $0x1;
	_ =	shalt  }
.Lfunc_end2:
_tile_overlayer_lowered:
.L_overlay_start_2:
0x31: {  	(tag) =	ssettag $0x2  }
0x32: {  	s0 =	rddreg [dreg:$0x0];
	s2 =	stileid.u32  }
0x33: {  	s1 =	rddreg [dreg:$0x1];
	p0 =	sne.s32 s2, $0x0  }
0x34: {  	s3 =	rddreg [dreg:$0x2];
	[bflag:$0x3] =	sbarrier.arrive $0xFFFF;
	s2 =	simm.s32 @!p0 $0x1C01  }
0x35: {  	[timem:s3], [sflag:s2] =	dma.local @!p0 [hbm:s0], s1  }
0x36: {  	s0 =	simm.s32 @!p0 $0x1  }
0x37: {  	_ =	swait.ge @!p0 [sflag:s0], s1  }
0x38: {  	s1 =	ssub.s32 @!p0 $0x0, s1;
	[sflag:s0] =	ssyncset.done @!p0 $0x0  }
0x39: {  	[sflag:s0] =	ssyncadd.s32 @!p0 s1  }
0x3a: {  	[bflag:$0x3] =	sbarrier.arrive $0xFFFF  }
0x3b: {  	_ =	shalt  }

</sc_bundles>
